<compile_context>
chip_gen: v7x
topology: tpu7x:2x2x1
jax: 0.10.2.dev20260603
libtpu: 0.0.44.dev20260713+nightly
codegen_flags: <defaults>
</compile_context>

<pallas_src>
import functools

import numpy as np

import jax
import jax.numpy as jnp
from jax import lax
from jax.experimental import pallas as pl
from jax.experimental.pallas import tpu as pltpu
from jax.experimental.pallas import tpu_sc as plsc

VOCAB = 1000000
EMBED = 32
B_TOTAL = 4096 * 200
NUM_CORES = 2
NUM_SUBCORES = 16
NW = NUM_CORES * NUM_SUBCORES
B_PER_W = B_TOTAL // NW
CHUNK = 1280
N_CHUNKS = B_PER_W // CHUNK

BV = 8192
SUB = BV // 512
NBLK = 123
T4_ROWS = NBLK * BV // 4

_mesh = plsc.VectorSubcoreMesh(core_axis_name="c", subcore_axis_name="s")


def _relayout_body(tt_ref, out_ref):
    blk = tt_ref[...]
    for q in range(SUB):
        m = jnp.concatenate(
            [blk[:, 512 * q + 128 * c:512 * q + 128 * (c + 1)]
             for c in range(4)], axis=0)
        out_ref[pl.ds(128 * q, 128), :] = m.T


_relayout_table = pl.pallas_call(
    _relayout_body,
    grid=(NBLK,),
    in_specs=[pl.BlockSpec((32, BV), lambda i: (0, i))],
    out_specs=pl.BlockSpec((BV // 4, 128), lambda i: (i, 0)),
    out_shape=jax.ShapeDtypeStruct((T4_ROWS, 128), jnp.float32),
)


@functools.partial(
    pl.kernel,
    mesh=_mesh,
    out_type=jax.ShapeDtypeStruct((B_TOTAL, EMBED), jnp.float32),
    scratch_types=[
        pltpu.VMEM((B_PER_W,), jnp.int32),
        pltpu.VMEM((CHUNK, EMBED), jnp.float32),
        pltpu.VMEM((CHUNK, EMBED), jnp.float32),
        pltpu.VMEM((CHUNK,), jnp.int32),
        pltpu.VMEM((CHUNK,), jnp.int32),
        pltpu.SemaphoreType.DMA,
        pltpu.SemaphoreType.DMA,
        pltpu.SemaphoreType.DMA,
        pltpu.SemaphoreType.DMA,
        pltpu.SemaphoreType.DMA,
        pltpu.SemaphoreType.DMA,
    ],
    compiler_params=pltpu.CompilerParams(use_tc_tiling_on_sc=False),
)
def _embed_lookup(idx_hbm, q_hbm, table_hbm, out_hbm,
                  idx_v, rows0, rows1, q0, q1,
                  sg0, sg1, so0, so1, sq0, sq1):
    wid = lax.axis_index("s") * NUM_CORES + lax.axis_index("c")
    base = wid * B_PER_W

    rows_v = (rows0, rows1)
    q_v = (q0, q1)
    sem_g = (sg0, sg1)
    sem_o = (so0, so1)
    sem_q = (sq0, sq1)

    def transform(j):
        def body(i, carry):
            off = j * CHUNK + i * 16
            v = idx_v[pl.ds(off, 16)]
            r = (v & -512) + ((v & 127) << 2) + ((v >> 7) & 3)
            idx_v[pl.ds(off, 16)] = r
            return carry
        lax.fori_loop(0, CHUNK // 16, body, 0)

    def gather(j, b):
        return pltpu.make_async_copy(
            table_hbm.at[idx_v.at[pl.ds(j * CHUNK, CHUNK)]], rows_v[b], sem_g[b])

    def q_dma(j, b):
        return pltpu.make_async_copy(
            q_hbm.at[pl.ds(base + j * CHUNK, CHUNK)], q_v[b], sem_q[b])

    def store(j, b):
        return pltpu.make_async_copy(
            rows_v[b], out_hbm.at[q_v[b]], sem_o[b])

    pltpu.sync_copy(idx_hbm.at[pl.ds(base, B_PER_W)], idx_v)

    transform(0)
    gather(0, 0).start()
    q_dma(0, 0).start()
    for j in range(N_CHUNKS):
        b = j & 1
        nb = b ^ 1
        if j + 1 < N_CHUNKS:
            if j >= 1:
                store(j - 1, nb).wait()
            transform(j + 1)
            gather(j + 1, nb).start()
            q_dma(j + 1, nb).start()
        gather(j, b).wait()
        q_dma(j, b).wait()
        store(j, b).start()
    store(N_CHUNKS - 2, 0).wait()
    store(N_CHUNKS - 1, 1).wait()




_FLAT = np.arange(4096 * 200)
_B = _FLAT // 200
_S = _FLAT % 200
_QSLOT = (_S // 4) * 16384 + _B * 4 + (_S % 4)


def _txp_body(in_ref, out_ref):
    for tc in range(50):
        g = in_ref[tc, :, :]
        out_ref[pl.ds(128 * tc, 128), :] = g.T


_transpose_out = pl.pallas_call(
    _txp_body,
    grid=(32,),
    compiler_params=pltpu.CompilerParams(vmem_limit_bytes=100 * 1024 * 1024),
    in_specs=[pl.BlockSpec((50, 128, 128), lambda i: (0, i, 0))],
    out_specs=pl.BlockSpec((6400, 128), lambda i: (0, i)),
    out_shape=jax.ShapeDtypeStruct((6400, 4096), jnp.float32),
)


def kernel(inputs, table):
    t4 = _relayout_table(table.T)
    tview = t4.reshape(T4_ROWS * 4, EMBED)
    flat_idx = inputs.reshape(-1)
    qslot = jnp.asarray(_QSLOT, dtype=jnp.int32)
    out = _embed_lookup(flat_idx, qslot, tview)
    out2 = _transpose_out(out.reshape(50, 4096, 128))
    return out2.reshape(200, 32, 4096).transpose(2, 0, 1)

# --- scband reference (transcript-rebuilt; emitter-appended) ---
"""Pipeline reference for scband-embed-79834852098256 (READ-ONLY COPY).

The authoritative reference and input builder live on the scoring server;
editing this copy changes nothing except your own understanding.
"""

import jax, jax.numpy as jnp
import numpy as np

VOCAB = 1000000
EMBED = 32

def setup_inputs(seed: int = 0) -> dict:
    key = jax.random.key(seed)
    k1, k2 = jax.random.split(key)
    inputs = jax.random.randint(k1, (4096, 200), 0, VOCAB, dtype=jnp.int32)
    table = jax.random.normal(k2, (VOCAB, EMBED), dtype=jnp.float32) * 0.05
    return {"inputs": inputs, "table": table}

def reference(inputs, table):
    # Faithful translation of tf.keras.layers.Embedding: row gather from table
    return jnp.take(table, inputs, axis=0)

if __name__ == "__main__":
    import jax
    _d = setup_inputs()
    print(jax.jit(kernel)(*tuple(_d.values())))

</pallas_src>

<mosaic_0001>
#map = affine_map<(d0, d1) -> (0)>
#map1 = affine_map<(d0, d1) -> (0, 0)>
module attributes {stable_mosaic.version = 14 : i64} {
  func.func @_embed_lookup(%arg0: i32, %arg1: i32, %arg2: memref<819200xi32, #tpu.memory_space<hbm>>, %arg3: memref<819200xi32, #tpu.memory_space<hbm>>, %arg4: memref<1007616x32xf32, #tpu.memory_space<hbm>>, %arg5: memref<819200x32xf32, #tpu.memory_space<hbm>>, %arg6: memref<25600xi32, #tpu.memory_space<vmem>>, %arg7: memref<1280x32xf32, #tpu.memory_space<vmem>>, %arg8: memref<1280x32xf32, #tpu.memory_space<vmem>>, %arg9: memref<1280xi32, #tpu.memory_space<vmem>>, %arg10: memref<1280xi32, #tpu.memory_space<vmem>>, %arg11: memref<!tpu.dma_semaphore, #tpu.memory_space<semaphore_mem>>, %arg12: memref<!tpu.dma_semaphore, #tpu.memory_space<semaphore_mem>>, %arg13: memref<!tpu.dma_semaphore, #tpu.memory_space<semaphore_mem>>, %arg14: memref<!tpu.dma_semaphore, #tpu.memory_space<semaphore_mem>>, %arg15: memref<!tpu.dma_semaphore, #tpu.memory_space<semaphore_mem>>, %arg16: memref<!tpu.dma_semaphore, #tpu.memory_space<semaphore_mem>>) attributes {dimension_semantics = [#tpu.dimension_semantics<core_parallel>, #tpu.dimension_semantics<subcore_parallel>], iteration_bounds = array<i64: 2, 16>, scalar_prefetch = 0 : i64, scratch_operands = 11 : i64, tpu.core_type = #tpu.core_type<sc_vector_subcore>, window_params = [{transform_indices = #map}, {transform_indices = #map}, {transform_indices = #map1}, {transform_indices = #map1}]} {
    %mul3A = arith.constant 2 : i32
    %mul3A_0 = arith.muli %arg1, %mul3A : i32
    %add3A = arith.addi %mul3A_0, %arg0 : i32
    %mul3A_1 = arith.constant 25600 : i32
    %mul3A_2 = arith.muli %add3A, %mul3A_1 : i32
    "tpu.region"() ({
      %run_scoped3A = tpu.sem_alloc : memref<!tpu.dma_semaphore, #tpu.memory_space<semaphore_mem>>
      %dma_start3A_600 = tpu.memref_slice %arg2[%mul3A_2] : memref<819200xi32, #tpu.memory_space<hbm>> -> memref<25600xi32, #tpu.memory_space<hbm>>
      %dma_start3A_601 = tpu.memref_slice %arg2[%mul3A_2] : memref<819200xi32, #tpu.memory_space<hbm>> -> memref<25600xi32, #tpu.memory_space<hbm>>
      tpu.enqueue_dma source(%dma_start3A_601 : memref<25600xi32, #tpu.memory_space<hbm>>) target(%arg6 : memref<25600xi32, #tpu.memory_space<vmem>>) target_semaphore(%run_scoped3A : memref<!tpu.dma_semaphore, #tpu.memory_space<semaphore_mem>>)
      %dma_wait3A_602 = tpu.memref_slice %arg2[%mul3A_2] : memref<819200xi32, #tpu.memory_space<hbm>> -> memref<25600xi32, #tpu.memory_space<hbm>>
      %dma_wait3A_603 = tpu.memref_slice %arg2[%mul3A_2] : memref<819200xi32, #tpu.memory_space<hbm>> -> memref<25600xi32, #tpu.memory_space<hbm>>
      tpu.wait_dma2 semaphore(%run_scoped3A : memref<!tpu.dma_semaphore, #tpu.memory_space<semaphore_mem>>) src(%dma_wait3A_603 : memref<25600xi32, #tpu.memory_space<hbm>>) dst(%arg6 : memref<25600xi32, #tpu.memory_space<vmem>>)
      tpu.yield
    }) : () -> ()
    %scan3A = arith.constant 0 : i32
    %scan3A_3 = arith.constant 0 : i32
    %scan3A_4 = arith.constant 80 : i32
    %scan3A_5 = arith.addi %scan3A_3, %scan3A_4 : i32
    %scan3A_6 = arith.constant 1 : i32
    scf.for %scan3A_600 = %scan3A_3 to %scan3A_5 step %scan3A_6  : i32 {
      %mul3A_601 = arith.constant 16 : i32
      %mul3A_602 = arith.muli %scan3A_600, %mul3A_601 : i32
      %add3A_603 = arith.constant 0 : i32
      %add3A_604 = arith.addi %add3A_603, %mul3A_602 : i32
      %get3A = arith.index_cast %add3A_604 : i32 to index
      %get3A_605 = tpu.vector_load %arg6[%get3A] {strides = array<i32>} : memref<25600xi32, #tpu.memory_space<vmem>>, vector<16xi32>,
      %get3A_606 = vector.shape_cast %get3A_605 : vector<16xi32> to vector<16xi32>
      %and3A = arith.constant -512 : i32
      %and3A_607 = vector.broadcast %and3A : i32 to vector<16xi32>
      %and3A_608 = arith.andi %get3A_606, %and3A_607 : vector<16xi32>
      %and3A_609 = arith.constant 127 : i32
      %and3A_610 = vector.broadcast %and3A_609 : i32 to vector<16xi32>
      %and3A_611 = arith.andi %get3A_606, %and3A_610 : vector<16xi32>
      %shift_left3A = arith.constant 2 : i32
      %shift_left3A_612 = vector.broadcast %shift_left3A : i32 to vector<16xi32>
      %shift_left3A_613 = arith.shli %and3A_611, %shift_left3A_612 : vector<16xi32>
      %add3A_614 = arith.addi %and3A_608, %shift_left3A_613 : vector<16xi32>
      %shift_right_arithmetic3A = arith.constant 7 : i32
      %shift_right_arithmetic3A_615 = vector.broadcast %shift_right_arithmetic3A : i32 to vector<16xi32>
      %shift_right_arithmetic3A_616 = arith.shrsi %get3A_606, %shift_right_arithmetic3A_615 : vector<16xi32>
      %and3A_617 = arith.constant 3 : i32
      %and3A_618 = vector.broadcast %and3A_617 : i32 to vector<16xi32>
      %and3A_619 = arith.andi %shift_right_arithmetic3A_616, %and3A_618 : vector<16xi32>
      %add3A_620 = arith.addi %add3A_614, %and3A_619 : vector<16xi32>
      %swap3A = arith.index_cast %add3A_604 : i32 to index
      %swap3A_621 = tpu.vector_load %arg6[%swap3A] {strides = array<i32>} : memref<25600xi32, #tpu.memory_space<vmem>>, vector<16xi32>,
      %swap3A_622 = vector.shape_cast %swap3A_621 : vector<16xi32> to vector<16xi32>
      %swap3A_623 = vector.shape_cast %add3A_620 : vector<16xi32> to vector<16xi32>
      tpu.vector_store %arg6[%swap3A], %swap3A_623 {strides = array<i32>} : memref<25600xi32, #tpu.memory_space<vmem>>, vector<16xi32>,
    }
    %scan3A_7 = arith.constant 80 : i32
    %dma_start3A = arith.constant 0 : i32
    %dma_start3A_8 = tpu.memref_slice %arg6[%dma_start3A] : memref<25600xi32, #tpu.memory_space<vmem>> -> memref<1280xi32, #tpu.memory_space<vmem>>
    %dma_start3A_9 = arith.constant 0 : i32
    %dma_start3A_10 = arith.constant 0 : i32
    %dma_start3A_11 = tpu.memref_slice %arg4[%dma_start3A_9, %dma_start3A_10] : memref<1007616x32xf32, #tpu.memory_space<hbm>> -> memref<1007616x32xf32, #tpu.memory_space<hbm>>
    tpu.enqueue_indirect_dma source(%dma_start3A_11 : memref<1007616x32xf32, #tpu.memory_space<hbm>>) target(%arg7 : memref<1280x32xf32, #tpu.memory_space<vmem>>) offsets(%dma_start3A_8 : memref<1280xi32, #tpu.memory_space<vmem>>) semaphore(%arg11 : memref<!tpu.dma_semaphore, #tpu.memory_space<semaphore_mem>>)
    %add3A_12 = arith.constant 0 : i32
    %add3A_13 = arith.addi %mul3A_2, %add3A_12 : i32
    %dma_start3A_14 = tpu.memref_slice %arg3[%add3A_13] : memref<819200xi32, #tpu.memory_space<hbm>> -> memref<1280xi32, #tpu.memory_space<hbm>>
    %dma_start3A_15 = tpu.memref_slice %arg3[%add3A_13] : memref<819200xi32, #tpu.memory_space<hbm>> -> memref<1280xi32, #tpu.memory_space<hbm>>
    tpu.enqueue_dma source(%dma_start3A_15 : memref<1280xi32, #tpu.memory_space<hbm>>) target(%arg9 : memref<1280xi32, #tpu.memory_space<vmem>>) target_semaphore(%arg15 : memref<!tpu.dma_semaphore, #tpu.memory_space<semaphore_mem>>)
    %scan3A_16 = arith.constant 0 : i32
    %scan3A_17 = arith.constant 0 : i32
    %scan3A_18 = arith.constant 80 : i32
    %scan3A_19 = arith.addi %scan3A_17, %scan3A_18 : i32
    %scan3A_20 = arith.constant 1 : i32
    scf.for %scan3A_600 = %scan3A_17 to %scan3A_19 step %scan3A_20  : i32 {
      %mul3A_601 = arith.constant 16 : i32
      %mul3A_602 = arith.muli %scan3A_600, %mul3A_601 : i32
      %add3A_603 = arith.constant 1280 : i32
      %add3A_604 = arith.addi %add3A_603, %mul3A_602 : i32
      %get3A = arith.index_cast %add3A_604 : i32 to index
      %get3A_605 = tpu.vector_load %arg6[%get3A] {strides = array<i32>} : memref<25600xi32, #tpu.memory_space<vmem>>, vector<16xi32>,
      %get3A_606 = vector.shape_cast %get3A_605 : vector<16xi32> to vector<16xi32>
      %and3A = arith.constant -512 : i32
      %and3A_607 = vector.broadcast %and3A : i32 to vector<16xi32>
      %and3A_608 = arith.andi %get3A_606, %and3A_607 : vector<16xi32>
      %and3A_609 = arith.constant 127 : i32
      %and3A_610 = vector.broadcast %and3A_609 : i32 to vector<16xi32>
      %and3A_611 = arith.andi %get3A_606, %and3A_610 : vector<16xi32>
      %shift_left3A = arith.constant 2 : i32
      %shift_left3A_612 = vector.broadcast %shift_left3A : i32 to vector<16xi32>
      %shift_left3A_613 = arith.shli %and3A_611, %shift_left3A_612 : vector<16xi32>
      %add3A_614 = arith.addi %and3A_608, %shift_left3A_613 : vector<16xi32>
      %shift_right_arithmetic3A = arith.constant 7 : i32
      %shift_right_arithmetic3A_615 = vector.broadcast %shift_right_arithmetic3A : i32 to vector<16xi32>
      %shift_right_arithmetic3A_616 = arith.shrsi %get3A_606, %shift_right_arithmetic3A_615 : vector<16xi32>
      %and3A_617 = arith.constant 3 : i32
      %and3A_618 = vector.broadcast %and3A_617 : i32 to vector<16xi32>
      %and3A_619 = arith.andi %shift_right_arithmetic3A_616, %and3A_618 : vector<16xi32>
      %add3A_620 = arith.addi %add3A_614, %and3A_619 : vector<16xi32>
      %swap3A = arith.index_cast %add3A_604 : i32 to index
      %swap3A_621 = tpu.vector_load %arg6[%swap3A] {strides = array<i32>} : memref<25600xi32, #tpu.memory_space<vmem>>, vector<16xi32>,
      %swap3A_622 = vector.shape_cast %swap3A_621 : vector<16xi32> to vector<16xi32>
      %swap3A_623 = vector.shape_cast %add3A_620 : vector<16xi32> to vector<16xi32>
      tpu.vector_store %arg6[%swap3A], %swap3A_623 {strides = array<i32>} : memref<25600xi32, #tpu.memory_space<vmem>>, vector<16xi32>,
    }
    %scan3A_21 = arith.constant 80 : i32
    %dma_start3A_22 = arith.constant 1280 : i32
    %dma_start3A_23 = tpu.memref_slice %arg6[%dma_start3A_22] : memref<25600xi32, #tpu.memory_space<vmem>> -> memref<1280xi32, #tpu.memory_space<vmem>>
    %dma_start3A_24 = arith.constant 0 : i32
    %dma_start3A_25 = arith.constant 0 : i32
    %dma_start3A_26 = tpu.memref_slice %arg4[%dma_start3A_24, %dma_start3A_25] : memref<1007616x32xf32, #tpu.memory_space<hbm>> -> memref<1007616x32xf32, #tpu.memory_space<hbm>>
    tpu.enqueue_indirect_dma source(%dma_start3A_26 : memref<1007616x32xf32, #tpu.memory_space<hbm>>) target(%arg8 : memref<1280x32xf32, #tpu.memory_space<vmem>>) offsets(%dma_start3A_23 : memref<1280xi32, #tpu.memory_space<vmem>>) semaphore(%arg12 : memref<!tpu.dma_semaphore, #tpu.memory_space<semaphore_mem>>)
    %add3A_27 = arith.constant 1280 : i32
    %add3A_28 = arith.addi %mul3A_2, %add3A_27 : i32
    %dma_start3A_29 = tpu.memref_slice %arg3[%add3A_28] : memref<819200xi32, #tpu.memory_space<hbm>> -> memref<1280xi32, #tpu.memory_space<hbm>>
    %dma_start3A_30 = tpu.memref_slice %arg3[%add3A_28] : memref<819200xi32, #tpu.memory_space<hbm>> -> memref<1280xi32, #tpu.memory_space<hbm>>
    tpu.enqueue_dma source(%dma_start3A_30 : memref<1280xi32, #tpu.memory_space<hbm>>) target(%arg10 : memref<1280xi32, #tpu.memory_space<vmem>>) target_semaphore(%arg16 : memref<!tpu.dma_semaphore, #tpu.memory_space<semaphore_mem>>)
    %dma_wait3A = arith.constant 0 : i32
    %dma_wait3A_31 = tpu.memref_slice %arg6[%dma_wait3A] : memref<25600xi32, #tpu.memory_space<vmem>> -> memref<1280xi32, #tpu.memory_space<vmem>>
    %dma_wait3A_32 = arith.constant 0 : i32
    %dma_wait3A_33 = arith.constant 0 : i32
    %dma_wait3A_34 = tpu.memref_slice %arg4[%dma_wait3A_32, %dma_wait3A_33] : memref<1007616x32xf32, #tpu.memory_space<hbm>> -> memref<1007616x32xf32, #tpu.memory_space<hbm>>
    tpu.wait_indirect_dma semaphore(%arg11 : memref<!tpu.dma_semaphore, #tpu.memory_space<semaphore_mem>>) src(%dma_wait3A_34 : memref<1007616x32xf32, #tpu.memory_space<hbm>>) dst(%arg7 : memref<1280x32xf32, #tpu.memory_space<vmem>>)
    %add3A_35 = arith.constant 0 : i32
    %add3A_36 = arith.addi %mul3A_2, %add3A_35 : i32
    %dma_wait3A_37 = tpu.memref_slice %arg3[%add3A_36] : memref<819200xi32, #tpu.memory_space<hbm>> -> memref<1280xi32, #tpu.memory_space<hbm>>
    %dma_wait3A_38 = tpu.memref_slice %arg3[%add3A_36] : memref<819200xi32, #tpu.memory_space<hbm>> -> memref<1280xi32, #tpu.memory_space<hbm>>
    tpu.wait_dma2 semaphore(%arg15 : memref<!tpu.dma_semaphore, #tpu.memory_space<semaphore_mem>>) src(%dma_wait3A_38 : memref<1280xi32, #tpu.memory_space<hbm>>) dst(%arg9 : memref<1280xi32, #tpu.memory_space<vmem>>)
    %dma_start3A_39 = arith.constant 0 : i32
    %dma_start3A_40 = arith.constant 0 : i32
    %dma_start3A_41 = tpu.memref_slice %arg5[%dma_start3A_39, %dma_start3A_40] : memref<819200x32xf32, #tpu.memory_space<hbm>> -> memref<819200x32xf32, #tpu.memory_space<hbm>>
    tpu.enqueue_indirect_dma source(%arg7 : memref<1280x32xf32, #tpu.memory_space<vmem>>) target(%dma_start3A_41 : memref<819200x32xf32, #tpu.memory_space<hbm>>) offsets(%arg9 : memref<1280xi32, #tpu.memory_space<vmem>>) semaphore(%arg13 : memref<!tpu.dma_semaphore, #tpu.memory_space<semaphore_mem>>)
    %dma_wait3A_42 = arith.constant 0 : i32
    %dma_wait3A_43 = arith.constant 0 : i32
    %dma_wait3A_44 = tpu.memref_slice %arg5[%dma_wait3A_42, %dma_wait3A_43] : memref<819200x32xf32, #tpu.memory_space<hbm>> -> memref<819200x32xf32, #tpu.memory_space<hbm>>
    tpu.wait_indirect_dma semaphore(%arg13 : memref<!tpu.dma_semaphore, #tpu.memory_space<semaphore_mem>>) src(%arg7 : memref<1280x32xf32, #tpu.memory_space<vmem>>) dst(%dma_wait3A_44 : memref<819200x32xf32, #tpu.memory_space<hbm>>)
    %scan3A_45 = arith.constant 0 : i32
    %scan3A_46 = arith.constant 0 : i32
    %scan3A_47 = arith.constant 80 : i32
    %scan3A_48 = arith.addi %scan3A_46, %scan3A_47 : i32
    %scan3A_49 = arith.constant 1 : i32
    scf.for %scan3A_600 = %scan3A_46 to %scan3A_48 step %scan3A_49  : i32 {
      %mul3A_601 = arith.constant 16 : i32
      %mul3A_602 = arith.muli %scan3A_600, %mul3A_601 : i32
      %add3A_603 = arith.constant 2560 : i32
      %add3A_604 = arith.addi %add3A_603, %mul3A_602 : i32
      %get3A = arith.index_cast %add3A_604 : i32 to index
      %get3A_605 = tpu.vector_load %arg6[%get3A] {strides = array<i32>} : memref<25600xi32, #tpu.memory_space<vmem>>, vector<16xi32>,
      %get3A_606 = vector.shape_cast %get3A_605 : vector<16xi32> to vector<16xi32>
      %and3A = arith.constant -512 : i32
      %and3A_607 = vector.broadcast %and3A : i32 to vector<16xi32>
      %and3A_608 = arith.andi %get3A_606, %and3A_607 : vector<16xi32>
      %and3A_609 = arith.constant 127 : i32
      %and3A_610 = vector.broadcast %and3A_609 : i32 to vector<16xi32>
      %and3A_611 = arith.andi %get3A_606, %and3A_610 : vector<16xi32>
      %shift_left3A = arith.constant 2 : i32
      %shift_left3A_612 = vector.broadcast %shift_left3A : i32 to vector<16xi32>
      %shift_left3A_613 = arith.shli %and3A_611, %shift_left3A_612 : vector<16xi32>
      %add3A_614 = arith.addi %and3A_608, %shift_left3A_613 : vector<16xi32>
      %shift_right_arithmetic3A = arith.constant 7 : i32
      %shift_right_arithmetic3A_615 = vector.broadcast %shift_right_arithmetic3A : i32 to vector<16xi32>
      %shift_right_arithmetic3A_616 = arith.shrsi %get3A_606, %shift_right_arithmetic3A_615 : vector<16xi32>
      %and3A_617 = arith.constant 3 : i32
      %and3A_618 = vector.broadcast %and3A_617 : i32 to vector<16xi32>
      %and3A_619 = arith.andi %shift_right_arithmetic3A_616, %and3A_618 : vector<16xi32>
      %add3A_620 = arith.addi %add3A_614, %and3A_619 : vector<16xi32>
      %swap3A = arith.index_cast %add3A_604 : i32 to index
      %swap3A_621 = tpu.vector_load %arg6[%swap3A] {strides = array<i32>} : memref<25600xi32, #tpu.memory_space<vmem>>, vector<16xi32>,
      %swap3A_622 = vector.shape_cast %swap3A_621 : vector<16xi32> to vector<16xi32>
      %swap3A_623 = vector.shape_cast %add3A_620 : vector<16xi32> to vector<16xi32>
      tpu.vector_store %arg6[%swap3A], %swap3A_623 {strides = array<i32>} : memref<25600xi32, #tpu.memory_space<vmem>>, vector<16xi32>,
    }
    %scan3A_50 = arith.constant 80 : i32
    %dma_start3A_51 = arith.constant 2560 : i32
    %dma_start3A_52 = tpu.memref_slice %arg6[%dma_start3A_51] : memref<25600xi32, #tpu.memory_space<vmem>> -> memref<1280xi32, #tpu.memory_space<vmem>>
    %dma_start3A_53 = arith.constant 0 : i32
    %dma_start3A_54 = arith.constant 0 : i32
    %dma_start3A_55 = tpu.memref_slice %arg4[%dma_start3A_53, %dma_start3A_54] : memref<1007616x32xf32, #tpu.memory_space<hbm>> -> memref<1007616x32xf32, #tpu.memory_space<hbm>>
    tpu.enqueue_indirect_dma source(%dma_start3A_55 : memref<1007616x32xf32, #tpu.memory_space<hbm>>) target(%arg7 : memref<1280x32xf32, #tpu.memory_space<vmem>>) offsets(%dma_start3A_52 : memref<1280xi32, #tpu.memory_space<vmem>>) semaphore(%arg11 : memref<!tpu.dma_semaphore, #tpu.memory_space<semaphore_mem>>)
    %add3A_56 = arith.constant 2560 : i32
    %add3A_57 = arith.addi %mul3A_2, %add3A_56 : i32
    %dma_start3A_58 = tpu.memref_slice %arg3[%add3A_57] : memref<819200xi32, #tpu.memory_space<hbm>> -> memref<1280xi32, #tpu.memory_space<hbm>>
    %dma_start3A_59 = tpu.memref_slice %arg3[%add3A_57] : memref<819200xi32, #tpu.memory_space<hbm>> -> memref<1280xi32, #tpu.memory_space<hbm>>
    tpu.enqueue_dma source(%dma_start3A_59 : memref<1280xi32, #tpu.memory_space<hbm>>) target(%arg9 : memref<1280xi32, #tpu.memory_space<vmem>>) target_semaphore(%arg15 : memref<!tpu.dma_semaphore, #tpu.memory_space<semaphore_mem>>)
    %dma_wait3A_60 = arith.constant 1280 : i32
    %dma_wait3A_61 = tpu.memref_slice %arg6[%dma_wait3A_60] : memref<25600xi32, #tpu.memory_space<vmem>> -> memref<1280xi32, #tpu.memory_space<vmem>>
    %dma_wait3A_62 = arith.constant 0 : i32
    %dma_wait3A_63 = arith.constant 0 : i32
    %dma_wait3A_64 = tpu.memref_slice %arg4[%dma_wait3A_62, %dma_wait3A_63] : memref<1007616x32xf32, #tpu.memory_space<hbm>> -> memref<1007616x32xf32, #tpu.memory_space<hbm>>
    tpu.wait_indirect_dma semaphore(%arg12 : memref<!tpu.dma_semaphore, #tpu.memory_space<semaphore_mem>>) src(%dma_wait3A_64 : memref<1007616x32xf32, #tpu.memory_space<hbm>>) dst(%arg8 : memref<1280x32xf32, #tpu.memory_space<vmem>>)
    %add3A_65 = arith.constant 1280 : i32
    %add3A_66 = arith.addi %mul3A_2, %add3A_65 : i32
    %dma_wait3A_67 = tpu.memref_slice %arg3[%add3A_66] : memref<819200xi32, #tpu.memory_space<hbm>> -> memref<1280xi32, #tpu.memory_space<hbm>>
    %dma_wait3A_68 = tpu.memref_slice %arg3[%add3A_66] : memref<819200xi32, #tpu.memory_space<hbm>> -> memref<1280xi32, #tpu.memory_space<hbm>>
    tpu.wait_dma2 semaphore(%arg16 : memref<!tpu.dma_semaphore, #tpu.memory_space<semaphore_mem>>) src(%dma_wait3A_68 : memref<1280xi32, #tpu.memory_space<hbm>>) dst(%arg10 : memref<1280xi32, #tpu.memory_space<vmem>>)
    %dma_start3A_69 = arith.constant 0 : i32
    %dma_start3A_70 = arith.constant 0 : i32
    %dma_start3A_71 = tpu.memref_slice %arg5[%dma_start3A_69, %dma_start3A_70] : memref<819200x32xf32, #tpu.memory_space<hbm>> -> memref<819200x32xf32, #tpu.memory_space<hbm>>
    tpu.enqueue_indirect_dma source(%arg8 : memref<1280x32xf32, #tpu.memory_space<vmem>>) target(%dma_start3A_71 : memref<819200x32xf32, #tpu.memory_space<hbm>>) offsets(%arg10 : memref<1280xi32, #tpu.memory_space<vmem>>) semaphore(%arg14 : memref<!tpu.dma_semaphore, #tpu.memory_space<semaphore_mem>>)
    %dma_wait3A_72 = arith.constant 0 : i32
    %dma_wait3A_73 = arith.constant 0 : i32
    %dma_wait3A_74 = tpu.memref_slice %arg5[%dma_wait3A_72, %dma_wait3A_73] : memref<819200x32xf32, #tpu.memory_space<hbm>> -> memref<819200x32xf32, #tpu.memory_space<hbm>>
    tpu.wait_indirect_dma semaphore(%arg14 : memref<!tpu.dma_semaphore, #tpu.memory_space<semaphore_mem>>) src(%arg8 : memref<1280x32xf32, #tpu.memory_space<vmem>>) dst(%dma_wait3A_74 : memref<819200x32xf32, #tpu.memory_space<hbm>>)
    %scan3A_75 = arith.constant 0 : i32
    %scan3A_76 = arith.constant 0 : i32
    %scan3A_77 = arith.constant 80 : i32
    %scan3A_78 = arith.addi %scan3A_76, %scan3A_77 : i32
    %scan3A_79 = arith.constant 1 : i32
    scf.for %scan3A_600 = %scan3A_76 to %scan3A_78 step %scan3A_79  : i32 {
      %mul3A_601 = arith.constant 16 : i32
      %mul3A_602 = arith.muli %scan3A_600, %mul3A_601 : i32
      %add3A_603 = arith.constant 3840 : i32
      %add3A_604 = arith.addi %add3A_603, %mul3A_602 : i32
      %get3A = arith.index_cast %add3A_604 : i32 to index
      %get3A_605 = tpu.vector_load %arg6[%get3A] {strides = array<i32>} : memref<25600xi32, #tpu.memory_space<vmem>>, vector<16xi32>,
      %get3A_606 = vector.shape_cast %get3A_605 : vector<16xi32> to vector<16xi32>
      %and3A = arith.constant -512 : i32
      %and3A_607 = vector.broadcast %and3A : i32 to vector<16xi32>
      %and3A_608 = arith.andi %get3A_606, %and3A_607 : vector<16xi32>
      %and3A_609 = arith.constant 127 : i32
      %and3A_610 = vector.broadcast %and3A_609 : i32 to vector<16xi32>
      %and3A_611 = arith.andi %get3A_606, %and3A_610 : vector<16xi32>
      %shift_left3A = arith.constant 2 : i32
      %shift_left3A_612 = vector.broadcast %shift_left3A : i32 to vector<16xi32>
      %shift_left3A_613 = arith.shli %and3A_611, %shift_left3A_612 : vector<16xi32>
      %add3A_614 = arith.addi %and3A_608, %shift_left3A_613 : vector<16xi32>
      %shift_right_arithmetic3A = arith.constant 7 : i32
      %shift_right_arithmetic3A_615 = vector.broadcast %shift_right_arithmetic3A : i32 to vector<16xi32>
      %shift_right_arithmetic3A_616 = arith.shrsi %get3A_606, %shift_right_arithmetic3A_615 : vector<16xi32>
      %and3A_617 = arith.constant 3 : i32
      %and3A_618 = vector.broadcast %and3A_617 : i32 to vector<16xi32>
      %and3A_619 = arith.andi %shift_right_arithmetic3A_616, %and3A_618 : vector<16xi32>
      %add3A_620 = arith.addi %add3A_614, %and3A_619 : vector<16xi32>
      %swap3A = arith.index_cast %add3A_604 : i32 to index
      %swap3A_621 = tpu.vector_load %arg6[%swap3A] {strides = array<i32>} : memref<25600xi32, #tpu.memory_space<vmem>>, vector<16xi32>,
      %swap3A_622 = vector.shape_cast %swap3A_621 : vector<16xi32> to vector<16xi32>
      %swap3A_623 = vector.shape_cast %add3A_620 : vector<16xi32> to vector<16xi32>
      tpu.vector_store %arg6[%swap3A], %swap3A_623 {strides = array<i32>} : memref<25600xi32, #tpu.memory_space<vmem>>, vector<16xi32>,
    }
    %scan3A_80 = arith.constant 80 : i32
    %dma_start3A_81 = arith.constant 3840 : i32
    %dma_start3A_82 = tpu.memref_slice %arg6[%dma_start3A_81] : memref<25600xi32, #tpu.memory_space<vmem>> -> memref<1280xi32, #tpu.memory_space<vmem>>
    %dma_start3A_83 = arith.constant 0 : i32
    %dma_start3A_84 = arith.constant 0 : i32
    %dma_start3A_85 = tpu.memref_slice %arg4[%dma_start3A_83, %dma_start3A_84] : memref<1007616x32xf32, #tpu.memory_space<hbm>> -> memref<1007616x32xf32, #tpu.memory_space<hbm>>
    tpu.enqueue_indirect_dma source(%dma_start3A_85 : memref<1007616x32xf32, #tpu.memory_space<hbm>>) target(%arg8 : memref<1280x32xf32, #tpu.memory_space<vmem>>) offsets(%dma_start3A_82 : memref<1280xi32, #tpu.memory_space<vmem>>) semaphore(%arg12 : memref<!tpu.dma_semaphore, #tpu.memory_space<semaphore_mem>>)
    %add3A_86 = arith.constant 3840 : i32
    %add3A_87 = arith.addi %mul3A_2, %add3A_86 : i32
    %dma_start3A_88 = tpu.memref_slice %arg3[%add3A_87] : memref<819200xi32, #tpu.memory_space<hbm>> -> memref<1280xi32, #tpu.memory_space<hbm>>
    %dma_start3A_89 = tpu.memref_slice %arg3[%add3A_87] : memref<819200xi32, #tpu.memory_space<hbm>> -> memref<1280xi32, #tpu.memory_space<hbm>>
    tpu.enqueue_dma source(%dma_start3A_89 : memref<1280xi32, #tpu.memory_space<hbm>>) target(%arg10 : memref<1280xi32, #tpu.memory_space<vmem>>) target_semaphore(%arg16 : memref<!tpu.dma_semaphore, #tpu.memory_space<semaphore_mem>>)
    %dma_wait3A_90 = arith.constant 2560 : i32
    %dma_wait3A_91 = tpu.memref_slice %arg6[%dma_wait3A_90] : memref<25600xi32, #tpu.memory_space<vmem>> -> memref<1280xi32, #tpu.memory_space<vmem>>
    %dma_wait3A_92 = arith.constant 0 : i32
    %dma_wait3A_93 = arith.constant 0 : i32
    %dma_wait3A_94 = tpu.memref_slice %arg4[%dma_wait3A_92, %dma_wait3A_93] : memref<1007616x32xf32, #tpu.memory_space<hbm>> -> memref<1007616x32xf32, #tpu.memory_space<hbm>>
    tpu.wait_indirect_dma semaphore(%arg11 : memref<!tpu.dma_semaphore, #tpu.memory_space<semaphore_mem>>) src(%dma_wait3A_94 : memref<1007616x32xf32, #tpu.memory_space<hbm>>) dst(%arg7 : memref<1280x32xf32, #tpu.memory_space<vmem>>)
    %add3A_95 = arith.constant 2560 : i32
    %add3A_96 = arith.addi %mul3A_2, %add3A_95 : i32
    %dma_wait3A_97 = tpu.memref_slice %arg3[%add3A_96] : memref<819200xi32, #tpu.memory_space<hbm>> -> memref<1280xi32, #tpu.memory_space<hbm>>
    %dma_wait3A_98 = tpu.memref_slice %arg3[%add3A_96] : memref<819200xi32, #tpu.memory_space<hbm>> -> memref<1280xi32, #tpu.memory_space<hbm>>
    tpu.wait_dma2 semaphore(%arg15 : memref<!tpu.dma_semaphore, #tpu.memory_space<semaphore_mem>>) src(%dma_wait3A_98 : memref<1280xi32, #tpu.memory_space<hbm>>) dst(%arg9 : memref<1280xi32, #tpu.memory_space<vmem>>)
    %dma_start3A_99 = arith.constant 0 : i32
    %dma_start3A_100 = arith.constant 0 : i32
    %dma_start3A_101 = tpu.memref_slice %arg5[%dma_start3A_99, %dma_start3A_100] : memref<819200x32xf32, #tpu.memory_space<hbm>> -> memref<819200x32xf32, #tpu.memory_space<hbm>>
    tpu.enqueue_indirect_dma source(%arg7 : memref<1280x32xf32, #tpu.memory_space<vmem>>) target(%dma_start3A_101 : memref<819200x32xf32, #tpu.memory_space<hbm>>) offsets(%arg9 : memref<1280xi32, #tpu.memory_space<vmem>>) semaphore(%arg13 : memref<!tpu.dma_semaphore, #tpu.memory_space<semaphore_mem>>)
    %dma_wait3A_102 = arith.constant 0 : i32
    %dma_wait3A_103 = arith.constant 0 : i32
    %dma_wait3A_104 = tpu.memref_slice %arg5[%dma_wait3A_102, %dma_wait3A_103] : memref<819200x32xf32, #tpu.memory_space<hbm>> -> memref<819200x32xf32, #tpu.memory_space<hbm>>
    tpu.wait_indirect_dma semaphore(%arg13 : memref<!tpu.dma_semaphore, #tpu.memory_space<semaphore_mem>>) src(%arg7 : memref<1280x32xf32, #tpu.memory_space<vmem>>) dst(%dma_wait3A_104 : memref<819200x32xf32, #tpu.memory_space<hbm>>)
    %scan3A_105 = arith.constant 0 : i32
    %scan3A_106 = arith.constant 0 : i32
    %scan3A_107 = arith.constant 80 : i32
    %scan3A_108 = arith.addi %scan3A_106, %scan3A_107 : i32
    %scan3A_109 = arith.constant 1 : i32
    scf.for %scan3A_600 = %scan3A_106 to %scan3A_108 step %scan3A_109  : i32 {
      %mul3A_601 = arith.constant 16 : i32
      %mul3A_602 = arith.muli %scan3A_600, %mul3A_601 : i32
      %add3A_603 = arith.constant 5120 : i32
      %add3A_604 = arith.addi %add3A_603, %mul3A_602 : i32
      %get3A = arith.index_cast %add3A_604 : i32 to index
      %get3A_605 = tpu.vector_load %arg6[%get3A] {strides = array<i32>} : memref<25600xi32, #tpu.memory_space<vmem>>, vector<16xi32>,
      %get3A_606 = vector.shape_cast %get3A_605 : vector<16xi32> to vector<16xi32>
      %and3A = arith.constant -512 : i32
      %and3A_607 = vector.broadcast %and3A : i32 to vector<16xi32>
      %and3A_608 = arith.andi %get3A_606, %and3A_607 : vector<16xi32>
      %and3A_609 = arith.constant 127 : i32
      %and3A_610 = vector.broadcast %and3A_609 : i32 to vector<16xi32>
      %and3A_611 = arith.andi %get3A_606, %and3A_610 : vector<16xi32>
      %shift_left3A = arith.constant 2 : i32
      %shift_left3A_612 = vector.broadcast %shift_left3A : i32 to vector<16xi32>
      %shift_left3A_613 = arith.shli %and3A_611, %shift_left3A_612 : vector<16xi32>
      %add3A_614 = arith.addi %and3A_608, %shift_left3A_613 : vector<16xi32>
      %shift_right_arithmetic3A = arith.constant 7 : i32
      %shift_right_arithmetic3A_615 = vector.broadcast %shift_right_arithmetic3A : i32 to vector<16xi32>
      %shift_right_arithmetic3A_616 = arith.shrsi %get3A_606, %shift_right_arithmetic3A_615 : vector<16xi32>
      %and3A_617 = arith.constant 3 : i32
      %and3A_618 = vector.broadcast %and3A_617 : i32 to vector<16xi32>
      %and3A_619 = arith.andi %shift_right_arithmetic3A_616, %and3A_618 : vector<16xi32>
      %add3A_620 = arith.addi %add3A_614, %and3A_619 : vector<16xi32>
      %swap3A = arith.index_cast %add3A_604 : i32 to index
      %swap3A_621 = tpu.vector_load %arg6[%swap3A] {strides = array<i32>} : memref<25600xi32, #tpu.memory_space<vmem>>, vector<16xi32>,
      %swap3A_622 = vector.shape_cast %swap3A_621 : vector<16xi32> to vector<16xi32>
      %swap3A_623 = vector.shape_cast %add3A_620 : vector<16xi32> to vector<16xi32>
      tpu.vector_store %arg6[%swap3A], %swap3A_623 {strides = array<i32>} : memref<25600xi32, #tpu.memory_space<vmem>>, vector<16xi32>,
    }
    %scan3A_110 = arith.constant 80 : i32
    %dma_start3A_111 = arith.constant 5120 : i32
    %dma_start3A_112 = tpu.memref_slice %arg6[%dma_start3A_111] : memref<25600xi32, #tpu.memory_space<vmem>> -> memref<1280xi32, #tpu.memory_space<vmem>>
    %dma_start3A_113 = arith.constant 0 : i32
    %dma_start3A_114 = arith.constant 0 : i32
    %dma_start3A_115 = tpu.memref_slice %arg4[%dma_start3A_113, %dma_start3A_114] : memref<1007616x32xf32, #tpu.memory_space<hbm>> -> memref<1007616x32xf32, #tpu.memory_space<hbm>>
    tpu.enqueue_indirect_dma source(%dma_start3A_115 : memref<1007616x32xf32, #tpu.memory_space<hbm>>) target(%arg7 : memref<1280x32xf32, #tpu.memory_space<vmem>>) offsets(%dma_start3A_112 : memref<1280xi32, #tpu.memory_space<vmem>>) semaphore(%arg11 : memref<!tpu.dma_semaphore, #tpu.memory_space<semaphore_mem>>)
    %add3A_116 = arith.constant 5120 : i32
    %add3A_117 = arith.addi %mul3A_2, %add3A_116 : i32
    %dma_start3A_118 = tpu.memref_slice %arg3[%add3A_117] : memref<819200xi32, #tpu.memory_space<hbm>> -> memref<1280xi32, #tpu.memory_space<hbm>>
    %dma_start3A_119 = tpu.memref_slice %arg3[%add3A_117] : memref<819200xi32, #tpu.memory_space<hbm>> -> memref<1280xi32, #tpu.memory_space<hbm>>
    tpu.enqueue_dma source(%dma_start3A_119 : memref<1280xi32, #tpu.memory_space<hbm>>) target(%arg9 : memref<1280xi32, #tpu.memory_space<vmem>>) target_semaphore(%arg15 : memref<!tpu.dma_semaphore, #tpu.memory_space<semaphore_mem>>)
    %dma_wait3A_120 = arith.constant 3840 : i32
    %dma_wait3A_121 = tpu.memref_slice %arg6[%dma_wait3A_120] : memref<25600xi32, #tpu.memory_space<vmem>> -> memref<1280xi32, #tpu.memory_space<vmem>>
    %dma_wait3A_122 = arith.constant 0 : i32
    %dma_wait3A_123 = arith.constant 0 : i32
    %dma_wait3A_124 = tpu.memref_slice %arg4[%dma_wait3A_122, %dma_wait3A_123] : memref<1007616x32xf32, #tpu.memory_space<hbm>> -> memref<1007616x32xf32, #tpu.memory_space<hbm>>
    tpu.wait_indirect_dma semaphore(%arg12 : memref<!tpu.dma_semaphore, #tpu.memory_space<semaphore_mem>>) src(%dma_wait3A_124 : memref<1007616x32xf32, #tpu.memory_space<hbm>>) dst(%arg8 : memref<1280x32xf32, #tpu.memory_space<vmem>>)
    %add3A_125 = arith.constant 3840 : i32
    %add3A_126 = arith.addi %mul3A_2, %add3A_125 : i32
    %dma_wait3A_127 = tpu.memref_slice %arg3[%add3A_126] : memref<819200xi32, #tpu.memory_space<hbm>> -> memref<1280xi32, #tpu.memory_space<hbm>>
    %dma_wait3A_128 = tpu.memref_slice %arg3[%add3A_126] : memref<819200xi32, #tpu.memory_space<hbm>> -> memref<1280xi32, #tpu.memory_space<hbm>>
    tpu.wait_dma2 semaphore(%arg16 : memref<!tpu.dma_semaphore, #tpu.memory_space<semaphore_mem>>) src(%dma_wait3A_128 : memref<1280xi32, #tpu.memory_space<hbm>>) dst(%arg10 : memref<1280xi32, #tpu.memory_space<vmem>>)
    %dma_start3A_129 = arith.constant 0 : i32
    %dma_start3A_130 = arith.constant 0 : i32
    %dma_start3A_131 = tpu.memref_slice %arg5[%dma_start3A_129, %dma_start3A_130] : memref<819200x32xf32, #tpu.memory_space<hbm>> -> memref<819200x32xf32, #tpu.memory_space<hbm>>
    tpu.enqueue_indirect_dma source(%arg8 : memref<1280x32xf32, #tpu.memory_space<vmem>>) target(%dma_start3A_131 : memref<819200x32xf32, #tpu.memory_space<hbm>>) offsets(%arg10 : memref<1280xi32, #tpu.memory_space<vmem>>) semaphore(%arg14 : memref<!tpu.dma_semaphore, #tpu.memory_space<semaphore_mem>>)
    %dma_wait3A_132 = arith.constant 0 : i32
    %dma_wait3A_133 = arith.constant 0 : i32
    %dma_wait3A_134 = tpu.memref_slice %arg5[%dma_wait3A_132, %dma_wait3A_133] : memref<819200x32xf32, #tpu.memory_space<hbm>> -> memref<819200x32xf32, #tpu.memory_space<hbm>>
    tpu.wait_indirect_dma semaphore(%arg14 : memref<!tpu.dma_semaphore, #tpu.memory_space<semaphore_mem>>) src(%arg8 : memref<1280x32xf32, #tpu.memory_space<vmem>>) dst(%dma_wait3A_134 : memref<819200x32xf32, #tpu.memory_space<hbm>>)
    %scan3A_135 = arith.constant 0 : i32
    %scan3A_136 = arith.constant 0 : i32
    %scan3A_137 = arith.constant 80 : i32
    %scan3A_138 = arith.addi %scan3A_136, %scan3A_137 : i32
    %scan3A_139 = arith.constant 1 : i32
    scf.for %scan3A_600 = %scan3A_136 to %scan3A_138 step %scan3A_139  : i32 {
      %mul3A_601 = arith.constant 16 : i32
      %mul3A_602 = arith.muli %scan3A_600, %mul3A_601 : i32
      %add3A_603 = arith.constant 6400 : i32
      %add3A_604 = arith.addi %add3A_603, %mul3A_602 : i32
      %get3A = arith.index_cast %add3A_604 : i32 to index
      %get3A_605 = tpu.vector_load %arg6[%get3A] {strides = array<i32>} : memref<25600xi32, #tpu.memory_space<vmem>>, vector<16xi32>,
      %get3A_606 = vector.shape_cast %get3A_605 : vector<16xi32> to vector<16xi32>
      %and3A = arith.constant -512 : i32
      %and3A_607 = vector.broadcast %and3A : i32 to vector<16xi32>
      %and3A_608 = arith.andi %get3A_606, %and3A_607 : vector<16xi32>
      %and3A_609 = arith.constant 127 : i32
      %and3A_610 = vector.broadcast %and3A_609 : i32 to vector<16xi32>
      %and3A_611 = arith.andi %get3A_606, %and3A_610 : vector<16xi32>
      %shift_left3A = arith.constant 2 : i32
      %shift_left3A_612 = vector.broadcast %shift_left3A : i32 to vector<16xi32>
      %shift_left3A_613 = arith.shli %and3A_611, %shift_left3A_612 : vector<16xi32>
      %add3A_614 = arith.addi %and3A_608, %shift_left3A_613 : vector<16xi32>
      %shift_right_arithmetic3A = arith.constant 7 : i32
      %shift_right_arithmetic3A_615 = vector.broadcast %shift_right_arithmetic3A : i32 to vector<16xi32>
      %shift_right_arithmetic3A_616 = arith.shrsi %get3A_606, %shift_right_arithmetic3A_615 : vector<16xi32>
      %and3A_617 = arith.constant 3 : i32
      %and3A_618 = vector.broadcast %and3A_617 : i32 to vector<16xi32>
      %and3A_619 = arith.andi %shift_right_arithmetic3A_616, %and3A_618 : vector<16xi32>
      %add3A_620 = arith.addi %add3A_614, %and3A_619 : vector<16xi32>
      %swap3A = arith.index_cast %add3A_604 : i32 to index
      %swap3A_621 = tpu.vector_load %arg6[%swap3A] {strides = array<i32>} : memref<25600xi32, #tpu.memory_space<vmem>>, vector<16xi32>,
      %swap3A_622 = vector.shape_cast %swap3A_621 : vector<16xi32> to vector<16xi32>
      %swap3A_623 = vector.shape_cast %add3A_620 : vector<16xi32> to vector<16xi32>
      tpu.vector_store %arg6[%swap3A], %swap3A_623 {strides = array<i32>} : memref<25600xi32, #tpu.memory_space<vmem>>, vector<16xi32>,
    }
    %scan3A_140 = arith.constant 80 : i32
    %dma_start3A_141 = arith.constant 6400 : i32
    %dma_start3A_142 = tpu.memref_slice %arg6[%dma_start3A_141] : memref<25600xi32, #tpu.memory_space<vmem>> -> memref<1280xi32, #tpu.memory_space<vmem>>
    %dma_start3A_143 = arith.constant 0 : i32
    %dma_start3A_144 = arith.constant 0 : i32
    %dma_start3A_145 = tpu.memref_slice %arg4[%dma_start3A_143, %dma_start3A_144] : memref<1007616x32xf32, #tpu.memory_space<hbm>> -> memref<1007616x32xf32, #tpu.memory_space<hbm>>
    tpu.enqueue_indirect_dma source(%dma_start3A_145 : memref<1007616x32xf32, #tpu.memory_space<hbm>>) target(%arg8 : memref<1280x32xf32, #tpu.memory_space<vmem>>) offsets(%dma_start3A_142 : memref<1280xi32, #tpu.memory_space<vmem>>) semaphore(%arg12 : memref<!tpu.dma_semaphore, #tpu.memory_space<semaphore_mem>>)
    %add3A_146 = arith.constant 6400 : i32
    %add3A_147 = arith.addi %mul3A_2, %add3A_146 : i32
    %dma_start3A_148 = tpu.memref_slice %arg3[%add3A_147] : memref<819200xi32, #tpu.memory_space<hbm>> -> memref<1280xi32, #tpu.memory_space<hbm>>
    %dma_start3A_149 = tpu.memref_slice %arg3[%add3A_147] : memref<819200xi32, #tpu.memory_space<hbm>> -> memref<1280xi32, #tpu.memory_space<hbm>>
    tpu.enqueue_dma source(%dma_start3A_149 : memref<1280xi32, #tpu.memory_space<hbm>>) target(%arg10 : memref<1280xi32, #tpu.memory_space<vmem>>) target_semaphore(%arg16 : memref<!tpu.dma_semaphore, #tpu.memory_space<semaphore_mem>>)
    %dma_wait3A_150 = arith.constant 5120 : i32
    %dma_wait3A_151 = tpu.memref_slice %arg6[%dma_wait3A_150] : memref<25600xi32, #tpu.memory_space<vmem>> -> memref<1280xi32, #tpu.memory_space<vmem>>
    %dma_wait3A_152 = arith.constant 0 : i32
    %dma_wait3A_153 = arith.constant 0 : i32
    %dma_wait3A_154 = tpu.memref_slice %arg4[%dma_wait3A_152, %dma_wait3A_153] : memref<1007616x32xf32, #tpu.memory_space<hbm>> -> memref<1007616x32xf32, #tpu.memory_space<hbm>>
    tpu.wait_indirect_dma semaphore(%arg11 : memref<!tpu.dma_semaphore, #tpu.memory_space<semaphore_mem>>) src(%dma_wait3A_154 : memref<1007616x32xf32, #tpu.memory_space<hbm>>) dst(%arg7 : memref<1280x32xf32, #tpu.memory_space<vmem>>)
    %add3A_155 = arith.constant 5120 : i32
    %add3A_156 = arith.addi %mul3A_2, %add3A_155 : i32
    %dma_wait3A_157 = tpu.memref_slice %arg3[%add3A_156] : memref<819200xi32, #tpu.memory_space<hbm>> -> memref<1280xi32, #tpu.memory_space<hbm>>
    %dma_wait3A_158 = tpu.memref_slice %arg3[%add3A_156] : memref<819200xi32, #tpu.memory_space<hbm>> -> memref<1280xi32, #tpu.memory_space<hbm>>
    tpu.wait_dma2 semaphore(%arg15 : memref<!tpu.dma_semaphore, #tpu.memory_space<semaphore_mem>>) src(%dma_wait3A_158 : memref<1280xi32, #tpu.memory_space<hbm>>) dst(%arg9 : memref<1280xi32, #tpu.memory_space<vmem>>)
    %dma_start3A_159 = arith.constant 0 : i32
    %dma_start3A_160 = arith.constant 0 : i32
    %dma_start3A_161 = tpu.memref_slice %arg5[%dma_start3A_159, %dma_start3A_160] : memref<819200x32xf32, #tpu.memory_space<hbm>> -> memref<819200x32xf32, #tpu.memory_space<hbm>>
    tpu.enqueue_indirect_dma source(%arg7 : memref<1280x32xf32, #tpu.memory_space<vmem>>) target(%dma_start3A_161 : memref<819200x32xf32, #tpu.memory_space<hbm>>) offsets(%arg9 : memref<1280xi32, #tpu.memory_space<vmem>>) semaphore(%arg13 : memref<!tpu.dma_semaphore, #tpu.memory_space<semaphore_mem>>)
    %dma_wait3A_162 = arith.constant 0 : i32
    %dma_wait3A_163 = arith.constant 0 : i32
    %dma_wait3A_164 = tpu.memref_slice %arg5[%dma_wait3A_162, %dma_wait3A_163] : memref<819200x32xf32, #tpu.memory_space<hbm>> -> memref<819200x32xf32, #tpu.memory_space<hbm>>
    tpu.wait_indirect_dma semaphore(%arg13 : memref<!tpu.dma_semaphore, #tpu.memory_space<semaphore_mem>>) src(%arg7 : memref<1280x32xf32, #tpu.memory_space<vmem>>) dst(%dma_wait3A_164 : memref<819200x32xf32, #tpu.memory_space<hbm>>)
    %scan3A_165 = arith.constant 0 : i32
    %scan3A_166 = arith.constant 0 : i32
    %scan3A_167 = arith.constant 80 : i32
    %scan3A_168 = arith.addi %scan3A_166, %scan3A_167 : i32
    %scan3A_169 = arith.constant 1 : i32
    scf.for %scan3A_600 = %scan3A_166 to %scan3A_168 step %scan3A_169  : i32 {
      %mul3A_601 = arith.constant 16 : i32
      %mul3A_602 = arith.muli %scan3A_600, %mul3A_601 : i32
      %add3A_603 = arith.constant 7680 : i32
      %add3A_604 = arith.addi %add3A_603, %mul3A_602 : i32
      %get3A = arith.index_cast %add3A_604 : i32 to index
      %get3A_605 = tpu.vector_load %arg6[%get3A] {strides = array<i32>} : memref<25600xi32, #tpu.memory_space<vmem>>, vector<16xi32>,
      %get3A_606 = vector.shape_cast %get3A_605 : vector<16xi32> to vector<16xi32>
      %and3A = arith.constant -512 : i32
      %and3A_607 = vector.broadcast %and3A : i32 to vector<16xi32>
      %and3A_608 = arith.andi %get3A_606, %and3A_607 : vector<16xi32>
      %and3A_609 = arith.constant 127 : i32
      %and3A_610 = vector.broadcast %and3A_609 : i32 to vector<16xi32>
      %and3A_611 = arith.andi %get3A_606, %and3A_610 : vector<16xi32>
      %shift_left3A = arith.constant 2 : i32
      %shift_left3A_612 = vector.broadcast %shift_left3A : i32 to vector<16xi32>
      %shift_left3A_613 = arith.shli %and3A_611, %shift_left3A_612 : vector<16xi32>
      %add3A_614 = arith.addi %and3A_608, %shift_left3A_613 : vector<16xi32>
      %shift_right_arithmetic3A = arith.constant 7 : i32
      %shift_right_arithmetic3A_615 = vector.broadcast %shift_right_arithmetic3A : i32 to vector<16xi32>
      %shift_right_arithmetic3A_616 = arith.shrsi %get3A_606, %shift_right_arithmetic3A_615 : vector<16xi32>
      %and3A_617 = arith.constant 3 : i32
      %and3A_618 = vector.broadcast %and3A_617 : i32 to vector<16xi32>
      %and3A_619 = arith.andi %shift_right_arithmetic3A_616, %and3A_618 : vector<16xi32>
      %add3A_620 = arith.addi %add3A_614, %and3A_619 : vector<16xi32>
      %swap3A = arith.index_cast %add3A_604 : i32 to index
      %swap3A_621 = tpu.vector_load %arg6[%swap3A] {strides = array<i32>} : memref<25600xi32, #tpu.memory_space<vmem>>, vector<16xi32>,
      %swap3A_622 = vector.shape_cast %swap3A_621 : vector<16xi32> to vector<16xi32>
      %swap3A_623 = vector.shape_cast %add3A_620 : vector<16xi32> to vector<16xi32>
      tpu.vector_store %arg6[%swap3A], %swap3A_623 {strides = array<i32>} : memref<25600xi32, #tpu.memory_space<vmem>>, vector<16xi32>,
    }
    %scan3A_170 = arith.constant 80 : i32
    %dma_start3A_171 = arith.constant 7680 : i32
    %dma_start3A_172 = tpu.memref_slice %arg6[%dma_start3A_171] : memref<25600xi32, #tpu.memory_space<vmem>> -> memref<1280xi32, #tpu.memory_space<vmem>>
    %dma_start3A_173 = arith.constant 0 : i32
    %dma_start3A_174 = arith.constant 0 : i32
    %dma_start3A_175 = tpu.memref_slice %arg4[%dma_start3A_173, %dma_start3A_174] : memref<1007616x32xf32, #tpu.memory_space<hbm>> -> memref<1007616x32xf32, #tpu.memory_space<hbm>>
    tpu.enqueue_indirect_dma source(%dma_start3A_175 : memref<1007616x32xf32, #tpu.memory_space<hbm>>) target(%arg7 : memref<1280x32xf32, #tpu.memory_space<vmem>>) offsets(%dma_start3A_172 : memref<1280xi32, #tpu.memory_space<vmem>>) semaphore(%arg11 : memref<!tpu.dma_semaphore, #tpu.memory_space<semaphore_mem>>)
    %add3A_176 = arith.constant 7680 : i32
    %add3A_177 = arith.addi %mul3A_2, %add3A_176 : i32
    %dma_start3A_178 = tpu.memref_slice %arg3[%add3A_177] : memref<819200xi32, #tpu.memory_space<hbm>> -> memref<1280xi32, #tpu.memory_space<hbm>>
    %dma_start3A_179 = tpu.memref_slice %arg3[%add3A_177] : memref<819200xi32, #tpu.memory_space<hbm>> -> memref<1280xi32, #tpu.memory_space<hbm>>
    tpu.enqueue_dma source(%dma_start3A_179 : memref<1280xi32, #tpu.memory_space<hbm>>) target(%arg9 : memref<1280xi32, #tpu.memory_space<vmem>>) target_semaphore(%arg15 : memref<!tpu.dma_semaphore, #tpu.memory_space<semaphore_mem>>)
    %dma_wait3A_180 = arith.constant 6400 : i32
    %dma_wait3A_181 = tpu.memref_slice %arg6[%dma_wait3A_180] : memref<25600xi32, #tpu.memory_space<vmem>> -> memref<1280xi32, #tpu.memory_space<vmem>>
    %dma_wait3A_182 = arith.constant 0 : i32
    %dma_wait3A_183 = arith.constant 0 : i32
    %dma_wait3A_184 = tpu.memref_slice %arg4[%dma_wait3A_182, %dma_wait3A_183] : memref<1007616x32xf32, #tpu.memory_space<hbm>> -> memref<1007616x32xf32, #tpu.memory_space<hbm>>
    tpu.wait_indirect_dma semaphore(%arg12 : memref<!tpu.dma_semaphore, #tpu.memory_space<semaphore_mem>>) src(%dma_wait3A_184 : memref<1007616x32xf32, #tpu.memory_space<hbm>>) dst(%arg8 : memref<1280x32xf32, #tpu.memory_space<vmem>>)
    %add3A_185 = arith.constant 6400 : i32
    %add3A_186 = arith.addi %mul3A_2, %add3A_185 : i32
    %dma_wait3A_187 = tpu.memref_slice %arg3[%add3A_186] : memref<819200xi32, #tpu.memory_space<hbm>> -> memref<1280xi32, #tpu.memory_space<hbm>>
    %dma_wait3A_188 = tpu.memref_slice %arg3[%add3A_186] : memref<819200xi32, #tpu.memory_space<hbm>> -> memref<1280xi32, #tpu.memory_space<hbm>>
    tpu.wait_dma2 semaphore(%arg16 : memref<!tpu.dma_semaphore, #tpu.memory_space<semaphore_mem>>) src(%dma_wait3A_188 : memref<1280xi32, #tpu.memory_space<hbm>>) dst(%arg10 : memref<1280xi32, #tpu.memory_space<vmem>>)
    %dma_start3A_189 = arith.constant 0 : i32
    %dma_start3A_190 = arith.constant 0 : i32
    %dma_start3A_191 = tpu.memref_slice %arg5[%dma_start3A_189, %dma_start3A_190] : memref<819200x32xf32, #tpu.memory_space<hbm>> -> memref<819200x32xf32, #tpu.memory_space<hbm>>
    tpu.enqueue_indirect_dma source(%arg8 : memref<1280x32xf32, #tpu.memory_space<vmem>>) target(%dma_start3A_191 : memref<819200x32xf32, #tpu.memory_space<hbm>>) offsets(%arg10 : memref<1280xi32, #tpu.memory_space<vmem>>) semaphore(%arg14 : memref<!tpu.dma_semaphore, #tpu.memory_space<semaphore_mem>>)
    %dma_wait3A_192 = arith.constant 0 : i32
    %dma_wait3A_193 = arith.constant 0 : i32
    %dma_wait3A_194 = tpu.memref_slice %arg5[%dma_wait3A_192, %dma_wait3A_193] : memref<819200x32xf32, #tpu.memory_space<hbm>> -> memref<819200x32xf32, #tpu.memory_space<hbm>>
    tpu.wait_indirect_dma semaphore(%arg14 : memref<!tpu.dma_semaphore, #tpu.memory_space<semaphore_mem>>) src(%arg8 : memref<1280x32xf32, #tpu.memory_space<vmem>>) dst(%dma_wait3A_194 : memref<819200x32xf32, #tpu.memory_space<hbm>>)
    %scan3A_195 = arith.constant 0 : i32
    %scan3A_196 = arith.constant 0 : i32
    %scan3A_197 = arith.constant 80 : i32
    %scan3A_198 = arith.addi %scan3A_196, %scan3A_197 : i32
    %scan3A_199 = arith.constant 1 : i32
    scf.for %scan3A_600 = %scan3A_196 to %scan3A_198 step %scan3A_199  : i32 {
      %mul3A_601 = arith.constant 16 : i32
      %mul3A_602 = arith.muli %scan3A_600, %mul3A_601 : i32
      %add3A_603 = arith.constant 8960 : i32
      %add3A_604 = arith.addi %add3A_603, %mul3A_602 : i32
      %get3A = arith.index_cast %add3A_604 : i32 to index
      %get3A_605 = tpu.vector_load %arg6[%get3A] {strides = array<i32>} : memref<25600xi32, #tpu.memory_space<vmem>>, vector<16xi32>,
      %get3A_606 = vector.shape_cast %get3A_605 : vector<16xi32> to vector<16xi32>
      %and3A = arith.constant -512 : i32
      %and3A_607 = vector.broadcast %and3A : i32 to vector<16xi32>
      %and3A_608 = arith.andi %get3A_606, %and3A_607 : vector<16xi32>
      %and3A_609 = arith.constant 127 : i32
      %and3A_610 = vector.broadcast %and3A_609 : i32 to vector<16xi32>
      %and3A_611 = arith.andi %get3A_606, %and3A_610 : vector<16xi32>
      %shift_left3A = arith.constant 2 : i32
      %shift_left3A_612 = vector.broadcast %shift_left3A : i32 to vector<16xi32>
      %shift_left3A_613 = arith.shli %and3A_611, %shift_left3A_612 : vector<16xi32>
      %add3A_614 = arith.addi %and3A_608, %shift_left3A_613 : vector<16xi32>
      %shift_right_arithmetic3A = arith.constant 7 : i32
      %shift_right_arithmetic3A_615 = vector.broadcast %shift_right_arithmetic3A : i32 to vector<16xi32>
      %shift_right_arithmetic3A_616 = arith.shrsi %get3A_606, %shift_right_arithmetic3A_615 : vector<16xi32>
      %and3A_617 = arith.constant 3 : i32
      %and3A_618 = vector.broadcast %and3A_617 : i32 to vector<16xi32>
      %and3A_619 = arith.andi %shift_right_arithmetic3A_616, %and3A_618 : vector<16xi32>
      %add3A_620 = arith.addi %add3A_614, %and3A_619 : vector<16xi32>
      %swap3A = arith.index_cast %add3A_604 : i32 to index
      %swap3A_621 = tpu.vector_load %arg6[%swap3A] {strides = array<i32>} : memref<25600xi32, #tpu.memory_space<vmem>>, vector<16xi32>,
      %swap3A_622 = vector.shape_cast %swap3A_621 : vector<16xi32> to vector<16xi32>
      %swap3A_623 = vector.shape_cast %add3A_620 : vector<16xi32> to vector<16xi32>
      tpu.vector_store %arg6[%swap3A], %swap3A_623 {strides = array<i32>} : memref<25600xi32, #tpu.memory_space<vmem>>, vector<16xi32>,
    }
    %scan3A_200 = arith.constant 80 : i32
    %dma_start3A_201 = arith.constant 8960 : i32
    %dma_start3A_202 = tpu.memref_slice %arg6[%dma_start3A_201] : memref<25600xi32, #tpu.memory_space<vmem>> -> memref<1280xi32, #tpu.memory_space<vmem>>
    %dma_start3A_203 = arith.constant 0 : i32
    %dma_start3A_204 = arith.constant 0 : i32
    %dma_start3A_205 = tpu.memref_slice %arg4[%dma_start3A_203, %dma_start3A_204] : memref<1007616x32xf32, #tpu.memory_space<hbm>> -> memref<1007616x32xf32, #tpu.memory_space<hbm>>
    tpu.enqueue_indirect_dma source(%dma_start3A_205 : memref<1007616x32xf32, #tpu.memory_space<hbm>>) target(%arg8 : memref<1280x32xf32, #tpu.memory_space<vmem>>) offsets(%dma_start3A_202 : memref<1280xi32, #tpu.memory_space<vmem>>) semaphore(%arg12 : memref<!tpu.dma_semaphore, #tpu.memory_space<semaphore_mem>>)
    %add3A_206 = arith.constant 8960 : i32
    %add3A_207 = arith.addi %mul3A_2, %add3A_206 : i32
    %dma_start3A_208 = tpu.memref_slice %arg3[%add3A_207] : memref<819200xi32, #tpu.memory_space<hbm>> -> memref<1280xi32, #tpu.memory_space<hbm>>
    %dma_start3A_209 = tpu.memref_slice %arg3[%add3A_207] : memref<819200xi32, #tpu.memory_space<hbm>> -> memref<1280xi32, #tpu.memory_space<hbm>>
    tpu.enqueue_dma source(%dma_start3A_209 : memref<1280xi32, #tpu.memory_space<hbm>>) target(%arg10 : memref<1280xi32, #tpu.memory_space<vmem>>) target_semaphore(%arg16 : memref<!tpu.dma_semaphore, #tpu.memory_space<semaphore_mem>>)
    %dma_wait3A_210 = arith.constant 7680 : i32
    %dma_wait3A_211 = tpu.memref_slice %arg6[%dma_wait3A_210] : memref<25600xi32, #tpu.memory_space<vmem>> -> memref<1280xi32, #tpu.memory_space<vmem>>
    %dma_wait3A_212 = arith.constant 0 : i32
    %dma_wait3A_213 = arith.constant 0 : i32
    %dma_wait3A_214 = tpu.memref_slice %arg4[%dma_wait3A_212, %dma_wait3A_213] : memref<1007616x32xf32, #tpu.memory_space<hbm>> -> memref<1007616x32xf32, #tpu.memory_space<hbm>>
    tpu.wait_indirect_dma semaphore(%arg11 : memref<!tpu.dma_semaphore, #tpu.memory_space<semaphore_mem>>) src(%dma_wait3A_214 : memref<1007616x32xf32, #tpu.memory_space<hbm>>) dst(%arg7 : memref<1280x32xf32, #tpu.memory_space<vmem>>)
    %add3A_215 = arith.constant 7680 : i32
    %add3A_216 = arith.addi %mul3A_2, %add3A_215 : i32
    %dma_wait3A_217 = tpu.memref_slice %arg3[%add3A_216] : memref<819200xi32, #tpu.memory_space<hbm>> -> memref<1280xi32, #tpu.memory_space<hbm>>
    %dma_wait3A_218 = tpu.memref_slice %arg3[%add3A_216] : memref<819200xi32, #tpu.memory_space<hbm>> -> memref<1280xi32, #tpu.memory_space<hbm>>
    tpu.wait_dma2 semaphore(%arg15 : memref<!tpu.dma_semaphore, #tpu.memory_space<semaphore_mem>>) src(%dma_wait3A_218 : memref<1280xi32, #tpu.memory_space<hbm>>) dst(%arg9 : memref<1280xi32, #tpu.memory_space<vmem>>)
    %dma_start3A_219 = arith.constant 0 : i32
    %dma_start3A_220 = arith.constant 0 : i32
    %dma_start3A_221 = tpu.memref_slice %arg5[%dma_start3A_219, %dma_start3A_220] : memref<819200x32xf32, #tpu.memory_space<hbm>> -> memref<819200x32xf32, #tpu.memory_space<hbm>>
    tpu.enqueue_indirect_dma source(%arg7 : memref<1280x32xf32, #tpu.memory_space<vmem>>) target(%dma_start3A_221 : memref<819200x32xf32, #tpu.memory_space<hbm>>) offsets(%arg9 : memref<1280xi32, #tpu.memory_space<vmem>>) semaphore(%arg13 : memref<!tpu.dma_semaphore, #tpu.memory_space<semaphore_mem>>)
    %dma_wait3A_222 = arith.constant 0 : i32
    %dma_wait3A_223 = arith.constant 0 : i32
    %dma_wait3A_224 = tpu.memref_slice %arg5[%dma_wait3A_222, %dma_wait3A_223] : memref<819200x32xf32, #tpu.memory_space<hbm>> -> memref<819200x32xf32, #tpu.memory_space<hbm>>
    tpu.wait_indirect_dma semaphore(%arg13 : memref<!tpu.dma_semaphore, #tpu.memory_space<semaphore_mem>>) src(%arg7 : memref<1280x32xf32, #tpu.memory_space<vmem>>) dst(%dma_wait3A_224 : memref<819200x32xf32, #tpu.memory_space<hbm>>)
    %scan3A_225 = arith.constant 0 : i32
    %scan3A_226 = arith.constant 0 : i32
    %scan3A_227 = arith.constant 80 : i32
    %scan3A_228 = arith.addi %scan3A_226, %scan3A_227 : i32
    %scan3A_229 = arith.constant 1 : i32
    scf.for %scan3A_600 = %scan3A_226 to %scan3A_228 step %scan3A_229  : i32 {
      %mul3A_601 = arith.constant 16 : i32
      %mul3A_602 = arith.muli %scan3A_600, %mul3A_601 : i32
      %add3A_603 = arith.constant 10240 : i32
      %add3A_604 = arith.addi %add3A_603, %mul3A_602 : i32
      %get3A = arith.index_cast %add3A_604 : i32 to index
      %get3A_605 = tpu.vector_load %arg6[%get3A] {strides = array<i32>} : memref<25600xi32, #tpu.memory_space<vmem>>, vector<16xi32>,
      %get3A_606 = vector.shape_cast %get3A_605 : vector<16xi32> to vector<16xi32>
      %and3A = arith.constant -512 : i32
      %and3A_607 = vector.broadcast %and3A : i32 to vector<16xi32>
      %and3A_608 = arith.andi %get3A_606, %and3A_607 : vector<16xi32>
      %and3A_609 = arith.constant 127 : i32
      %and3A_610 = vector.broadcast %and3A_609 : i32 to vector<16xi32>
      %and3A_611 = arith.andi %get3A_606, %and3A_610 : vector<16xi32>
      %shift_left3A = arith.constant 2 : i32
      %shift_left3A_612 = vector.broadcast %shift_left3A : i32 to vector<16xi32>
      %shift_left3A_613 = arith.shli %and3A_611, %shift_left3A_612 : vector<16xi32>
      %add3A_614 = arith.addi %and3A_608, %shift_left3A_613 : vector<16xi32>
      %shift_right_arithmetic3A = arith.constant 7 : i32
      %shift_right_arithmetic3A_615 = vector.broadcast %shift_right_arithmetic3A : i32 to vector<16xi32>
      %shift_right_arithmetic3A_616 = arith.shrsi %get3A_606, %shift_right_arithmetic3A_615 : vector<16xi32>
      %and3A_617 = arith.constant 3 : i32
      %and3A_618 = vector.broadcast %and3A_617 : i32 to vector<16xi32>
      %and3A_619 = arith.andi %shift_right_arithmetic3A_616, %and3A_618 : vector<16xi32>
      %add3A_620 = arith.addi %add3A_614, %and3A_619 : vector<16xi32>
      %swap3A = arith.index_cast %add3A_604 : i32 to index
      %swap3A_621 = tpu.vector_load %arg6[%swap3A] {strides = array<i32>} : memref<25600xi32, #tpu.memory_space<vmem>>, vector<16xi32>,
      %swap3A_622 = vector.shape_cast %swap3A_621 : vector<16xi32> to vector<16xi32>
      %swap3A_623 = vector.shape_cast %add3A_620 : vector<16xi32> to vector<16xi32>
      tpu.vector_store %arg6[%swap3A], %swap3A_623 {strides = array<i32>} : memref<25600xi32, #tpu.memory_space<vmem>>, vector<16xi32>,
    }
    %scan3A_230 = arith.constant 80 : i32
    %dma_start3A_231 = arith.constant 10240 : i32
    %dma_start3A_232 = tpu.memref_slice %arg6[%dma_start3A_231] : memref<25600xi32, #tpu.memory_space<vmem>> -> memref<1280xi32, #tpu.memory_space<vmem>>
    %dma_start3A_233 = arith.constant 0 : i32
    %dma_start3A_234 = arith.constant 0 : i32
    %dma_start3A_235 = tpu.memref_slice %arg4[%dma_start3A_233, %dma_start3A_234] : memref<1007616x32xf32, #tpu.memory_space<hbm>> -> memref<1007616x32xf32, #tpu.memory_space<hbm>>
    tpu.enqueue_indirect_dma source(%dma_start3A_235 : memref<1007616x32xf32, #tpu.memory_space<hbm>>) target(%arg7 : memref<1280x32xf32, #tpu.memory_space<vmem>>) offsets(%dma_start3A_232 : memref<1280xi32, #tpu.memory_space<vmem>>) semaphore(%arg11 : memref<!tpu.dma_semaphore, #tpu.memory_space<semaphore_mem>>)
    %add3A_236 = arith.constant 10240 : i32
    %add3A_237 = arith.addi %mul3A_2, %add3A_236 : i32
    %dma_start3A_238 = tpu.memref_slice %arg3[%add3A_237] : memref<819200xi32, #tpu.memory_space<hbm>> -> memref<1280xi32, #tpu.memory_space<hbm>>
    %dma_start3A_239 = tpu.memref_slice %arg3[%add3A_237] : memref<819200xi32, #tpu.memory_space<hbm>> -> memref<1280xi32, #tpu.memory_space<hbm>>
    tpu.enqueue_dma source(%dma_start3A_239 : memref<1280xi32, #tpu.memory_space<hbm>>) target(%arg9 : memref<1280xi32, #tpu.memory_space<vmem>>) target_semaphore(%arg15 : memref<!tpu.dma_semaphore, #tpu.memory_space<semaphore_mem>>)
    %dma_wait3A_240 = arith.constant 8960 : i32
    %dma_wait3A_241 = tpu.memref_slice %arg6[%dma_wait3A_240] : memref<25600xi32, #tpu.memory_space<vmem>> -> memref<1280xi32, #tpu.memory_space<vmem>>
    %dma_wait3A_242 = arith.constant 0 : i32
    %dma_wait3A_243 = arith.constant 0 : i32
    %dma_wait3A_244 = tpu.memref_slice %arg4[%dma_wait3A_242, %dma_wait3A_243] : memref<1007616x32xf32, #tpu.memory_space<hbm>> -> memref<1007616x32xf32, #tpu.memory_space<hbm>>
    tpu.wait_indirect_dma semaphore(%arg12 : memref<!tpu.dma_semaphore, #tpu.memory_space<semaphore_mem>>) src(%dma_wait3A_244 : memref<1007616x32xf32, #tpu.memory_space<hbm>>) dst(%arg8 : memref<1280x32xf32, #tpu.memory_space<vmem>>)
    %add3A_245 = arith.constant 8960 : i32
    %add3A_246 = arith.addi %mul3A_2, %add3A_245 : i32
    %dma_wait3A_247 = tpu.memref_slice %arg3[%add3A_246] : memref<819200xi32, #tpu.memory_space<hbm>> -> memref<1280xi32, #tpu.memory_space<hbm>>
    %dma_wait3A_248 = tpu.memref_slice %arg3[%add3A_246] : memref<819200xi32, #tpu.memory_space<hbm>> -> memref<1280xi32, #tpu.memory_space<hbm>>
    tpu.wait_dma2 semaphore(%arg16 : memref<!tpu.dma_semaphore, #tpu.memory_space<semaphore_mem>>) src(%dma_wait3A_248 : memref<1280xi32, #tpu.memory_space<hbm>>) dst(%arg10 : memref<1280xi32, #tpu.memory_space<vmem>>)
    %dma_start3A_249 = arith.constant 0 : i32
    %dma_start3A_250 = arith.constant 0 : i32
    %dma_start3A_251 = tpu.memref_slice %arg5[%dma_start3A_249, %dma_start3A_250] : memref<819200x32xf32, #tpu.memory_space<hbm>> -> memref<819200x32xf32, #tpu.memory_space<hbm>>
    tpu.enqueue_indirect_dma source(%arg8 : memref<1280x32xf32, #tpu.memory_space<vmem>>) target(%dma_start3A_251 : memref<819200x32xf32, #tpu.memory_space<hbm>>) offsets(%arg10 : memref<1280xi32, #tpu.memory_space<vmem>>) semaphore(%arg14 : memref<!tpu.dma_semaphore, #tpu.memory_space<semaphore_mem>>)
    %dma_wait3A_252 = arith.constant 0 : i32
    %dma_wait3A_253 = arith.constant 0 : i32
    %dma_wait3A_254 = tpu.memref_slice %arg5[%dma_wait3A_252, %dma_wait3A_253] : memref<819200x32xf32, #tpu.memory_space<hbm>> -> memref<819200x32xf32, #tpu.memory_space<hbm>>
    tpu.wait_indirect_dma semaphore(%arg14 : memref<!tpu.dma_semaphore, #tpu.memory_space<semaphore_mem>>) src(%arg8 : memref<1280x32xf32, #tpu.memory_space<vmem>>) dst(%dma_wait3A_254 : memref<819200x32xf32, #tpu.memory_space<hbm>>)
    %scan3A_255 = arith.constant 0 : i32
    %scan3A_256 = arith.constant 0 : i32
    %scan3A_257 = arith.constant 80 : i32
    %scan3A_258 = arith.addi %scan3A_256, %scan3A_257 : i32
    %scan3A_259 = arith.constant 1 : i32
    scf.for %scan3A_600 = %scan3A_256 to %scan3A_258 step %scan3A_259  : i32 {
      %mul3A_601 = arith.constant 16 : i32
      %mul3A_602 = arith.muli %scan3A_600, %mul3A_601 : i32
      %add3A_603 = arith.constant 11520 : i32
      %add3A_604 = arith.addi %add3A_603, %mul3A_602 : i32
      %get3A = arith.index_cast %add3A_604 : i32 to index
      %get3A_605 = tpu.vector_load %arg6[%get3A] {strides = array<i32>} : memref<25600xi32, #tpu.memory_space<vmem>>, vector<16xi32>,
      %get3A_606 = vector.shape_cast %get3A_605 : vector<16xi32> to vector<16xi32>
      %and3A = arith.constant -512 : i32
      %and3A_607 = vector.broadcast %and3A : i32 to vector<16xi32>
      %and3A_608 = arith.andi %get3A_606, %and3A_607 : vector<16xi32>
      %and3A_609 = arith.constant 127 : i32
      %and3A_610 = vector.broadcast %and3A_609 : i32 to vector<16xi32>
      %and3A_611 = arith.andi %get3A_606, %and3A_610 : vector<16xi32>
      %shift_left3A = arith.constant 2 : i32
      %shift_left3A_612 = vector.broadcast %shift_left3A : i32 to vector<16xi32>
      %shift_left3A_613 = arith.shli %and3A_611, %shift_left3A_612 : vector<16xi32>
      %add3A_614 = arith.addi %and3A_608, %shift_left3A_613 : vector<16xi32>
      %shift_right_arithmetic3A = arith.constant 7 : i32
      %shift_right_arithmetic3A_615 = vector.broadcast %shift_right_arithmetic3A : i32 to vector<16xi32>
      %shift_right_arithmetic3A_616 = arith.shrsi %get3A_606, %shift_right_arithmetic3A_615 : vector<16xi32>
      %and3A_617 = arith.constant 3 : i32
      %and3A_618 = vector.broadcast %and3A_617 : i32 to vector<16xi32>
      %and3A_619 = arith.andi %shift_right_arithmetic3A_616, %and3A_618 : vector<16xi32>
      %add3A_620 = arith.addi %add3A_614, %and3A_619 : vector<16xi32>
      %swap3A = arith.index_cast %add3A_604 : i32 to index
      %swap3A_621 = tpu.vector_load %arg6[%swap3A] {strides = array<i32>} : memref<25600xi32, #tpu.memory_space<vmem>>, vector<16xi32>,
      %swap3A_622 = vector.shape_cast %swap3A_621 : vector<16xi32> to vector<16xi32>
      %swap3A_623 = vector.shape_cast %add3A_620 : vector<16xi32> to vector<16xi32>
      tpu.vector_store %arg6[%swap3A], %swap3A_623 {strides = array<i32>} : memref<25600xi32, #tpu.memory_space<vmem>>, vector<16xi32>,
    }
    %scan3A_260 = arith.constant 80 : i32
    %dma_start3A_261 = arith.constant 11520 : i32
    %dma_start3A_262 = tpu.memref_slice %arg6[%dma_start3A_261] : memref<25600xi32, #tpu.memory_space<vmem>> -> memref<1280xi32, #tpu.memory_space<vmem>>
    %dma_start3A_263 = arith.constant 0 : i32
    %dma_start3A_264 = arith.constant 0 : i32
    %dma_start3A_265 = tpu.memref_slice %arg4[%dma_start3A_263, %dma_start3A_264] : memref<1007616x32xf32, #tpu.memory_space<hbm>> -> memref<1007616x32xf32, #tpu.memory_space<hbm>>
    tpu.enqueue_indirect_dma source(%dma_start3A_265 : memref<1007616x32xf32, #tpu.memory_space<hbm>>) target(%arg8 : memref<1280x32xf32, #tpu.memory_space<vmem>>) offsets(%dma_start3A_262 : memref<1280xi32, #tpu.memory_space<vmem>>) semaphore(%arg12 : memref<!tpu.dma_semaphore, #tpu.memory_space<semaphore_mem>>)
    %add3A_266 = arith.constant 11520 : i32
    %add3A_267 = arith.addi %mul3A_2, %add3A_266 : i32
    %dma_start3A_268 = tpu.memref_slice %arg3[%add3A_267] : memref<819200xi32, #tpu.memory_space<hbm>> -> memref<1280xi32, #tpu.memory_space<hbm>>
    %dma_start3A_269 = tpu.memref_slice %arg3[%add3A_267] : memref<819200xi32, #tpu.memory_space<hbm>> -> memref<1280xi32, #tpu.memory_space<hbm>>
    tpu.enqueue_dma source(%dma_start3A_269 : memref<1280xi32, #tpu.memory_space<hbm>>) target(%arg10 : memref<1280xi32, #tpu.memory_space<vmem>>) target_semaphore(%arg16 : memref<!tpu.dma_semaphore, #tpu.memory_space<semaphore_mem>>)
    %dma_wait3A_270 = arith.constant 10240 : i32
    %dma_wait3A_271 = tpu.memref_slice %arg6[%dma_wait3A_270] : memref<25600xi32, #tpu.memory_space<vmem>> -> memref<1280xi32, #tpu.memory_space<vmem>>
    %dma_wait3A_272 = arith.constant 0 : i32
    %dma_wait3A_273 = arith.constant 0 : i32
    %dma_wait3A_274 = tpu.memref_slice %arg4[%dma_wait3A_272, %dma_wait3A_273] : memref<1007616x32xf32, #tpu.memory_space<hbm>> -> memref<1007616x32xf32, #tpu.memory_space<hbm>>
    tpu.wait_indirect_dma semaphore(%arg11 : memref<!tpu.dma_semaphore, #tpu.memory_space<semaphore_mem>>) src(%dma_wait3A_274 : memref<1007616x32xf32, #tpu.memory_space<hbm>>) dst(%arg7 : memref<1280x32xf32, #tpu.memory_space<vmem>>)
    %add3A_275 = arith.constant 10240 : i32
    %add3A_276 = arith.addi %mul3A_2, %add3A_275 : i32
    %dma_wait3A_277 = tpu.memref_slice %arg3[%add3A_276] : memref<819200xi32, #tpu.memory_space<hbm>> -> memref<1280xi32, #tpu.memory_space<hbm>>
    %dma_wait3A_278 = tpu.memref_slice %arg3[%add3A_276] : memref<819200xi32, #tpu.memory_space<hbm>> -> memref<1280xi32, #tpu.memory_space<hbm>>
    tpu.wait_dma2 semaphore(%arg15 : memref<!tpu.dma_semaphore, #tpu.memory_space<semaphore_mem>>) src(%dma_wait3A_278 : memref<1280xi32, #tpu.memory_space<hbm>>) dst(%arg9 : memref<1280xi32, #tpu.memory_space<vmem>>)
    %dma_start3A_279 = arith.constant 0 : i32
    %dma_start3A_280 = arith.constant 0 : i32
    %dma_start3A_281 = tpu.memref_slice %arg5[%dma_start3A_279, %dma_start3A_280] : memref<819200x32xf32, #tpu.memory_space<hbm>> -> memref<819200x32xf32, #tpu.memory_space<hbm>>
    tpu.enqueue_indirect_dma source(%arg7 : memref<1280x32xf32, #tpu.memory_space<vmem>>) target(%dma_start3A_281 : memref<819200x32xf32, #tpu.memory_space<hbm>>) offsets(%arg9 : memref<1280xi32, #tpu.memory_space<vmem>>) semaphore(%arg13 : memref<!tpu.dma_semaphore, #tpu.memory_space<semaphore_mem>>)
    %dma_wait3A_282 = arith.constant 0 : i32
    %dma_wait3A_283 = arith.constant 0 : i32
    %dma_wait3A_284 = tpu.memref_slice %arg5[%dma_wait3A_282, %dma_wait3A_283] : memref<819200x32xf32, #tpu.memory_space<hbm>> -> memref<819200x32xf32, #tpu.memory_space<hbm>>
    tpu.wait_indirect_dma semaphore(%arg13 : memref<!tpu.dma_semaphore, #tpu.memory_space<semaphore_mem>>) src(%arg7 : memref<1280x32xf32, #tpu.memory_space<vmem>>) dst(%dma_wait3A_284 : memref<819200x32xf32, #tpu.memory_space<hbm>>)
    %scan3A_285 = arith.constant 0 : i32
    %scan3A_286 = arith.constant 0 : i32
    %scan3A_287 = arith.constant 80 : i32
    %scan3A_288 = arith.addi %scan3A_286, %scan3A_287 : i32
    %scan3A_289 = arith.constant 1 : i32
    scf.for %scan3A_600 = %scan3A_286 to %scan3A_288 step %scan3A_289  : i32 {
      %mul3A_601 = arith.constant 16 : i32
      %mul3A_602 = arith.muli %scan3A_600, %mul3A_601 : i32
      %add3A_603 = arith.constant 12800 : i32
      %add3A_604 = arith.addi %add3A_603, %mul3A_602 : i32
      %get3A = arith.index_cast %add3A_604 : i32 to index
      %get3A_605 = tpu.vector_load %arg6[%get3A] {strides = array<i32>} : memref<25600xi32, #tpu.memory_space<vmem>>, vector<16xi32>,
      %get3A_606 = vector.shape_cast %get3A_605 : vector<16xi32> to vector<16xi32>
      %and3A = arith.constant -512 : i32
      %and3A_607 = vector.broadcast %and3A : i32 to vector<16xi32>
      %and3A_608 = arith.andi %get3A_606, %and3A_607 : vector<16xi32>
      %and3A_609 = arith.constant 127 : i32
      %and3A_610 = vector.broadcast %and3A_609 : i32 to vector<16xi32>
      %and3A_611 = arith.andi %get3A_606, %and3A_610 : vector<16xi32>
      %shift_left3A = arith.constant 2 : i32
      %shift_left3A_612 = vector.broadcast %shift_left3A : i32 to vector<16xi32>
      %shift_left3A_613 = arith.shli %and3A_611, %shift_left3A_612 : vector<16xi32>
      %add3A_614 = arith.addi %and3A_608, %shift_left3A_613 : vector<16xi32>
      %shift_right_arithmetic3A = arith.constant 7 : i32
      %shift_right_arithmetic3A_615 = vector.broadcast %shift_right_arithmetic3A : i32 to vector<16xi32>
      %shift_right_arithmetic3A_616 = arith.shrsi %get3A_606, %shift_right_arithmetic3A_615 : vector<16xi32>
      %and3A_617 = arith.constant 3 : i32
      %and3A_618 = vector.broadcast %and3A_617 : i32 to vector<16xi32>
      %and3A_619 = arith.andi %shift_right_arithmetic3A_616, %and3A_618 : vector<16xi32>
      %add3A_620 = arith.addi %add3A_614, %and3A_619 : vector<16xi32>
      %swap3A = arith.index_cast %add3A_604 : i32 to index
      %swap3A_621 = tpu.vector_load %arg6[%swap3A] {strides = array<i32>} : memref<25600xi32, #tpu.memory_space<vmem>>, vector<16xi32>,
      %swap3A_622 = vector.shape_cast %swap3A_621 : vector<16xi32> to vector<16xi32>
      %swap3A_623 = vector.shape_cast %add3A_620 : vector<16xi32> to vector<16xi32>
      tpu.vector_store %arg6[%swap3A], %swap3A_623 {strides = array<i32>} : memref<25600xi32, #tpu.memory_space<vmem>>, vector<16xi32>,
    }
    %scan3A_290 = arith.constant 80 : i32
    %dma_start3A_291 = arith.constant 12800 : i32
    %dma_start3A_292 = tpu.memref_slice %arg6[%dma_start3A_291] : memref<25600xi32, #tpu.memory_space<vmem>> -> memref<1280xi32, #tpu.memory_space<vmem>>
    %dma_start3A_293 = arith.constant 0 : i32
    %dma_start3A_294 = arith.constant 0 : i32
    %dma_start3A_295 = tpu.memref_slice %arg4[%dma_start3A_293, %dma_start3A_294] : memref<1007616x32xf32, #tpu.memory_space<hbm>> -> memref<1007616x32xf32, #tpu.memory_space<hbm>>
    tpu.enqueue_indirect_dma source(%dma_start3A_295 : memref<1007616x32xf32, #tpu.memory_space<hbm>>) target(%arg7 : memref<1280x32xf32, #tpu.memory_space<vmem>>) offsets(%dma_start3A_292 : memref<1280xi32, #tpu.memory_space<vmem>>) semaphore(%arg11 : memref<!tpu.dma_semaphore, #tpu.memory_space<semaphore_mem>>)
    %add3A_296 = arith.constant 12800 : i32
    %add3A_297 = arith.addi %mul3A_2, %add3A_296 : i32
    %dma_start3A_298 = tpu.memref_slice %arg3[%add3A_297] : memref<819200xi32, #tpu.memory_space<hbm>> -> memref<1280xi32, #tpu.memory_space<hbm>>
    %dma_start3A_299 = tpu.memref_slice %arg3[%add3A_297] : memref<819200xi32, #tpu.memory_space<hbm>> -> memref<1280xi32, #tpu.memory_space<hbm>>
    tpu.enqueue_dma source(%dma_start3A_299 : memref<1280xi32, #tpu.memory_space<hbm>>) target(%arg9 : memref<1280xi32, #tpu.memory_space<vmem>>) target_semaphore(%arg15 : memref<!tpu.dma_semaphore, #tpu.memory_space<semaphore_mem>>)
    %dma_wait3A_300 = arith.constant 11520 : i32
    %dma_wait3A_301 = tpu.memref_slice %arg6[%dma_wait3A_300] : memref<25600xi32, #tpu.memory_space<vmem>> -> memref<1280xi32, #tpu.memory_space<vmem>>
    %dma_wait3A_302 = arith.constant 0 : i32
    %dma_wait3A_303 = arith.constant 0 : i32
    %dma_wait3A_304 = tpu.memref_slice %arg4[%dma_wait3A_302, %dma_wait3A_303] : memref<1007616x32xf32, #tpu.memory_space<hbm>> -> memref<1007616x32xf32, #tpu.memory_space<hbm>>
    tpu.wait_indirect_dma semaphore(%arg12 : memref<!tpu.dma_semaphore, #tpu.memory_space<semaphore_mem>>) src(%dma_wait3A_304 : memref<1007616x32xf32, #tpu.memory_space<hbm>>) dst(%arg8 : memref<1280x32xf32, #tpu.memory_space<vmem>>)
    %add3A_305 = arith.constant 11520 : i32
    %add3A_306 = arith.addi %mul3A_2, %add3A_305 : i32
    %dma_wait3A_307 = tpu.memref_slice %arg3[%add3A_306] : memref<819200xi32, #tpu.memory_space<hbm>> -> memref<1280xi32, #tpu.memory_space<hbm>>
    %dma_wait3A_308 = tpu.memref_slice %arg3[%add3A_306] : memref<819200xi32, #tpu.memory_space<hbm>> -> memref<1280xi32, #tpu.memory_space<hbm>>
    tpu.wait_dma2 semaphore(%arg16 : memref<!tpu.dma_semaphore, #tpu.memory_space<semaphore_mem>>) src(%dma_wait3A_308 : memref<1280xi32, #tpu.memory_space<hbm>>) dst(%arg10 : memref<1280xi32, #tpu.memory_space<vmem>>)
    %dma_start3A_309 = arith.constant 0 : i32
    %dma_start3A_310 = arith.constant 0 : i32
    %dma_start3A_311 = tpu.memref_slice %arg5[%dma_start3A_309, %dma_start3A_310] : memref<819200x32xf32, #tpu.memory_space<hbm>> -> memref<819200x32xf32, #tpu.memory_space<hbm>>
    tpu.enqueue_indirect_dma source(%arg8 : memref<1280x32xf32, #tpu.memory_space<vmem>>) target(%dma_start3A_311 : memref<819200x32xf32, #tpu.memory_space<hbm>>) offsets(%arg10 : memref<1280xi32, #tpu.memory_space<vmem>>) semaphore(%arg14 : memref<!tpu.dma_semaphore, #tpu.memory_space<semaphore_mem>>)
    %dma_wait3A_312 = arith.constant 0 : i32
    %dma_wait3A_313 = arith.constant 0 : i32
    %dma_wait3A_314 = tpu.memref_slice %arg5[%dma_wait3A_312, %dma_wait3A_313] : memref<819200x32xf32, #tpu.memory_space<hbm>> -> memref<819200x32xf32, #tpu.memory_space<hbm>>
    tpu.wait_indirect_dma semaphore(%arg14 : memref<!tpu.dma_semaphore, #tpu.memory_space<semaphore_mem>>) src(%arg8 : memref<1280x32xf32, #tpu.memory_space<vmem>>) dst(%dma_wait3A_314 : memref<819200x32xf32, #tpu.memory_space<hbm>>)
    %scan3A_315 = arith.constant 0 : i32
    %scan3A_316 = arith.constant 0 : i32
    %scan3A_317 = arith.constant 80 : i32
    %scan3A_318 = arith.addi %scan3A_316, %scan3A_317 : i32
    %scan3A_319 = arith.constant 1 : i32
    scf.for %scan3A_600 = %scan3A_316 to %scan3A_318 step %scan3A_319  : i32 {
      %mul3A_601 = arith.constant 16 : i32
      %mul3A_602 = arith.muli %scan3A_600, %mul3A_601 : i32
      %add3A_603 = arith.constant 14080 : i32
      %add3A_604 = arith.addi %add3A_603, %mul3A_602 : i32
      %get3A = arith.index_cast %add3A_604 : i32 to index
      %get3A_605 = tpu.vector_load %arg6[%get3A] {strides = array<i32>} : memref<25600xi32, #tpu.memory_space<vmem>>, vector<16xi32>,
      %get3A_606 = vector.shape_cast %get3A_605 : vector<16xi32> to vector<16xi32>
      %and3A = arith.constant -512 : i32
      %and3A_607 = vector.broadcast %and3A : i32 to vector<16xi32>
      %and3A_608 = arith.andi %get3A_606, %and3A_607 : vector<16xi32>
      %and3A_609 = arith.constant 127 : i32
      %and3A_610 = vector.broadcast %and3A_609 : i32 to vector<16xi32>
      %and3A_611 = arith.andi %get3A_606, %and3A_610 : vector<16xi32>
      %shift_left3A = arith.constant 2 : i32
      %shift_left3A_612 = vector.broadcast %shift_left3A : i32 to vector<16xi32>
      %shift_left3A_613 = arith.shli %and3A_611, %shift_left3A_612 : vector<16xi32>
      %add3A_614 = arith.addi %and3A_608, %shift_left3A_613 : vector<16xi32>
      %shift_right_arithmetic3A = arith.constant 7 : i32
      %shift_right_arithmetic3A_615 = vector.broadcast %shift_right_arithmetic3A : i32 to vector<16xi32>
      %shift_right_arithmetic3A_616 = arith.shrsi %get3A_606, %shift_right_arithmetic3A_615 : vector<16xi32>
      %and3A_617 = arith.constant 3 : i32
      %and3A_618 = vector.broadcast %and3A_617 : i32 to vector<16xi32>
      %and3A_619 = arith.andi %shift_right_arithmetic3A_616, %and3A_618 : vector<16xi32>
      %add3A_620 = arith.addi %add3A_614, %and3A_619 : vector<16xi32>
      %swap3A = arith.index_cast %add3A_604 : i32 to index
      %swap3A_621 = tpu.vector_load %arg6[%swap3A] {strides = array<i32>} : memref<25600xi32, #tpu.memory_space<vmem>>, vector<16xi32>,
      %swap3A_622 = vector.shape_cast %swap3A_621 : vector<16xi32> to vector<16xi32>
      %swap3A_623 = vector.shape_cast %add3A_620 : vector<16xi32> to vector<16xi32>
      tpu.vector_store %arg6[%swap3A], %swap3A_623 {strides = array<i32>} : memref<25600xi32, #tpu.memory_space<vmem>>, vector<16xi32>,
    }
    %scan3A_320 = arith.constant 80 : i32
    %dma_start3A_321 = arith.constant 14080 : i32
    %dma_start3A_322 = tpu.memref_slice %arg6[%dma_start3A_321] : memref<25600xi32, #tpu.memory_space<vmem>> -> memref<1280xi32, #tpu.memory_space<vmem>>
    %dma_start3A_323 = arith.constant 0 : i32
    %dma_start3A_324 = arith.constant 0 : i32
    %dma_start3A_325 = tpu.memref_slice %arg4[%dma_start3A_323, %dma_start3A_324] : memref<1007616x32xf32, #tpu.memory_space<hbm>> -> memref<1007616x32xf32, #tpu.memory_space<hbm>>
    tpu.enqueue_indirect_dma source(%dma_start3A_325 : memref<1007616x32xf32, #tpu.memory_space<hbm>>) target(%arg8 : memref<1280x32xf32, #tpu.memory_space<vmem>>) offsets(%dma_start3A_322 : memref<1280xi32, #tpu.memory_space<vmem>>) semaphore(%arg12 : memref<!tpu.dma_semaphore, #tpu.memory_space<semaphore_mem>>)
    %add3A_326 = arith.constant 14080 : i32
    %add3A_327 = arith.addi %mul3A_2, %add3A_326 : i32
    %dma_start3A_328 = tpu.memref_slice %arg3[%add3A_327] : memref<819200xi32, #tpu.memory_space<hbm>> -> memref<1280xi32, #tpu.memory_space<hbm>>
    %dma_start3A_329 = tpu.memref_slice %arg3[%add3A_327] : memref<819200xi32, #tpu.memory_space<hbm>> -> memref<1280xi32, #tpu.memory_space<hbm>>
    tpu.enqueue_dma source(%dma_start3A_329 : memref<1280xi32, #tpu.memory_space<hbm>>) target(%arg10 : memref<1280xi32, #tpu.memory_space<vmem>>) target_semaphore(%arg16 : memref<!tpu.dma_semaphore, #tpu.memory_space<semaphore_mem>>)
    %dma_wait3A_330 = arith.constant 12800 : i32
    %dma_wait3A_331 = tpu.memref_slice %arg6[%dma_wait3A_330] : memref<25600xi32, #tpu.memory_space<vmem>> -> memref<1280xi32, #tpu.memory_space<vmem>>
    %dma_wait3A_332 = arith.constant 0 : i32
    %dma_wait3A_333 = arith.constant 0 : i32
    %dma_wait3A_334 = tpu.memref_slice %arg4[%dma_wait3A_332, %dma_wait3A_333] : memref<1007616x32xf32, #tpu.memory_space<hbm>> -> memref<1007616x32xf32, #tpu.memory_space<hbm>>
    tpu.wait_indirect_dma semaphore(%arg11 : memref<!tpu.dma_semaphore, #tpu.memory_space<semaphore_mem>>) src(%dma_wait3A_334 : memref<1007616x32xf32, #tpu.memory_space<hbm>>) dst(%arg7 : memref<1280x32xf32, #tpu.memory_space<vmem>>)
    %add3A_335 = arith.constant 12800 : i32
    %add3A_336 = arith.addi %mul3A_2, %add3A_335 : i32
    %dma_wait3A_337 = tpu.memref_slice %arg3[%add3A_336] : memref<819200xi32, #tpu.memory_space<hbm>> -> memref<1280xi32, #tpu.memory_space<hbm>>
    %dma_wait3A_338 = tpu.memref_slice %arg3[%add3A_336] : memref<819200xi32, #tpu.memory_space<hbm>> -> memref<1280xi32, #tpu.memory_space<hbm>>
    tpu.wait_dma2 semaphore(%arg15 : memref<!tpu.dma_semaphore, #tpu.memory_space<semaphore_mem>>) src(%dma_wait3A_338 : memref<1280xi32, #tpu.memory_space<hbm>>) dst(%arg9 : memref<1280xi32, #tpu.memory_space<vmem>>)
    %dma_start3A_339 = arith.constant 0 : i32
    %dma_start3A_340 = arith.constant 0 : i32
    %dma_start3A_341 = tpu.memref_slice %arg5[%dma_start3A_339, %dma_start3A_340] : memref<819200x32xf32, #tpu.memory_space<hbm>> -> memref<819200x32xf32, #tpu.memory_space<hbm>>
    tpu.enqueue_indirect_dma source(%arg7 : memref<1280x32xf32, #tpu.memory_space<vmem>>) target(%dma_start3A_341 : memref<819200x32xf32, #tpu.memory_space<hbm>>) offsets(%arg9 : memref<1280xi32, #tpu.memory_space<vmem>>) semaphore(%arg13 : memref<!tpu.dma_semaphore, #tpu.memory_space<semaphore_mem>>)
    %dma_wait3A_342 = arith.constant 0 : i32
    %dma_wait3A_343 = arith.constant 0 : i32
    %dma_wait3A_344 = tpu.memref_slice %arg5[%dma_wait3A_342, %dma_wait3A_343] : memref<819200x32xf32, #tpu.memory_space<hbm>> -> memref<819200x32xf32, #tpu.memory_space<hbm>>
    tpu.wait_indirect_dma semaphore(%arg13 : memref<!tpu.dma_semaphore, #tpu.memory_space<semaphore_mem>>) src(%arg7 : memref<1280x32xf32, #tpu.memory_space<vmem>>) dst(%dma_wait3A_344 : memref<819200x32xf32, #tpu.memory_space<hbm>>)
    %scan3A_345 = arith.constant 0 : i32
    %scan3A_346 = arith.constant 0 : i32
    %scan3A_347 = arith.constant 80 : i32
    %scan3A_348 = arith.addi %scan3A_346, %scan3A_347 : i32
    %scan3A_349 = arith.constant 1 : i32
    scf.for %scan3A_600 = %scan3A_346 to %scan3A_348 step %scan3A_349  : i32 {
      %mul3A_601 = arith.constant 16 : i32
      %mul3A_602 = arith.muli %scan3A_600, %mul3A_601 : i32
      %add3A_603 = arith.constant 15360 : i32
      %add3A_604 = arith.addi %add3A_603, %mul3A_602 : i32
      %get3A = arith.index_cast %add3A_604 : i32 to index
      %get3A_605 = tpu.vector_load %arg6[%get3A] {strides = array<i32>} : memref<25600xi32, #tpu.memory_space<vmem>>, vector<16xi32>,
      %get3A_606 = vector.shape_cast %get3A_605 : vector<16xi32> to vector<16xi32>
      %and3A = arith.constant -512 : i32
      %and3A_607 = vector.broadcast %and3A : i32 to vector<16xi32>
      %and3A_608 = arith.andi %get3A_606, %and3A_607 : vector<16xi32>
      %and3A_609 = arith.constant 127 : i32
      %and3A_610 = vector.broadcast %and3A_609 : i32 to vector<16xi32>
      %and3A_611 = arith.andi %get3A_606, %and3A_610 : vector<16xi32>
      %shift_left3A = arith.constant 2 : i32
      %shift_left3A_612 = vector.broadcast %shift_left3A : i32 to vector<16xi32>
      %shift_left3A_613 = arith.shli %and3A_611, %shift_left3A_612 : vector<16xi32>
      %add3A_614 = arith.addi %and3A_608, %shift_left3A_613 : vector<16xi32>
      %shift_right_arithmetic3A = arith.constant 7 : i32
      %shift_right_arithmetic3A_615 = vector.broadcast %shift_right_arithmetic3A : i32 to vector<16xi32>
      %shift_right_arithmetic3A_616 = arith.shrsi %get3A_606, %shift_right_arithmetic3A_615 : vector<16xi32>
      %and3A_617 = arith.constant 3 : i32
      %and3A_618 = vector.broadcast %and3A_617 : i32 to vector<16xi32>
      %and3A_619 = arith.andi %shift_right_arithmetic3A_616, %and3A_618 : vector<16xi32>
      %add3A_620 = arith.addi %add3A_614, %and3A_619 : vector<16xi32>
      %swap3A = arith.index_cast %add3A_604 : i32 to index
      %swap3A_621 = tpu.vector_load %arg6[%swap3A] {strides = array<i32>} : memref<25600xi32, #tpu.memory_space<vmem>>, vector<16xi32>,
      %swap3A_622 = vector.shape_cast %swap3A_621 : vector<16xi32> to vector<16xi32>
      %swap3A_623 = vector.shape_cast %add3A_620 : vector<16xi32> to vector<16xi32>
      tpu.vector_store %arg6[%swap3A], %swap3A_623 {strides = array<i32>} : memref<25600xi32, #tpu.memory_space<vmem>>, vector<16xi32>,
    }
    %scan3A_350 = arith.constant 80 : i32
    %dma_start3A_351 = arith.constant 15360 : i32
    %dma_start3A_352 = tpu.memref_slice %arg6[%dma_start3A_351] : memref<25600xi32, #tpu.memory_space<vmem>> -> memref<1280xi32, #tpu.memory_space<vmem>>
    %dma_start3A_353 = arith.constant 0 : i32
    %dma_start3A_354 = arith.constant 0 : i32
    %dma_start3A_355 = tpu.memref_slice %arg4[%dma_start3A_353, %dma_start3A_354] : memref<1007616x32xf32, #tpu.memory_space<hbm>> -> memref<1007616x32xf32, #tpu.memory_space<hbm>>
    tpu.enqueue_indirect_dma source(%dma_start3A_355 : memref<1007616x32xf32, #tpu.memory_space<hbm>>) target(%arg7 : memref<1280x32xf32, #tpu.memory_space<vmem>>) offsets(%dma_start3A_352 : memref<1280xi32, #tpu.memory_space<vmem>>) semaphore(%arg11 : memref<!tpu.dma_semaphore, #tpu.memory_space<semaphore_mem>>)
    %add3A_356 = arith.constant 15360 : i32
    %add3A_357 = arith.addi %mul3A_2, %add3A_356 : i32
    %dma_start3A_358 = tpu.memref_slice %arg3[%add3A_357] : memref<819200xi32, #tpu.memory_space<hbm>> -> memref<1280xi32, #tpu.memory_space<hbm>>
    %dma_start3A_359 = tpu.memref_slice %arg3[%add3A_357] : memref<819200xi32, #tpu.memory_space<hbm>> -> memref<1280xi32, #tpu.memory_space<hbm>>
    tpu.enqueue_dma source(%dma_start3A_359 : memref<1280xi32, #tpu.memory_space<hbm>>) target(%arg9 : memref<1280xi32, #tpu.memory_space<vmem>>) target_semaphore(%arg15 : memref<!tpu.dma_semaphore, #tpu.memory_space<semaphore_mem>>)
    %dma_wait3A_360 = arith.constant 14080 : i32
    %dma_wait3A_361 = tpu.memref_slice %arg6[%dma_wait3A_360] : memref<25600xi32, #tpu.memory_space<vmem>> -> memref<1280xi32, #tpu.memory_space<vmem>>
    %dma_wait3A_362 = arith.constant 0 : i32
    %dma_wait3A_363 = arith.constant 0 : i32
    %dma_wait3A_364 = tpu.memref_slice %arg4[%dma_wait3A_362, %dma_wait3A_363] : memref<1007616x32xf32, #tpu.memory_space<hbm>> -> memref<1007616x32xf32, #tpu.memory_space<hbm>>
    tpu.wait_indirect_dma semaphore(%arg12 : memref<!tpu.dma_semaphore, #tpu.memory_space<semaphore_mem>>) src(%dma_wait3A_364 : memref<1007616x32xf32, #tpu.memory_space<hbm>>) dst(%arg8 : memref<1280x32xf32, #tpu.memory_space<vmem>>)
    %add3A_365 = arith.constant 14080 : i32
    %add3A_366 = arith.addi %mul3A_2, %add3A_365 : i32
    %dma_wait3A_367 = tpu.memref_slice %arg3[%add3A_366] : memref<819200xi32, #tpu.memory_space<hbm>> -> memref<1280xi32, #tpu.memory_space<hbm>>
    %dma_wait3A_368 = tpu.memref_slice %arg3[%add3A_366] : memref<819200xi32, #tpu.memory_space<hbm>> -> memref<1280xi32, #tpu.memory_space<hbm>>
    tpu.wait_dma2 semaphore(%arg16 : memref<!tpu.dma_semaphore, #tpu.memory_space<semaphore_mem>>) src(%dma_wait3A_368 : memref<1280xi32, #tpu.memory_space<hbm>>) dst(%arg10 : memref<1280xi32, #tpu.memory_space<vmem>>)
    %dma_start3A_369 = arith.constant 0 : i32
    %dma_start3A_370 = arith.constant 0 : i32
    %dma_start3A_371 = tpu.memref_slice %arg5[%dma_start3A_369, %dma_start3A_370] : memref<819200x32xf32, #tpu.memory_space<hbm>> -> memref<819200x32xf32, #tpu.memory_space<hbm>>
    tpu.enqueue_indirect_dma source(%arg8 : memref<1280x32xf32, #tpu.memory_space<vmem>>) target(%dma_start3A_371 : memref<819200x32xf32, #tpu.memory_space<hbm>>) offsets(%arg10 : memref<1280xi32, #tpu.memory_space<vmem>>) semaphore(%arg14 : memref<!tpu.dma_semaphore, #tpu.memory_space<semaphore_mem>>)
    %dma_wait3A_372 = arith.constant 0 : i32
    %dma_wait3A_373 = arith.constant 0 : i32
    %dma_wait3A_374 = tpu.memref_slice %arg5[%dma_wait3A_372, %dma_wait3A_373] : memref<819200x32xf32, #tpu.memory_space<hbm>> -> memref<819200x32xf32, #tpu.memory_space<hbm>>
    tpu.wait_indirect_dma semaphore(%arg14 : memref<!tpu.dma_semaphore, #tpu.memory_space<semaphore_mem>>) src(%arg8 : memref<1280x32xf32, #tpu.memory_space<vmem>>) dst(%dma_wait3A_374 : memref<819200x32xf32, #tpu.memory_space<hbm>>)
    %scan3A_375 = arith.constant 0 : i32
    %scan3A_376 = arith.constant 0 : i32
    %scan3A_377 = arith.constant 80 : i32
    %scan3A_378 = arith.addi %scan3A_376, %scan3A_377 : i32
    %scan3A_379 = arith.constant 1 : i32
    scf.for %scan3A_600 = %scan3A_376 to %scan3A_378 step %scan3A_379  : i32 {
      %mul3A_601 = arith.constant 16 : i32
      %mul3A_602 = arith.muli %scan3A_600, %mul3A_601 : i32
      %add3A_603 = arith.constant 16640 : i32
      %add3A_604 = arith.addi %add3A_603, %mul3A_602 : i32
      %get3A = arith.index_cast %add3A_604 : i32 to index
      %get3A_605 = tpu.vector_load %arg6[%get3A] {strides = array<i32>} : memref<25600xi32, #tpu.memory_space<vmem>>, vector<16xi32>,
      %get3A_606 = vector.shape_cast %get3A_605 : vector<16xi32> to vector<16xi32>
      %and3A = arith.constant -512 : i32
      %and3A_607 = vector.broadcast %and3A : i32 to vector<16xi32>
      %and3A_608 = arith.andi %get3A_606, %and3A_607 : vector<16xi32>
      %and3A_609 = arith.constant 127 : i32
      %and3A_610 = vector.broadcast %and3A_609 : i32 to vector<16xi32>
      %and3A_611 = arith.andi %get3A_606, %and3A_610 : vector<16xi32>
      %shift_left3A = arith.constant 2 : i32
      %shift_left3A_612 = vector.broadcast %shift_left3A : i32 to vector<16xi32>
      %shift_left3A_613 = arith.shli %and3A_611, %shift_left3A_612 : vector<16xi32>
      %add3A_614 = arith.addi %and3A_608, %shift_left3A_613 : vector<16xi32>
      %shift_right_arithmetic3A = arith.constant 7 : i32
      %shift_right_arithmetic3A_615 = vector.broadcast %shift_right_arithmetic3A : i32 to vector<16xi32>
      %shift_right_arithmetic3A_616 = arith.shrsi %get3A_606, %shift_right_arithmetic3A_615 : vector<16xi32>
      %and3A_617 = arith.constant 3 : i32
      %and3A_618 = vector.broadcast %and3A_617 : i32 to vector<16xi32>
      %and3A_619 = arith.andi %shift_right_arithmetic3A_616, %and3A_618 : vector<16xi32>
      %add3A_620 = arith.addi %add3A_614, %and3A_619 : vector<16xi32>
      %swap3A = arith.index_cast %add3A_604 : i32 to index
      %swap3A_621 = tpu.vector_load %arg6[%swap3A] {strides = array<i32>} : memref<25600xi32, #tpu.memory_space<vmem>>, vector<16xi32>,
      %swap3A_622 = vector.shape_cast %swap3A_621 : vector<16xi32> to vector<16xi32>
      %swap3A_623 = vector.shape_cast %add3A_620 : vector<16xi32> to vector<16xi32>
      tpu.vector_store %arg6[%swap3A], %swap3A_623 {strides = array<i32>} : memref<25600xi32, #tpu.memory_space<vmem>>, vector<16xi32>,
    }
    %scan3A_380 = arith.constant 80 : i32
    %dma_start3A_381 = arith.constant 16640 : i32
    %dma_start3A_382 = tpu.memref_slice %arg6[%dma_start3A_381] : memref<25600xi32, #tpu.memory_space<vmem>> -> memref<1280xi32, #tpu.memory_space<vmem>>
    %dma_start3A_383 = arith.constant 0 : i32
    %dma_start3A_384 = arith.constant 0 : i32
    %dma_start3A_385 = tpu.memref_slice %arg4[%dma_start3A_383, %dma_start3A_384] : memref<1007616x32xf32, #tpu.memory_space<hbm>> -> memref<1007616x32xf32, #tpu.memory_space<hbm>>
    tpu.enqueue_indirect_dma source(%dma_start3A_385 : memref<1007616x32xf32, #tpu.memory_space<hbm>>) target(%arg8 : memref<1280x32xf32, #tpu.memory_space<vmem>>) offsets(%dma_start3A_382 : memref<1280xi32, #tpu.memory_space<vmem>>) semaphore(%arg12 : memref<!tpu.dma_semaphore, #tpu.memory_space<semaphore_mem>>)
    %add3A_386 = arith.constant 16640 : i32
    %add3A_387 = arith.addi %mul3A_2, %add3A_386 : i32
    %dma_start3A_388 = tpu.memref_slice %arg3[%add3A_387] : memref<819200xi32, #tpu.memory_space<hbm>> -> memref<1280xi32, #tpu.memory_space<hbm>>
    %dma_start3A_389 = tpu.memref_slice %arg3[%add3A_387] : memref<819200xi32, #tpu.memory_space<hbm>> -> memref<1280xi32, #tpu.memory_space<hbm>>
    tpu.enqueue_dma source(%dma_start3A_389 : memref<1280xi32, #tpu.memory_space<hbm>>) target(%arg10 : memref<1280xi32, #tpu.memory_space<vmem>>) target_semaphore(%arg16 : memref<!tpu.dma_semaphore, #tpu.memory_space<semaphore_mem>>)
    %dma_wait3A_390 = arith.constant 15360 : i32
    %dma_wait3A_391 = tpu.memref_slice %arg6[%dma_wait3A_390] : memref<25600xi32, #tpu.memory_space<vmem>> -> memref<1280xi32, #tpu.memory_space<vmem>>
    %dma_wait3A_392 = arith.constant 0 : i32
    %dma_wait3A_393 = arith.constant 0 : i32
    %dma_wait3A_394 = tpu.memref_slice %arg4[%dma_wait3A_392, %dma_wait3A_393] : memref<1007616x32xf32, #tpu.memory_space<hbm>> -> memref<1007616x32xf32, #tpu.memory_space<hbm>>
    tpu.wait_indirect_dma semaphore(%arg11 : memref<!tpu.dma_semaphore, #tpu.memory_space<semaphore_mem>>) src(%dma_wait3A_394 : memref<1007616x32xf32, #tpu.memory_space<hbm>>) dst(%arg7 : memref<1280x32xf32, #tpu.memory_space<vmem>>)
    %add3A_395 = arith.constant 15360 : i32
    %add3A_396 = arith.addi %mul3A_2, %add3A_395 : i32
    %dma_wait3A_397 = tpu.memref_slice %arg3[%add3A_396] : memref<819200xi32, #tpu.memory_space<hbm>> -> memref<1280xi32, #tpu.memory_space<hbm>>
    %dma_wait3A_398 = tpu.memref_slice %arg3[%add3A_396] : memref<819200xi32, #tpu.memory_space<hbm>> -> memref<1280xi32, #tpu.memory_space<hbm>>
    tpu.wait_dma2 semaphore(%arg15 : memref<!tpu.dma_semaphore, #tpu.memory_space<semaphore_mem>>) src(%dma_wait3A_398 : memref<1280xi32, #tpu.memory_space<hbm>>) dst(%arg9 : memref<1280xi32, #tpu.memory_space<vmem>>)
    %dma_start3A_399 = arith.constant 0 : i32
    %dma_start3A_400 = arith.constant 0 : i32
    %dma_start3A_401 = tpu.memref_slice %arg5[%dma_start3A_399, %dma_start3A_400] : memref<819200x32xf32, #tpu.memory_space<hbm>> -> memref<819200x32xf32, #tpu.memory_space<hbm>>
    tpu.enqueue_indirect_dma source(%arg7 : memref<1280x32xf32, #tpu.memory_space<vmem>>) target(%dma_start3A_401 : memref<819200x32xf32, #tpu.memory_space<hbm>>) offsets(%arg9 : memref<1280xi32, #tpu.memory_space<vmem>>) semaphore(%arg13 : memref<!tpu.dma_semaphore, #tpu.memory_space<semaphore_mem>>)
    %dma_wait3A_402 = arith.constant 0 : i32
    %dma_wait3A_403 = arith.constant 0 : i32
    %dma_wait3A_404 = tpu.memref_slice %arg5[%dma_wait3A_402, %dma_wait3A_403] : memref<819200x32xf32, #tpu.memory_space<hbm>> -> memref<819200x32xf32, #tpu.memory_space<hbm>>
    tpu.wait_indirect_dma semaphore(%arg13 : memref<!tpu.dma_semaphore, #tpu.memory_space<semaphore_mem>>) src(%arg7 : memref<1280x32xf32, #tpu.memory_space<vmem>>) dst(%dma_wait3A_404 : memref<819200x32xf32, #tpu.memory_space<hbm>>)
    %scan3A_405 = arith.constant 0 : i32
    %scan3A_406 = arith.constant 0 : i32
    %scan3A_407 = arith.constant 80 : i32
    %scan3A_408 = arith.addi %scan3A_406, %scan3A_407 : i32
    %scan3A_409 = arith.constant 1 : i32
    scf.for %scan3A_600 = %scan3A_406 to %scan3A_408 step %scan3A_409  : i32 {
      %mul3A_601 = arith.constant 16 : i32
      %mul3A_602 = arith.muli %scan3A_600, %mul3A_601 : i32
      %add3A_603 = arith.constant 17920 : i32
      %add3A_604 = arith.addi %add3A_603, %mul3A_602 : i32
      %get3A = arith.index_cast %add3A_604 : i32 to index
      %get3A_605 = tpu.vector_load %arg6[%get3A] {strides = array<i32>} : memref<25600xi32, #tpu.memory_space<vmem>>, vector<16xi32>,
      %get3A_606 = vector.shape_cast %get3A_605 : vector<16xi32> to vector<16xi32>
      %and3A = arith.constant -512 : i32
      %and3A_607 = vector.broadcast %and3A : i32 to vector<16xi32>
      %and3A_608 = arith.andi %get3A_606, %and3A_607 : vector<16xi32>
      %and3A_609 = arith.constant 127 : i32
      %and3A_610 = vector.broadcast %and3A_609 : i32 to vector<16xi32>
      %and3A_611 = arith.andi %get3A_606, %and3A_610 : vector<16xi32>
      %shift_left3A = arith.constant 2 : i32
      %shift_left3A_612 = vector.broadcast %shift_left3A : i32 to vector<16xi32>
      %shift_left3A_613 = arith.shli %and3A_611, %shift_left3A_612 : vector<16xi32>
      %add3A_614 = arith.addi %and3A_608, %shift_left3A_613 : vector<16xi32>
      %shift_right_arithmetic3A = arith.constant 7 : i32
      %shift_right_arithmetic3A_615 = vector.broadcast %shift_right_arithmetic3A : i32 to vector<16xi32>
      %shift_right_arithmetic3A_616 = arith.shrsi %get3A_606, %shift_right_arithmetic3A_615 : vector<16xi32>
      %and3A_617 = arith.constant 3 : i32
      %and3A_618 = vector.broadcast %and3A_617 : i32 to vector<16xi32>
      %and3A_619 = arith.andi %shift_right_arithmetic3A_616, %and3A_618 : vector<16xi32>
      %add3A_620 = arith.addi %add3A_614, %and3A_619 : vector<16xi32>
      %swap3A = arith.index_cast %add3A_604 : i32 to index
      %swap3A_621 = tpu.vector_load %arg6[%swap3A] {strides = array<i32>} : memref<25600xi32, #tpu.memory_space<vmem>>, vector<16xi32>,
      %swap3A_622 = vector.shape_cast %swap3A_621 : vector<16xi32> to vector<16xi32>
      %swap3A_623 = vector.shape_cast %add3A_620 : vector<16xi32> to vector<16xi32>
      tpu.vector_store %arg6[%swap3A], %swap3A_623 {strides = array<i32>} : memref<25600xi32, #tpu.memory_space<vmem>>, vector<16xi32>,
    }
    %scan3A_410 = arith.constant 80 : i32
    %dma_start3A_411 = arith.constant 17920 : i32
    %dma_start3A_412 = tpu.memref_slice %arg6[%dma_start3A_411] : memref<25600xi32, #tpu.memory_space<vmem>> -> memref<1280xi32, #tpu.memory_space<vmem>>
    %dma_start3A_413 = arith.constant 0 : i32
    %dma_start3A_414 = arith.constant 0 : i32
    %dma_start3A_415 = tpu.memref_slice %arg4[%dma_start3A_413, %dma_start3A_414] : memref<1007616x32xf32, #tpu.memory_space<hbm>> -> memref<1007616x32xf32, #tpu.memory_space<hbm>>
    tpu.enqueue_indirect_dma source(%dma_start3A_415 : memref<1007616x32xf32, #tpu.memory_space<hbm>>) target(%arg7 : memref<1280x32xf32, #tpu.memory_space<vmem>>) offsets(%dma_start3A_412 : memref<1280xi32, #tpu.memory_space<vmem>>) semaphore(%arg11 : memref<!tpu.dma_semaphore, #tpu.memory_space<semaphore_mem>>)
    %add3A_416 = arith.constant 17920 : i32
    %add3A_417 = arith.addi %mul3A_2, %add3A_416 : i32
    %dma_start3A_418 = tpu.memref_slice %arg3[%add3A_417] : memref<819200xi32, #tpu.memory_space<hbm>> -> memref<1280xi32, #tpu.memory_space<hbm>>
    %dma_start3A_419 = tpu.memref_slice %arg3[%add3A_417] : memref<819200xi32, #tpu.memory_space<hbm>> -> memref<1280xi32, #tpu.memory_space<hbm>>
    tpu.enqueue_dma source(%dma_start3A_419 : memref<1280xi32, #tpu.memory_space<hbm>>) target(%arg9 : memref<1280xi32, #tpu.memory_space<vmem>>) target_semaphore(%arg15 : memref<!tpu.dma_semaphore, #tpu.memory_space<semaphore_mem>>)
    %dma_wait3A_420 = arith.constant 16640 : i32
    %dma_wait3A_421 = tpu.memref_slice %arg6[%dma_wait3A_420] : memref<25600xi32, #tpu.memory_space<vmem>> -> memref<1280xi32, #tpu.memory_space<vmem>>
    %dma_wait3A_422 = arith.constant 0 : i32
    %dma_wait3A_423 = arith.constant 0 : i32
    %dma_wait3A_424 = tpu.memref_slice %arg4[%dma_wait3A_422, %dma_wait3A_423] : memref<1007616x32xf32, #tpu.memory_space<hbm>> -> memref<1007616x32xf32, #tpu.memory_space<hbm>>
    tpu.wait_indirect_dma semaphore(%arg12 : memref<!tpu.dma_semaphore, #tpu.memory_space<semaphore_mem>>) src(%dma_wait3A_424 : memref<1007616x32xf32, #tpu.memory_space<hbm>>) dst(%arg8 : memref<1280x32xf32, #tpu.memory_space<vmem>>)
    %add3A_425 = arith.constant 16640 : i32
    %add3A_426 = arith.addi %mul3A_2, %add3A_425 : i32
    %dma_wait3A_427 = tpu.memref_slice %arg3[%add3A_426] : memref<819200xi32, #tpu.memory_space<hbm>> -> memref<1280xi32, #tpu.memory_space<hbm>>
    %dma_wait3A_428 = tpu.memref_slice %arg3[%add3A_426] : memref<819200xi32, #tpu.memory_space<hbm>> -> memref<1280xi32, #tpu.memory_space<hbm>>
    tpu.wait_dma2 semaphore(%arg16 : memref<!tpu.dma_semaphore, #tpu.memory_space<semaphore_mem>>) src(%dma_wait3A_428 : memref<1280xi32, #tpu.memory_space<hbm>>) dst(%arg10 : memref<1280xi32, #tpu.memory_space<vmem>>)
    %dma_start3A_429 = arith.constant 0 : i32
    %dma_start3A_430 = arith.constant 0 : i32
    %dma_start3A_431 = tpu.memref_slice %arg5[%dma_start3A_429, %dma_start3A_430] : memref<819200x32xf32, #tpu.memory_space<hbm>> -> memref<819200x32xf32, #tpu.memory_space<hbm>>
    tpu.enqueue_indirect_dma source(%arg8 : memref<1280x32xf32, #tpu.memory_space<vmem>>) target(%dma_start3A_431 : memref<819200x32xf32, #tpu.memory_space<hbm>>) offsets(%arg10 : memref<1280xi32, #tpu.memory_space<vmem>>) semaphore(%arg14 : memref<!tpu.dma_semaphore, #tpu.memory_space<semaphore_mem>>)
    %dma_wait3A_432 = arith.constant 0 : i32
    %dma_wait3A_433 = arith.constant 0 : i32
    %dma_wait3A_434 = tpu.memref_slice %arg5[%dma_wait3A_432, %dma_wait3A_433] : memref<819200x32xf32, #tpu.memory_space<hbm>> -> memref<819200x32xf32, #tpu.memory_space<hbm>>
    tpu.wait_indirect_dma semaphore(%arg14 : memref<!tpu.dma_semaphore, #tpu.memory_space<semaphore_mem>>) src(%arg8 : memref<1280x32xf32, #tpu.memory_space<vmem>>) dst(%dma_wait3A_434 : memref<819200x32xf32, #tpu.memory_space<hbm>>)
    %scan3A_435 = arith.constant 0 : i32
    %scan3A_436 = arith.constant 0 : i32
    %scan3A_437 = arith.constant 80 : i32
    %scan3A_438 = arith.addi %scan3A_436, %scan3A_437 : i32
    %scan3A_439 = arith.constant 1 : i32
    scf.for %scan3A_600 = %scan3A_436 to %scan3A_438 step %scan3A_439  : i32 {
      %mul3A_601 = arith.constant 16 : i32
      %mul3A_602 = arith.muli %scan3A_600, %mul3A_601 : i32
      %add3A_603 = arith.constant 19200 : i32
      %add3A_604 = arith.addi %add3A_603, %mul3A_602 : i32
      %get3A = arith.index_cast %add3A_604 : i32 to index
      %get3A_605 = tpu.vector_load %arg6[%get3A] {strides = array<i32>} : memref<25600xi32, #tpu.memory_space<vmem>>, vector<16xi32>,
      %get3A_606 = vector.shape_cast %get3A_605 : vector<16xi32> to vector<16xi32>
      %and3A = arith.constant -512 : i32
      %and3A_607 = vector.broadcast %and3A : i32 to vector<16xi32>
      %and3A_608 = arith.andi %get3A_606, %and3A_607 : vector<16xi32>
      %and3A_609 = arith.constant 127 : i32
      %and3A_610 = vector.broadcast %and3A_609 : i32 to vector<16xi32>
      %and3A_611 = arith.andi %get3A_606, %and3A_610 : vector<16xi32>
      %shift_left3A = arith.constant 2 : i32
      %shift_left3A_612 = vector.broadcast %shift_left3A : i32 to vector<16xi32>
      %shift_left3A_613 = arith.shli %and3A_611, %shift_left3A_612 : vector<16xi32>
      %add3A_614 = arith.addi %and3A_608, %shift_left3A_613 : vector<16xi32>
      %shift_right_arithmetic3A = arith.constant 7 : i32
      %shift_right_arithmetic3A_615 = vector.broadcast %shift_right_arithmetic3A : i32 to vector<16xi32>
      %shift_right_arithmetic3A_616 = arith.shrsi %get3A_606, %shift_right_arithmetic3A_615 : vector<16xi32>
      %and3A_617 = arith.constant 3 : i32
      %and3A_618 = vector.broadcast %and3A_617 : i32 to vector<16xi32>
      %and3A_619 = arith.andi %shift_right_arithmetic3A_616, %and3A_618 : vector<16xi32>
      %add3A_620 = arith.addi %add3A_614, %and3A_619 : vector<16xi32>
      %swap3A = arith.index_cast %add3A_604 : i32 to index
      %swap3A_621 = tpu.vector_load %arg6[%swap3A] {strides = array<i32>} : memref<25600xi32, #tpu.memory_space<vmem>>, vector<16xi32>,
      %swap3A_622 = vector.shape_cast %swap3A_621 : vector<16xi32> to vector<16xi32>
      %swap3A_623 = vector.shape_cast %add3A_620 : vector<16xi32> to vector<16xi32>
      tpu.vector_store %arg6[%swap3A], %swap3A_623 {strides = array<i32>} : memref<25600xi32, #tpu.memory_space<vmem>>, vector<16xi32>,
    }
    %scan3A_440 = arith.constant 80 : i32
    %dma_start3A_441 = arith.constant 19200 : i32
    %dma_start3A_442 = tpu.memref_slice %arg6[%dma_start3A_441] : memref<25600xi32, #tpu.memory_space<vmem>> -> memref<1280xi32, #tpu.memory_space<vmem>>
    %dma_start3A_443 = arith.constant 0 : i32
    %dma_start3A_444 = arith.constant 0 : i32
    %dma_start3A_445 = tpu.memref_slice %arg4[%dma_start3A_443, %dma_start3A_444] : memref<1007616x32xf32, #tpu.memory_space<hbm>> -> memref<1007616x32xf32, #tpu.memory_space<hbm>>
    tpu.enqueue_indirect_dma source(%dma_start3A_445 : memref<1007616x32xf32, #tpu.memory_space<hbm>>) target(%arg8 : memref<1280x32xf32, #tpu.memory_space<vmem>>) offsets(%dma_start3A_442 : memref<1280xi32, #tpu.memory_space<vmem>>) semaphore(%arg12 : memref<!tpu.dma_semaphore, #tpu.memory_space<semaphore_mem>>)
    %add3A_446 = arith.constant 19200 : i32
    %add3A_447 = arith.addi %mul3A_2, %add3A_446 : i32
    %dma_start3A_448 = tpu.memref_slice %arg3[%add3A_447] : memref<819200xi32, #tpu.memory_space<hbm>> -> memref<1280xi32, #tpu.memory_space<hbm>>
    %dma_start3A_449 = tpu.memref_slice %arg3[%add3A_447] : memref<819200xi32, #tpu.memory_space<hbm>> -> memref<1280xi32, #tpu.memory_space<hbm>>
    tpu.enqueue_dma source(%dma_start3A_449 : memref<1280xi32, #tpu.memory_space<hbm>>) target(%arg10 : memref<1280xi32, #tpu.memory_space<vmem>>) target_semaphore(%arg16 : memref<!tpu.dma_semaphore, #tpu.memory_space<semaphore_mem>>)
    %dma_wait3A_450 = arith.constant 17920 : i32
    %dma_wait3A_451 = tpu.memref_slice %arg6[%dma_wait3A_450] : memref<25600xi32, #tpu.memory_space<vmem>> -> memref<1280xi32, #tpu.memory_space<vmem>>
    %dma_wait3A_452 = arith.constant 0 : i32
    %dma_wait3A_453 = arith.constant 0 : i32
    %dma_wait3A_454 = tpu.memref_slice %arg4[%dma_wait3A_452, %dma_wait3A_453] : memref<1007616x32xf32, #tpu.memory_space<hbm>> -> memref<1007616x32xf32, #tpu.memory_space<hbm>>
    tpu.wait_indirect_dma semaphore(%arg11 : memref<!tpu.dma_semaphore, #tpu.memory_space<semaphore_mem>>) src(%dma_wait3A_454 : memref<1007616x32xf32, #tpu.memory_space<hbm>>) dst(%arg7 : memref<1280x32xf32, #tpu.memory_space<vmem>>)
    %add3A_455 = arith.constant 17920 : i32
    %add3A_456 = arith.addi %mul3A_2, %add3A_455 : i32
    %dma_wait3A_457 = tpu.memref_slice %arg3[%add3A_456] : memref<819200xi32, #tpu.memory_space<hbm>> -> memref<1280xi32, #tpu.memory_space<hbm>>
    %dma_wait3A_458 = tpu.memref_slice %arg3[%add3A_456] : memref<819200xi32, #tpu.memory_space<hbm>> -> memref<1280xi32, #tpu.memory_space<hbm>>
    tpu.wait_dma2 semaphore(%arg15 : memref<!tpu.dma_semaphore, #tpu.memory_space<semaphore_mem>>) src(%dma_wait3A_458 : memref<1280xi32, #tpu.memory_space<hbm>>) dst(%arg9 : memref<1280xi32, #tpu.memory_space<vmem>>)
    %dma_start3A_459 = arith.constant 0 : i32
    %dma_start3A_460 = arith.constant 0 : i32
    %dma_start3A_461 = tpu.memref_slice %arg5[%dma_start3A_459, %dma_start3A_460] : memref<819200x32xf32, #tpu.memory_space<hbm>> -> memref<819200x32xf32, #tpu.memory_space<hbm>>
    tpu.enqueue_indirect_dma source(%arg7 : memref<1280x32xf32, #tpu.memory_space<vmem>>) target(%dma_start3A_461 : memref<819200x32xf32, #tpu.memory_space<hbm>>) offsets(%arg9 : memref<1280xi32, #tpu.memory_space<vmem>>) semaphore(%arg13 : memref<!tpu.dma_semaphore, #tpu.memory_space<semaphore_mem>>)
    %dma_wait3A_462 = arith.constant 0 : i32
    %dma_wait3A_463 = arith.constant 0 : i32
    %dma_wait3A_464 = tpu.memref_slice %arg5[%dma_wait3A_462, %dma_wait3A_463] : memref<819200x32xf32, #tpu.memory_space<hbm>> -> memref<819200x32xf32, #tpu.memory_space<hbm>>
    tpu.wait_indirect_dma semaphore(%arg13 : memref<!tpu.dma_semaphore, #tpu.memory_space<semaphore_mem>>) src(%arg7 : memref<1280x32xf32, #tpu.memory_space<vmem>>) dst(%dma_wait3A_464 : memref<819200x32xf32, #tpu.memory_space<hbm>>)
    %scan3A_465 = arith.constant 0 : i32
    %scan3A_466 = arith.constant 0 : i32
    %scan3A_467 = arith.constant 80 : i32
    %scan3A_468 = arith.addi %scan3A_466, %scan3A_467 : i32
    %scan3A_469 = arith.constant 1 : i32
    scf.for %scan3A_600 = %scan3A_466 to %scan3A_468 step %scan3A_469  : i32 {
      %mul3A_601 = arith.constant 16 : i32
      %mul3A_602 = arith.muli %scan3A_600, %mul3A_601 : i32
      %add3A_603 = arith.constant 20480 : i32
      %add3A_604 = arith.addi %add3A_603, %mul3A_602 : i32
      %get3A = arith.index_cast %add3A_604 : i32 to index
      %get3A_605 = tpu.vector_load %arg6[%get3A] {strides = array<i32>} : memref<25600xi32, #tpu.memory_space<vmem>>, vector<16xi32>,
      %get3A_606 = vector.shape_cast %get3A_605 : vector<16xi32> to vector<16xi32>
      %and3A = arith.constant -512 : i32
      %and3A_607 = vector.broadcast %and3A : i32 to vector<16xi32>
      %and3A_608 = arith.andi %get3A_606, %and3A_607 : vector<16xi32>
      %and3A_609 = arith.constant 127 : i32
      %and3A_610 = vector.broadcast %and3A_609 : i32 to vector<16xi32>
      %and3A_611 = arith.andi %get3A_606, %and3A_610 : vector<16xi32>
      %shift_left3A = arith.constant 2 : i32
      %shift_left3A_612 = vector.broadcast %shift_left3A : i32 to vector<16xi32>
      %shift_left3A_613 = arith.shli %and3A_611, %shift_left3A_612 : vector<16xi32>
      %add3A_614 = arith.addi %and3A_608, %shift_left3A_613 : vector<16xi32>
      %shift_right_arithmetic3A = arith.constant 7 : i32
      %shift_right_arithmetic3A_615 = vector.broadcast %shift_right_arithmetic3A : i32 to vector<16xi32>
      %shift_right_arithmetic3A_616 = arith.shrsi %get3A_606, %shift_right_arithmetic3A_615 : vector<16xi32>
      %and3A_617 = arith.constant 3 : i32
      %and3A_618 = vector.broadcast %and3A_617 : i32 to vector<16xi32>
      %and3A_619 = arith.andi %shift_right_arithmetic3A_616, %and3A_618 : vector<16xi32>
      %add3A_620 = arith.addi %add3A_614, %and3A_619 : vector<16xi32>
      %swap3A = arith.index_cast %add3A_604 : i32 to index
      %swap3A_621 = tpu.vector_load %arg6[%swap3A] {strides = array<i32>} : memref<25600xi32, #tpu.memory_space<vmem>>, vector<16xi32>,
      %swap3A_622 = vector.shape_cast %swap3A_621 : vector<16xi32> to vector<16xi32>
      %swap3A_623 = vector.shape_cast %add3A_620 : vector<16xi32> to vector<16xi32>
      tpu.vector_store %arg6[%swap3A], %swap3A_623 {strides = array<i32>} : memref<25600xi32, #tpu.memory_space<vmem>>, vector<16xi32>,
    }
    %scan3A_470 = arith.constant 80 : i32
    %dma_start3A_471 = arith.constant 20480 : i32
    %dma_start3A_472 = tpu.memref_slice %arg6[%dma_start3A_471] : memref<25600xi32, #tpu.memory_space<vmem>> -> memref<1280xi32, #tpu.memory_space<vmem>>
    %dma_start3A_473 = arith.constant 0 : i32
    %dma_start3A_474 = arith.constant 0 : i32
    %dma_start3A_475 = tpu.memref_slice %arg4[%dma_start3A_473, %dma_start3A_474] : memref<1007616x32xf32, #tpu.memory_space<hbm>> -> memref<1007616x32xf32, #tpu.memory_space<hbm>>
    tpu.enqueue_indirect_dma source(%dma_start3A_475 : memref<1007616x32xf32, #tpu.memory_space<hbm>>) target(%arg7 : memref<1280x32xf32, #tpu.memory_space<vmem>>) offsets(%dma_start3A_472 : memref<1280xi32, #tpu.memory_space<vmem>>) semaphore(%arg11 : memref<!tpu.dma_semaphore, #tpu.memory_space<semaphore_mem>>)
    %add3A_476 = arith.constant 20480 : i32
    %add3A_477 = arith.addi %mul3A_2, %add3A_476 : i32
    %dma_start3A_478 = tpu.memref_slice %arg3[%add3A_477] : memref<819200xi32, #tpu.memory_space<hbm>> -> memref<1280xi32, #tpu.memory_space<hbm>>
    %dma_start3A_479 = tpu.memref_slice %arg3[%add3A_477] : memref<819200xi32, #tpu.memory_space<hbm>> -> memref<1280xi32, #tpu.memory_space<hbm>>
    tpu.enqueue_dma source(%dma_start3A_479 : memref<1280xi32, #tpu.memory_space<hbm>>) target(%arg9 : memref<1280xi32, #tpu.memory_space<vmem>>) target_semaphore(%arg15 : memref<!tpu.dma_semaphore, #tpu.memory_space<semaphore_mem>>)
    %dma_wait3A_480 = arith.constant 19200 : i32
    %dma_wait3A_481 = tpu.memref_slice %arg6[%dma_wait3A_480] : memref<25600xi32, #tpu.memory_space<vmem>> -> memref<1280xi32, #tpu.memory_space<vmem>>
    %dma_wait3A_482 = arith.constant 0 : i32
    %dma_wait3A_483 = arith.constant 0 : i32
    %dma_wait3A_484 = tpu.memref_slice %arg4[%dma_wait3A_482, %dma_wait3A_483] : memref<1007616x32xf32, #tpu.memory_space<hbm>> -> memref<1007616x32xf32, #tpu.memory_space<hbm>>
    tpu.wait_indirect_dma semaphore(%arg12 : memref<!tpu.dma_semaphore, #tpu.memory_space<semaphore_mem>>) src(%dma_wait3A_484 : memref<1007616x32xf32, #tpu.memory_space<hbm>>) dst(%arg8 : memref<1280x32xf32, #tpu.memory_space<vmem>>)
    %add3A_485 = arith.constant 19200 : i32
    %add3A_486 = arith.addi %mul3A_2, %add3A_485 : i32
    %dma_wait3A_487 = tpu.memref_slice %arg3[%add3A_486] : memref<819200xi32, #tpu.memory_space<hbm>> -> memref<1280xi32, #tpu.memory_space<hbm>>
    %dma_wait3A_488 = tpu.memref_slice %arg3[%add3A_486] : memref<819200xi32, #tpu.memory_space<hbm>> -> memref<1280xi32, #tpu.memory_space<hbm>>
    tpu.wait_dma2 semaphore(%arg16 : memref<!tpu.dma_semaphore, #tpu.memory_space<semaphore_mem>>) src(%dma_wait3A_488 : memref<1280xi32, #tpu.memory_space<hbm>>) dst(%arg10 : memref<1280xi32, #tpu.memory_space<vmem>>)
    %dma_start3A_489 = arith.constant 0 : i32
    %dma_start3A_490 = arith.constant 0 : i32
    %dma_start3A_491 = tpu.memref_slice %arg5[%dma_start3A_489, %dma_start3A_490] : memref<819200x32xf32, #tpu.memory_space<hbm>> -> memref<819200x32xf32, #tpu.memory_space<hbm>>
    tpu.enqueue_indirect_dma source(%arg8 : memref<1280x32xf32, #tpu.memory_space<vmem>>) target(%dma_start3A_491 : memref<819200x32xf32, #tpu.memory_space<hbm>>) offsets(%arg10 : memref<1280xi32, #tpu.memory_space<vmem>>) semaphore(%arg14 : memref<!tpu.dma_semaphore, #tpu.memory_space<semaphore_mem>>)
    %dma_wait3A_492 = arith.constant 0 : i32
    %dma_wait3A_493 = arith.constant 0 : i32
    %dma_wait3A_494 = tpu.memref_slice %arg5[%dma_wait3A_492, %dma_wait3A_493] : memref<819200x32xf32, #tpu.memory_space<hbm>> -> memref<819200x32xf32, #tpu.memory_space<hbm>>
    tpu.wait_indirect_dma semaphore(%arg14 : memref<!tpu.dma_semaphore, #tpu.memory_space<semaphore_mem>>) src(%arg8 : memref<1280x32xf32, #tpu.memory_space<vmem>>) dst(%dma_wait3A_494 : memref<819200x32xf32, #tpu.memory_space<hbm>>)
    %scan3A_495 = arith.constant 0 : i32
    %scan3A_496 = arith.constant 0 : i32
    %scan3A_497 = arith.constant 80 : i32
    %scan3A_498 = arith.addi %scan3A_496, %scan3A_497 : i32
    %scan3A_499 = arith.constant 1 : i32
    scf.for %scan3A_600 = %scan3A_496 to %scan3A_498 step %scan3A_499  : i32 {
      %mul3A_601 = arith.constant 16 : i32
      %mul3A_602 = arith.muli %scan3A_600, %mul3A_601 : i32
      %add3A_603 = arith.constant 21760 : i32
      %add3A_604 = arith.addi %add3A_603, %mul3A_602 : i32
      %get3A = arith.index_cast %add3A_604 : i32 to index
      %get3A_605 = tpu.vector_load %arg6[%get3A] {strides = array<i32>} : memref<25600xi32, #tpu.memory_space<vmem>>, vector<16xi32>,
      %get3A_606 = vector.shape_cast %get3A_605 : vector<16xi32> to vector<16xi32>
      %and3A = arith.constant -512 : i32
      %and3A_607 = vector.broadcast %and3A : i32 to vector<16xi32>
      %and3A_608 = arith.andi %get3A_606, %and3A_607 : vector<16xi32>
      %and3A_609 = arith.constant 127 : i32
      %and3A_610 = vector.broadcast %and3A_609 : i32 to vector<16xi32>
      %and3A_611 = arith.andi %get3A_606, %and3A_610 : vector<16xi32>
      %shift_left3A = arith.constant 2 : i32
      %shift_left3A_612 = vector.broadcast %shift_left3A : i32 to vector<16xi32>
      %shift_left3A_613 = arith.shli %and3A_611, %shift_left3A_612 : vector<16xi32>
      %add3A_614 = arith.addi %and3A_608, %shift_left3A_613 : vector<16xi32>
      %shift_right_arithmetic3A = arith.constant 7 : i32
      %shift_right_arithmetic3A_615 = vector.broadcast %shift_right_arithmetic3A : i32 to vector<16xi32>
      %shift_right_arithmetic3A_616 = arith.shrsi %get3A_606, %shift_right_arithmetic3A_615 : vector<16xi32>
      %and3A_617 = arith.constant 3 : i32
      %and3A_618 = vector.broadcast %and3A_617 : i32 to vector<16xi32>
      %and3A_619 = arith.andi %shift_right_arithmetic3A_616, %and3A_618 : vector<16xi32>
      %add3A_620 = arith.addi %add3A_614, %and3A_619 : vector<16xi32>
      %swap3A = arith.index_cast %add3A_604 : i32 to index
      %swap3A_621 = tpu.vector_load %arg6[%swap3A] {strides = array<i32>} : memref<25600xi32, #tpu.memory_space<vmem>>, vector<16xi32>,
      %swap3A_622 = vector.shape_cast %swap3A_621 : vector<16xi32> to vector<16xi32>
      %swap3A_623 = vector.shape_cast %add3A_620 : vector<16xi32> to vector<16xi32>
      tpu.vector_store %arg6[%swap3A], %swap3A_623 {strides = array<i32>} : memref<25600xi32, #tpu.memory_space<vmem>>, vector<16xi32>,
    }
    %scan3A_500 = arith.constant 80 : i32
    %dma_start3A_501 = arith.constant 21760 : i32
    %dma_start3A_502 = tpu.memref_slice %arg6[%dma_start3A_501] : memref<25600xi32, #tpu.memory_space<vmem>> -> memref<1280xi32, #tpu.memory_space<vmem>>
    %dma_start3A_503 = arith.constant 0 : i32
    %dma_start3A_504 = arith.constant 0 : i32
    %dma_start3A_505 = tpu.memref_slice %arg4[%dma_start3A_503, %dma_start3A_504] : memref<1007616x32xf32, #tpu.memory_space<hbm>> -> memref<1007616x32xf32, #tpu.memory_space<hbm>>
    tpu.enqueue_indirect_dma source(%dma_start3A_505 : memref<1007616x32xf32, #tpu.memory_space<hbm>>) target(%arg8 : memref<1280x32xf32, #tpu.memory_space<vmem>>) offsets(%dma_start3A_502 : memref<1280xi32, #tpu.memory_space<vmem>>) semaphore(%arg12 : memref<!tpu.dma_semaphore, #tpu.memory_space<semaphore_mem>>)
    %add3A_506 = arith.constant 21760 : i32
    %add3A_507 = arith.addi %mul3A_2, %add3A_506 : i32
    %dma_start3A_508 = tpu.memref_slice %arg3[%add3A_507] : memref<819200xi32, #tpu.memory_space<hbm>> -> memref<1280xi32, #tpu.memory_space<hbm>>
    %dma_start3A_509 = tpu.memref_slice %arg3[%add3A_507] : memref<819200xi32, #tpu.memory_space<hbm>> -> memref<1280xi32, #tpu.memory_space<hbm>>
    tpu.enqueue_dma source(%dma_start3A_509 : memref<1280xi32, #tpu.memory_space<hbm>>) target(%arg10 : memref<1280xi32, #tpu.memory_space<vmem>>) target_semaphore(%arg16 : memref<!tpu.dma_semaphore, #tpu.memory_space<semaphore_mem>>)
    %dma_wait3A_510 = arith.constant 20480 : i32
    %dma_wait3A_511 = tpu.memref_slice %arg6[%dma_wait3A_510] : memref<25600xi32, #tpu.memory_space<vmem>> -> memref<1280xi32, #tpu.memory_space<vmem>>
    %dma_wait3A_512 = arith.constant 0 : i32
    %dma_wait3A_513 = arith.constant 0 : i32
    %dma_wait3A_514 = tpu.memref_slice %arg4[%dma_wait3A_512, %dma_wait3A_513] : memref<1007616x32xf32, #tpu.memory_space<hbm>> -> memref<1007616x32xf32, #tpu.memory_space<hbm>>
    tpu.wait_indirect_dma semaphore(%arg11 : memref<!tpu.dma_semaphore, #tpu.memory_space<semaphore_mem>>) src(%dma_wait3A_514 : memref<1007616x32xf32, #tpu.memory_space<hbm>>) dst(%arg7 : memref<1280x32xf32, #tpu.memory_space<vmem>>)
    %add3A_515 = arith.constant 20480 : i32
    %add3A_516 = arith.addi %mul3A_2, %add3A_515 : i32
    %dma_wait3A_517 = tpu.memref_slice %arg3[%add3A_516] : memref<819200xi32, #tpu.memory_space<hbm>> -> memref<1280xi32, #tpu.memory_space<hbm>>
    %dma_wait3A_518 = tpu.memref_slice %arg3[%add3A_516] : memref<819200xi32, #tpu.memory_space<hbm>> -> memref<1280xi32, #tpu.memory_space<hbm>>
    tpu.wait_dma2 semaphore(%arg15 : memref<!tpu.dma_semaphore, #tpu.memory_space<semaphore_mem>>) src(%dma_wait3A_518 : memref<1280xi32, #tpu.memory_space<hbm>>) dst(%arg9 : memref<1280xi32, #tpu.memory_space<vmem>>)
    %dma_start3A_519 = arith.constant 0 : i32
    %dma_start3A_520 = arith.constant 0 : i32
    %dma_start3A_521 = tpu.memref_slice %arg5[%dma_start3A_519, %dma_start3A_520] : memref<819200x32xf32, #tpu.memory_space<hbm>> -> memref<819200x32xf32, #tpu.memory_space<hbm>>
    tpu.enqueue_indirect_dma source(%arg7 : memref<1280x32xf32, #tpu.memory_space<vmem>>) target(%dma_start3A_521 : memref<819200x32xf32, #tpu.memory_space<hbm>>) offsets(%arg9 : memref<1280xi32, #tpu.memory_space<vmem>>) semaphore(%arg13 : memref<!tpu.dma_semaphore, #tpu.memory_space<semaphore_mem>>)
    %dma_wait3A_522 = arith.constant 0 : i32
    %dma_wait3A_523 = arith.constant 0 : i32
    %dma_wait3A_524 = tpu.memref_slice %arg5[%dma_wait3A_522, %dma_wait3A_523] : memref<819200x32xf32, #tpu.memory_space<hbm>> -> memref<819200x32xf32, #tpu.memory_space<hbm>>
    tpu.wait_indirect_dma semaphore(%arg13 : memref<!tpu.dma_semaphore, #tpu.memory_space<semaphore_mem>>) src(%arg7 : memref<1280x32xf32, #tpu.memory_space<vmem>>) dst(%dma_wait3A_524 : memref<819200x32xf32, #tpu.memory_space<hbm>>)
    %scan3A_525 = arith.constant 0 : i32
    %scan3A_526 = arith.constant 0 : i32
    %scan3A_527 = arith.constant 80 : i32
    %scan3A_528 = arith.addi %scan3A_526, %scan3A_527 : i32
    %scan3A_529 = arith.constant 1 : i32
    scf.for %scan3A_600 = %scan3A_526 to %scan3A_528 step %scan3A_529  : i32 {
      %mul3A_601 = arith.constant 16 : i32
      %mul3A_602 = arith.muli %scan3A_600, %mul3A_601 : i32
      %add3A_603 = arith.constant 23040 : i32
      %add3A_604 = arith.addi %add3A_603, %mul3A_602 : i32
      %get3A = arith.index_cast %add3A_604 : i32 to index
      %get3A_605 = tpu.vector_load %arg6[%get3A] {strides = array<i32>} : memref<25600xi32, #tpu.memory_space<vmem>>, vector<16xi32>,
      %get3A_606 = vector.shape_cast %get3A_605 : vector<16xi32> to vector<16xi32>
      %and3A = arith.constant -512 : i32
      %and3A_607 = vector.broadcast %and3A : i32 to vector<16xi32>
      %and3A_608 = arith.andi %get3A_606, %and3A_607 : vector<16xi32>
      %and3A_609 = arith.constant 127 : i32
      %and3A_610 = vector.broadcast %and3A_609 : i32 to vector<16xi32>
      %and3A_611 = arith.andi %get3A_606, %and3A_610 : vector<16xi32>
      %shift_left3A = arith.constant 2 : i32
      %shift_left3A_612 = vector.broadcast %shift_left3A : i32 to vector<16xi32>
      %shift_left3A_613 = arith.shli %and3A_611, %shift_left3A_612 : vector<16xi32>
      %add3A_614 = arith.addi %and3A_608, %shift_left3A_613 : vector<16xi32>
      %shift_right_arithmetic3A = arith.constant 7 : i32
      %shift_right_arithmetic3A_615 = vector.broadcast %shift_right_arithmetic3A : i32 to vector<16xi32>
      %shift_right_arithmetic3A_616 = arith.shrsi %get3A_606, %shift_right_arithmetic3A_615 : vector<16xi32>
      %and3A_617 = arith.constant 3 : i32
      %and3A_618 = vector.broadcast %and3A_617 : i32 to vector<16xi32>
      %and3A_619 = arith.andi %shift_right_arithmetic3A_616, %and3A_618 : vector<16xi32>
      %add3A_620 = arith.addi %add3A_614, %and3A_619 : vector<16xi32>
      %swap3A = arith.index_cast %add3A_604 : i32 to index
      %swap3A_621 = tpu.vector_load %arg6[%swap3A] {strides = array<i32>} : memref<25600xi32, #tpu.memory_space<vmem>>, vector<16xi32>,
      %swap3A_622 = vector.shape_cast %swap3A_621 : vector<16xi32> to vector<16xi32>
      %swap3A_623 = vector.shape_cast %add3A_620 : vector<16xi32> to vector<16xi32>
      tpu.vector_store %arg6[%swap3A], %swap3A_623 {strides = array<i32>} : memref<25600xi32, #tpu.memory_space<vmem>>, vector<16xi32>,
    }
    %scan3A_530 = arith.constant 80 : i32
    %dma_start3A_531 = arith.constant 23040 : i32
    %dma_start3A_532 = tpu.memref_slice %arg6[%dma_start3A_531] : memref<25600xi32, #tpu.memory_space<vmem>> -> memref<1280xi32, #tpu.memory_space<vmem>>
    %dma_start3A_533 = arith.constant 0 : i32
    %dma_start3A_534 = arith.constant 0 : i32
    %dma_start3A_535 = tpu.memref_slice %arg4[%dma_start3A_533, %dma_start3A_534] : memref<1007616x32xf32, #tpu.memory_space<hbm>> -> memref<1007616x32xf32, #tpu.memory_space<hbm>>
    tpu.enqueue_indirect_dma source(%dma_start3A_535 : memref<1007616x32xf32, #tpu.memory_space<hbm>>) target(%arg7 : memref<1280x32xf32, #tpu.memory_space<vmem>>) offsets(%dma_start3A_532 : memref<1280xi32, #tpu.memory_space<vmem>>) semaphore(%arg11 : memref<!tpu.dma_semaphore, #tpu.memory_space<semaphore_mem>>)
    %add3A_536 = arith.constant 23040 : i32
    %add3A_537 = arith.addi %mul3A_2, %add3A_536 : i32
    %dma_start3A_538 = tpu.memref_slice %arg3[%add3A_537] : memref<819200xi32, #tpu.memory_space<hbm>> -> memref<1280xi32, #tpu.memory_space<hbm>>
    %dma_start3A_539 = tpu.memref_slice %arg3[%add3A_537] : memref<819200xi32, #tpu.memory_space<hbm>> -> memref<1280xi32, #tpu.memory_space<hbm>>
    tpu.enqueue_dma source(%dma_start3A_539 : memref<1280xi32, #tpu.memory_space<hbm>>) target(%arg9 : memref<1280xi32, #tpu.memory_space<vmem>>) target_semaphore(%arg15 : memref<!tpu.dma_semaphore, #tpu.memory_space<semaphore_mem>>)
    %dma_wait3A_540 = arith.constant 21760 : i32
    %dma_wait3A_541 = tpu.memref_slice %arg6[%dma_wait3A_540] : memref<25600xi32, #tpu.memory_space<vmem>> -> memref<1280xi32, #tpu.memory_space<vmem>>
    %dma_wait3A_542 = arith.constant 0 : i32
    %dma_wait3A_543 = arith.constant 0 : i32
    %dma_wait3A_544 = tpu.memref_slice %arg4[%dma_wait3A_542, %dma_wait3A_543] : memref<1007616x32xf32, #tpu.memory_space<hbm>> -> memref<1007616x32xf32, #tpu.memory_space<hbm>>
    tpu.wait_indirect_dma semaphore(%arg12 : memref<!tpu.dma_semaphore, #tpu.memory_space<semaphore_mem>>) src(%dma_wait3A_544 : memref<1007616x32xf32, #tpu.memory_space<hbm>>) dst(%arg8 : memref<1280x32xf32, #tpu.memory_space<vmem>>)
    %add3A_545 = arith.constant 21760 : i32
    %add3A_546 = arith.addi %mul3A_2, %add3A_545 : i32
    %dma_wait3A_547 = tpu.memref_slice %arg3[%add3A_546] : memref<819200xi32, #tpu.memory_space<hbm>> -> memref<1280xi32, #tpu.memory_space<hbm>>
    %dma_wait3A_548 = tpu.memref_slice %arg3[%add3A_546] : memref<819200xi32, #tpu.memory_space<hbm>> -> memref<1280xi32, #tpu.memory_space<hbm>>
    tpu.wait_dma2 semaphore(%arg16 : memref<!tpu.dma_semaphore, #tpu.memory_space<semaphore_mem>>) src(%dma_wait3A_548 : memref<1280xi32, #tpu.memory_space<hbm>>) dst(%arg10 : memref<1280xi32, #tpu.memory_space<vmem>>)
    %dma_start3A_549 = arith.constant 0 : i32
    %dma_start3A_550 = arith.constant 0 : i32
    %dma_start3A_551 = tpu.memref_slice %arg5[%dma_start3A_549, %dma_start3A_550] : memref<819200x32xf32, #tpu.memory_space<hbm>> -> memref<819200x32xf32, #tpu.memory_space<hbm>>
    tpu.enqueue_indirect_dma source(%arg8 : memref<1280x32xf32, #tpu.memory_space<vmem>>) target(%dma_start3A_551 : memref<819200x32xf32, #tpu.memory_space<hbm>>) offsets(%arg10 : memref<1280xi32, #tpu.memory_space<vmem>>) semaphore(%arg14 : memref<!tpu.dma_semaphore, #tpu.memory_space<semaphore_mem>>)
    %dma_wait3A_552 = arith.constant 0 : i32
    %dma_wait3A_553 = arith.constant 0 : i32
    %dma_wait3A_554 = tpu.memref_slice %arg5[%dma_wait3A_552, %dma_wait3A_553] : memref<819200x32xf32, #tpu.memory_space<hbm>> -> memref<819200x32xf32, #tpu.memory_space<hbm>>
    tpu.wait_indirect_dma semaphore(%arg14 : memref<!tpu.dma_semaphore, #tpu.memory_space<semaphore_mem>>) src(%arg8 : memref<1280x32xf32, #tpu.memory_space<vmem>>) dst(%dma_wait3A_554 : memref<819200x32xf32, #tpu.memory_space<hbm>>)
    %scan3A_555 = arith.constant 0 : i32
    %scan3A_556 = arith.constant 0 : i32
    %scan3A_557 = arith.constant 80 : i32
    %scan3A_558 = arith.addi %scan3A_556, %scan3A_557 : i32
    %scan3A_559 = arith.constant 1 : i32
    scf.for %scan3A_600 = %scan3A_556 to %scan3A_558 step %scan3A_559  : i32 {
      %mul3A_601 = arith.constant 16 : i32
      %mul3A_602 = arith.muli %scan3A_600, %mul3A_601 : i32
      %add3A_603 = arith.constant 24320 : i32
      %add3A_604 = arith.addi %add3A_603, %mul3A_602 : i32
      %get3A = arith.index_cast %add3A_604 : i32 to index
      %get3A_605 = tpu.vector_load %arg6[%get3A] {strides = array<i32>} : memref<25600xi32, #tpu.memory_space<vmem>>, vector<16xi32>,
      %get3A_606 = vector.shape_cast %get3A_605 : vector<16xi32> to vector<16xi32>
      %and3A = arith.constant -512 : i32
      %and3A_607 = vector.broadcast %and3A : i32 to vector<16xi32>
      %and3A_608 = arith.andi %get3A_606, %and3A_607 : vector<16xi32>
      %and3A_609 = arith.constant 127 : i32
      %and3A_610 = vector.broadcast %and3A_609 : i32 to vector<16xi32>
      %and3A_611 = arith.andi %get3A_606, %and3A_610 : vector<16xi32>
      %shift_left3A = arith.constant 2 : i32
      %shift_left3A_612 = vector.broadcast %shift_left3A : i32 to vector<16xi32>
      %shift_left3A_613 = arith.shli %and3A_611, %shift_left3A_612 : vector<16xi32>
      %add3A_614 = arith.addi %and3A_608, %shift_left3A_613 : vector<16xi32>
      %shift_right_arithmetic3A = arith.constant 7 : i32
      %shift_right_arithmetic3A_615 = vector.broadcast %shift_right_arithmetic3A : i32 to vector<16xi32>
      %shift_right_arithmetic3A_616 = arith.shrsi %get3A_606, %shift_right_arithmetic3A_615 : vector<16xi32>
      %and3A_617 = arith.constant 3 : i32
      %and3A_618 = vector.broadcast %and3A_617 : i32 to vector<16xi32>
      %and3A_619 = arith.andi %shift_right_arithmetic3A_616, %and3A_618 : vector<16xi32>
      %add3A_620 = arith.addi %add3A_614, %and3A_619 : vector<16xi32>
      %swap3A = arith.index_cast %add3A_604 : i32 to index
      %swap3A_621 = tpu.vector_load %arg6[%swap3A] {strides = array<i32>} : memref<25600xi32, #tpu.memory_space<vmem>>, vector<16xi32>,
      %swap3A_622 = vector.shape_cast %swap3A_621 : vector<16xi32> to vector<16xi32>
      %swap3A_623 = vector.shape_cast %add3A_620 : vector<16xi32> to vector<16xi32>
      tpu.vector_store %arg6[%swap3A], %swap3A_623 {strides = array<i32>} : memref<25600xi32, #tpu.memory_space<vmem>>, vector<16xi32>,
    }
    %scan3A_560 = arith.constant 80 : i32
    %dma_start3A_561 = arith.constant 24320 : i32
    %dma_start3A_562 = tpu.memref_slice %arg6[%dma_start3A_561] : memref<25600xi32, #tpu.memory_space<vmem>> -> memref<1280xi32, #tpu.memory_space<vmem>>
    %dma_start3A_563 = arith.constant 0 : i32
    %dma_start3A_564 = arith.constant 0 : i32
    %dma_start3A_565 = tpu.memref_slice %arg4[%dma_start3A_563, %dma_start3A_564] : memref<1007616x32xf32, #tpu.memory_space<hbm>> -> memref<1007616x32xf32, #tpu.memory_space<hbm>>
    tpu.enqueue_indirect_dma source(%dma_start3A_565 : memref<1007616x32xf32, #tpu.memory_space<hbm>>) target(%arg8 : memref<1280x32xf32, #tpu.memory_space<vmem>>) offsets(%dma_start3A_562 : memref<1280xi32, #tpu.memory_space<vmem>>) semaphore(%arg12 : memref<!tpu.dma_semaphore, #tpu.memory_space<semaphore_mem>>)
    %add3A_566 = arith.constant 24320 : i32
    %add3A_567 = arith.addi %mul3A_2, %add3A_566 : i32
    %dma_start3A_568 = tpu.memref_slice %arg3[%add3A_567] : memref<819200xi32, #tpu.memory_space<hbm>> -> memref<1280xi32, #tpu.memory_space<hbm>>
    %dma_start3A_569 = tpu.memref_slice %arg3[%add3A_567] : memref<819200xi32, #tpu.memory_space<hbm>> -> memref<1280xi32, #tpu.memory_space<hbm>>
    tpu.enqueue_dma source(%dma_start3A_569 : memref<1280xi32, #tpu.memory_space<hbm>>) target(%arg10 : memref<1280xi32, #tpu.memory_space<vmem>>) target_semaphore(%arg16 : memref<!tpu.dma_semaphore, #tpu.memory_space<semaphore_mem>>)
    %dma_wait3A_570 = arith.constant 23040 : i32
    %dma_wait3A_571 = tpu.memref_slice %arg6[%dma_wait3A_570] : memref<25600xi32, #tpu.memory_space<vmem>> -> memref<1280xi32, #tpu.memory_space<vmem>>
    %dma_wait3A_572 = arith.constant 0 : i32
    %dma_wait3A_573 = arith.constant 0 : i32
    %dma_wait3A_574 = tpu.memref_slice %arg4[%dma_wait3A_572, %dma_wait3A_573] : memref<1007616x32xf32, #tpu.memory_space<hbm>> -> memref<1007616x32xf32, #tpu.memory_space<hbm>>
    tpu.wait_indirect_dma semaphore(%arg11 : memref<!tpu.dma_semaphore, #tpu.memory_space<semaphore_mem>>) src(%dma_wait3A_574 : memref<1007616x32xf32, #tpu.memory_space<hbm>>) dst(%arg7 : memref<1280x32xf32, #tpu.memory_space<vmem>>)
    %add3A_575 = arith.constant 23040 : i32
    %add3A_576 = arith.addi %mul3A_2, %add3A_575 : i32
    %dma_wait3A_577 = tpu.memref_slice %arg3[%add3A_576] : memref<819200xi32, #tpu.memory_space<hbm>> -> memref<1280xi32, #tpu.memory_space<hbm>>
    %dma_wait3A_578 = tpu.memref_slice %arg3[%add3A_576] : memref<819200xi32, #tpu.memory_space<hbm>> -> memref<1280xi32, #tpu.memory_space<hbm>>
    tpu.wait_dma2 semaphore(%arg15 : memref<!tpu.dma_semaphore, #tpu.memory_space<semaphore_mem>>) src(%dma_wait3A_578 : memref<1280xi32, #tpu.memory_space<hbm>>) dst(%arg9 : memref<1280xi32, #tpu.memory_space<vmem>>)
    %dma_start3A_579 = arith.constant 0 : i32
    %dma_start3A_580 = arith.constant 0 : i32
    %dma_start3A_581 = tpu.memref_slice %arg5[%dma_start3A_579, %dma_start3A_580] : memref<819200x32xf32, #tpu.memory_space<hbm>> -> memref<819200x32xf32, #tpu.memory_space<hbm>>
    tpu.enqueue_indirect_dma source(%arg7 : memref<1280x32xf32, #tpu.memory_space<vmem>>) target(%dma_start3A_581 : memref<819200x32xf32, #tpu.memory_space<hbm>>) offsets(%arg9 : memref<1280xi32, #tpu.memory_space<vmem>>) semaphore(%arg13 : memref<!tpu.dma_semaphore, #tpu.memory_space<semaphore_mem>>)
    %dma_wait3A_582 = arith.constant 24320 : i32
    %dma_wait3A_583 = tpu.memref_slice %arg6[%dma_wait3A_582] : memref<25600xi32, #tpu.memory_space<vmem>> -> memref<1280xi32, #tpu.memory_space<vmem>>
    %dma_wait3A_584 = arith.constant 0 : i32
    %dma_wait3A_585 = arith.constant 0 : i32
    %dma_wait3A_586 = tpu.memref_slice %arg4[%dma_wait3A_584, %dma_wait3A_585] : memref<1007616x32xf32, #tpu.memory_space<hbm>> -> memref<1007616x32xf32, #tpu.memory_space<hbm>>
    tpu.wait_indirect_dma semaphore(%arg12 : memref<!tpu.dma_semaphore, #tpu.memory_space<semaphore_mem>>) src(%dma_wait3A_586 : memref<1007616x32xf32, #tpu.memory_space<hbm>>) dst(%arg8 : memref<1280x32xf32, #tpu.memory_space<vmem>>)
    %add3A_587 = arith.constant 24320 : i32
    %add3A_588 = arith.addi %mul3A_2, %add3A_587 : i32
    %dma_wait3A_589 = tpu.memref_slice %arg3[%add3A_588] : memref<819200xi32, #tpu.memory_space<hbm>> -> memref<1280xi32, #tpu.memory_space<hbm>>
    %dma_wait3A_590 = tpu.memref_slice %arg3[%add3A_588] : memref<819200xi32, #tpu.memory_space<hbm>> -> memref<1280xi32, #tpu.memory_space<hbm>>
    tpu.wait_dma2 semaphore(%arg16 : memref<!tpu.dma_semaphore, #tpu.memory_space<semaphore_mem>>) src(%dma_wait3A_590 : memref<1280xi32, #tpu.memory_space<hbm>>) dst(%arg10 : memref<1280xi32, #tpu.memory_space<vmem>>)
    %dma_start3A_591 = arith.constant 0 : i32
    %dma_start3A_592 = arith.constant 0 : i32
    %dma_start3A_593 = tpu.memref_slice %arg5[%dma_start3A_591, %dma_start3A_592] : memref<819200x32xf32, #tpu.memory_space<hbm>> -> memref<819200x32xf32, #tpu.memory_space<hbm>>
    tpu.enqueue_indirect_dma source(%arg8 : memref<1280x32xf32, #tpu.memory_space<vmem>>) target(%dma_start3A_593 : memref<819200x32xf32, #tpu.memory_space<hbm>>) offsets(%arg10 : memref<1280xi32, #tpu.memory_space<vmem>>) semaphore(%arg14 : memref<!tpu.dma_semaphore, #tpu.memory_space<semaphore_mem>>)
    %dma_wait3A_594 = arith.constant 0 : i32
    %dma_wait3A_595 = arith.constant 0 : i32
    %dma_wait3A_596 = tpu.memref_slice %arg5[%dma_wait3A_594, %dma_wait3A_595] : memref<819200x32xf32, #tpu.memory_space<hbm>> -> memref<819200x32xf32, #tpu.memory_space<hbm>>
    tpu.wait_indirect_dma semaphore(%arg13 : memref<!tpu.dma_semaphore, #tpu.memory_space<semaphore_mem>>) src(%arg7 : memref<1280x32xf32, #tpu.memory_space<vmem>>) dst(%dma_wait3A_596 : memref<819200x32xf32, #tpu.memory_space<hbm>>)
    %dma_wait3A_597 = arith.constant 0 : i32
    %dma_wait3A_598 = arith.constant 0 : i32
    %dma_wait3A_599 = tpu.memref_slice %arg5[%dma_wait3A_597, %dma_wait3A_598] : memref<819200x32xf32, #tpu.memory_space<hbm>> -> memref<819200x32xf32, #tpu.memory_space<hbm>>
    tpu.wait_indirect_dma semaphore(%arg14 : memref<!tpu.dma_semaphore, #tpu.memory_space<semaphore_mem>>) src(%arg8 : memref<1280x32xf32, #tpu.memory_space<vmem>>) dst(%dma_wait3A_599 : memref<819200x32xf32, #tpu.memory_space<hbm>>)
    return
  }
}

module attributes {stable_mosaic.version = 14 : i64} {
  func.func @_relayout_body(%arg0: i32, %arg1: memref<32x8192xf32, #tpu.memory_space<vmem>>, %arg2: memref<2048x128xf32, #tpu.memory_space<vmem>>) attributes {dimension_semantics = [#tpu.dimension_semantics<arbitrary>], iteration_bounds = array<i64: 123>, scalar_prefetch = 0 : i64, scratch_operands = 0 : i64, tpu.core_type = #tpu.core_type<tc>, window_params = [{transform_indices = @transform_0, window_bounds = array<i64: 32, 8192>}, {transform_indices = @transform_1, window_bounds = array<i64: 2048, 128>}]} {
    %get3A = arith.constant 0 : index
    %get3A_0 = arith.constant 0 : index
    %get3A_1 = vector.load %arg1[%get3A, %get3A_0] : memref<32x8192xf32, #tpu.memory_space<vmem>>, vector<32x8192xf32>
    %slice3A = vector.extract_strided_slice %get3A_1 {offsets = [0, 0], sizes = [32, 128], strides = [1, 1]} : vector<32x8192xf32> to vector<32x128xf32>
    %slice3A_2 = vector.extract_strided_slice %get3A_1 {offsets = [0, 128], sizes = [32, 128], strides = [1, 1]} : vector<32x8192xf32> to vector<32x128xf32>
    %slice3A_3 = vector.extract_strided_slice %get3A_1 {offsets = [0, 256], sizes = [32, 128], strides = [1, 1]} : vector<32x8192xf32> to vector<32x128xf32>
    %slice3A_4 = vector.extract_strided_slice %get3A_1 {offsets = [0, 384], sizes = [32, 128], strides = [1, 1]} : vector<32x8192xf32> to vector<32x128xf32>
    %concatenate3A = tpu.concatenate %slice3A, %slice3A_2, %slice3A_3, %slice3A_4 in 0 : vector<32x128xf32>, vector<32x128xf32>, vector<32x128xf32>, vector<32x128xf32> -> vector<128x128xf32>
    %transpose3A = tpu.transpose %concatenate3A, [1, 0] : vector<128x128xf32> -> vector<128x128xf32>
    %swap3A = arith.constant 0 : index
    %swap3A_5 = arith.constant 0 : index
    %swap3A_6 = vector.load %arg2[%swap3A, %swap3A_5] : memref<2048x128xf32, #tpu.memory_space<vmem>>, vector<128x128xf32>
    tpu.vector_store %arg2[%swap3A, %swap3A_5], %transpose3A {strides = array<i32>} : memref<2048x128xf32, #tpu.memory_space<vmem>>, vector<128x128xf32>,
    %slice3A_7 = vector.extract_strided_slice %get3A_1 {offsets = [0, 512], sizes = [32, 128], strides = [1, 1]} : vector<32x8192xf32> to vector<32x128xf32>
    %slice3A_8 = vector.extract_strided_slice %get3A_1 {offsets = [0, 640], sizes = [32, 128], strides = [1, 1]} : vector<32x8192xf32> to vector<32x128xf32>
    %slice3A_9 = vector.extract_strided_slice %get3A_1 {offsets = [0, 768], sizes = [32, 128], strides = [1, 1]} : vector<32x8192xf32> to vector<32x128xf32>
    %slice3A_10 = vector.extract_strided_slice %get3A_1 {offsets = [0, 896], sizes = [32, 128], strides = [1, 1]} : vector<32x8192xf32> to vector<32x128xf32>
    %concatenate3A_11 = tpu.concatenate %slice3A_7, %slice3A_8, %slice3A_9, %slice3A_10 in 0 : vector<32x128xf32>, vector<32x128xf32>, vector<32x128xf32>, vector<32x128xf32> -> vector<128x128xf32>
    %transpose3A_12 = tpu.transpose %concatenate3A_11, [1, 0] : vector<128x128xf32> -> vector<128x128xf32>
    %swap3A_13 = arith.constant 128 : index
    %swap3A_14 = arith.constant 0 : index
    %swap3A_15 = vector.load %arg2[%swap3A_13, %swap3A_14] : memref<2048x128xf32, #tpu.memory_space<vmem>>, vector<128x128xf32>
    tpu.vector_store %arg2[%swap3A_13, %swap3A_14], %transpose3A_12 {strides = array<i32>} : memref<2048x128xf32, #tpu.memory_space<vmem>>, vector<128x128xf32>,
    %slice3A_16 = vector.extract_strided_slice %get3A_1 {offsets = [0, 1024], sizes = [32, 128], strides = [1, 1]} : vector<32x8192xf32> to vector<32x128xf32>
    %slice3A_17 = vector.extract_strided_slice %get3A_1 {offsets = [0, 1152], sizes = [32, 128], strides = [1, 1]} : vector<32x8192xf32> to vector<32x128xf32>
    %slice3A_18 = vector.extract_strided_slice %get3A_1 {offsets = [0, 1280], sizes = [32, 128], strides = [1, 1]} : vector<32x8192xf32> to vector<32x128xf32>
    %slice3A_19 = vector.extract_strided_slice %get3A_1 {offsets = [0, 1408], sizes = [32, 128], strides = [1, 1]} : vector<32x8192xf32> to vector<32x128xf32>
    %concatenate3A_20 = tpu.concatenate %slice3A_16, %slice3A_17, %slice3A_18, %slice3A_19 in 0 : vector<32x128xf32>, vector<32x128xf32>, vector<32x128xf32>, vector<32x128xf32> -> vector<128x128xf32>
    %transpose3A_21 = tpu.transpose %concatenate3A_20, [1, 0] : vector<128x128xf32> -> vector<128x128xf32>
    %swap3A_22 = arith.constant 256 : index
    %swap3A_23 = arith.constant 0 : index
    %swap3A_24 = vector.load %arg2[%swap3A_22, %swap3A_23] : memref<2048x128xf32, #tpu.memory_space<vmem>>, vector<128x128xf32>
    tpu.vector_store %arg2[%swap3A_22, %swap3A_23], %transpose3A_21 {strides = array<i32>} : memref<2048x128xf32, #tpu.memory_space<vmem>>, vector<128x128xf32>,
    %slice3A_25 = vector.extract_strided_slice %get3A_1 {offsets = [0, 1536], sizes = [32, 128], strides = [1, 1]} : vector<32x8192xf32> to vector<32x128xf32>
    %slice3A_26 = vector.extract_strided_slice %get3A_1 {offsets = [0, 1664], sizes = [32, 128], strides = [1, 1]} : vector<32x8192xf32> to vector<32x128xf32>
    %slice3A_27 = vector.extract_strided_slice %get3A_1 {offsets = [0, 1792], sizes = [32, 128], strides = [1, 1]} : vector<32x8192xf32> to vector<32x128xf32>
    %slice3A_28 = vector.extract_strided_slice %get3A_1 {offsets = [0, 1920], sizes = [32, 128], strides = [1, 1]} : vector<32x8192xf32> to vector<32x128xf32>
    %concatenate3A_29 = tpu.concatenate %slice3A_25, %slice3A_26, %slice3A_27, %slice3A_28 in 0 : vector<32x128xf32>, vector<32x128xf32>, vector<32x128xf32>, vector<32x128xf32> -> vector<128x128xf32>
    %transpose3A_30 = tpu.transpose %concatenate3A_29, [1, 0] : vector<128x128xf32> -> vector<128x128xf32>
    %swap3A_31 = arith.constant 384 : index
    %swap3A_32 = arith.constant 0 : index
    %swap3A_33 = vector.load %arg2[%swap3A_31, %swap3A_32] : memref<2048x128xf32, #tpu.memory_space<vmem>>, vector<128x128xf32>
    tpu.vector_store %arg2[%swap3A_31, %swap3A_32], %transpose3A_30 {strides = array<i32>} : memref<2048x128xf32, #tpu.memory_space<vmem>>, vector<128x128xf32>,
    %slice3A_34 = vector.extract_strided_slice %get3A_1 {offsets = [0, 2048], sizes = [32, 128], strides = [1, 1]} : vector<32x8192xf32> to vector<32x128xf32>
    %slice3A_35 = vector.extract_strided_slice %get3A_1 {offsets = [0, 2176], sizes = [32, 128], strides = [1, 1]} : vector<32x8192xf32> to vector<32x128xf32>
    %slice3A_36 = vector.extract_strided_slice %get3A_1 {offsets = [0, 2304], sizes = [32, 128], strides = [1, 1]} : vector<32x8192xf32> to vector<32x128xf32>
    %slice3A_37 = vector.extract_strided_slice %get3A_1 {offsets = [0, 2432], sizes = [32, 128], strides = [1, 1]} : vector<32x8192xf32> to vector<32x128xf32>
    %concatenate3A_38 = tpu.concatenate %slice3A_34, %slice3A_35, %slice3A_36, %slice3A_37 in 0 : vector<32x128xf32>, vector<32x128xf32>, vector<32x128xf32>, vector<32x128xf32> -> vector<128x128xf32>
    %transpose3A_39 = tpu.transpose %concatenate3A_38, [1, 0] : vector<128x128xf32> -> vector<128x128xf32>
    %swap3A_40 = arith.constant 512 : index
    %swap3A_41 = arith.constant 0 : index
    %swap3A_42 = vector.load %arg2[%swap3A_40, %swap3A_41] : memref<2048x128xf32, #tpu.memory_space<vmem>>, vector<128x128xf32>
    tpu.vector_store %arg2[%swap3A_40, %swap3A_41], %transpose3A_39 {strides = array<i32>} : memref<2048x128xf32, #tpu.memory_space<vmem>>, vector<128x128xf32>,
    %slice3A_43 = vector.extract_strided_slice %get3A_1 {offsets = [0, 2560], sizes = [32, 128], strides = [1, 1]} : vector<32x8192xf32> to vector<32x128xf32>
    %slice3A_44 = vector.extract_strided_slice %get3A_1 {offsets = [0, 2688], sizes = [32, 128], strides = [1, 1]} : vector<32x8192xf32> to vector<32x128xf32>
    %slice3A_45 = vector.extract_strided_slice %get3A_1 {offsets = [0, 2816], sizes = [32, 128], strides = [1, 1]} : vector<32x8192xf32> to vector<32x128xf32>
    %slice3A_46 = vector.extract_strided_slice %get3A_1 {offsets = [0, 2944], sizes = [32, 128], strides = [1, 1]} : vector<32x8192xf32> to vector<32x128xf32>
    %concatenate3A_47 = tpu.concatenate %slice3A_43, %slice3A_44, %slice3A_45, %slice3A_46 in 0 : vector<32x128xf32>, vector<32x128xf32>, vector<32x128xf32>, vector<32x128xf32> -> vector<128x128xf32>
    %transpose3A_48 = tpu.transpose %concatenate3A_47, [1, 0] : vector<128x128xf32> -> vector<128x128xf32>
    %swap3A_49 = arith.constant 640 : index
    %swap3A_50 = arith.constant 0 : index
    %swap3A_51 = vector.load %arg2[%swap3A_49, %swap3A_50] : memref<2048x128xf32, #tpu.memory_space<vmem>>, vector<128x128xf32>
    tpu.vector_store %arg2[%swap3A_49, %swap3A_50], %transpose3A_48 {strides = array<i32>} : memref<2048x128xf32, #tpu.memory_space<vmem>>, vector<128x128xf32>,
    %slice3A_52 = vector.extract_strided_slice %get3A_1 {offsets = [0, 3072], sizes = [32, 128], strides = [1, 1]} : vector<32x8192xf32> to vector<32x128xf32>
    %slice3A_53 = vector.extract_strided_slice %get3A_1 {offsets = [0, 3200], sizes = [32, 128], strides = [1, 1]} : vector<32x8192xf32> to vector<32x128xf32>
    %slice3A_54 = vector.extract_strided_slice %get3A_1 {offsets = [0, 3328], sizes = [32, 128], strides = [1, 1]} : vector<32x8192xf32> to vector<32x128xf32>
    %slice3A_55 = vector.extract_strided_slice %get3A_1 {offsets = [0, 3456], sizes = [32, 128], strides = [1, 1]} : vector<32x8192xf32> to vector<32x128xf32>
    %concatenate3A_56 = tpu.concatenate %slice3A_52, %slice3A_53, %slice3A_54, %slice3A_55 in 0 : vector<32x128xf32>, vector<32x128xf32>, vector<32x128xf32>, vector<32x128xf32> -> vector<128x128xf32>
    %transpose3A_57 = tpu.transpose %concatenate3A_56, [1, 0] : vector<128x128xf32> -> vector<128x128xf32>
    %swap3A_58 = arith.constant 768 : index
    %swap3A_59 = arith.constant 0 : index
    %swap3A_60 = vector.load %arg2[%swap3A_58, %swap3A_59] : memref<2048x128xf32, #tpu.memory_space<vmem>>, vector<128x128xf32>
    tpu.vector_store %arg2[%swap3A_58, %swap3A_59], %transpose3A_57 {strides = array<i32>} : memref<2048x128xf32, #tpu.memory_space<vmem>>, vector<128x128xf32>,
    %slice3A_61 = vector.extract_strided_slice %get3A_1 {offsets = [0, 3584], sizes = [32, 128], strides = [1, 1]} : vector<32x8192xf32> to vector<32x128xf32>
    %slice3A_62 = vector.extract_strided_slice %get3A_1 {offsets = [0, 3712], sizes = [32, 128], strides = [1, 1]} : vector<32x8192xf32> to vector<32x128xf32>
    %slice3A_63 = vector.extract_strided_slice %get3A_1 {offsets = [0, 3840], sizes = [32, 128], strides = [1, 1]} : vector<32x8192xf32> to vector<32x128xf32>
    %slice3A_64 = vector.extract_strided_slice %get3A_1 {offsets = [0, 3968], sizes = [32, 128], strides = [1, 1]} : vector<32x8192xf32> to vector<32x128xf32>
    %concatenate3A_65 = tpu.concatenate %slice3A_61, %slice3A_62, %slice3A_63, %slice3A_64 in 0 : vector<32x128xf32>, vector<32x128xf32>, vector<32x128xf32>, vector<32x128xf32> -> vector<128x128xf32>
    %transpose3A_66 = tpu.transpose %concatenate3A_65, [1, 0] : vector<128x128xf32> -> vector<128x128xf32>
    %swap3A_67 = arith.constant 896 : index
    %swap3A_68 = arith.constant 0 : index
    %swap3A_69 = vector.load %arg2[%swap3A_67, %swap3A_68] : memref<2048x128xf32, #tpu.memory_space<vmem>>, vector<128x128xf32>
    tpu.vector_store %arg2[%swap3A_67, %swap3A_68], %transpose3A_66 {strides = array<i32>} : memref<2048x128xf32, #tpu.memory_space<vmem>>, vector<128x128xf32>,
    %slice3A_70 = vector.extract_strided_slice %get3A_1 {offsets = [0, 4096], sizes = [32, 128], strides = [1, 1]} : vector<32x8192xf32> to vector<32x128xf32>
    %slice3A_71 = vector.extract_strided_slice %get3A_1 {offsets = [0, 4224], sizes = [32, 128], strides = [1, 1]} : vector<32x8192xf32> to vector<32x128xf32>
    %slice3A_72 = vector.extract_strided_slice %get3A_1 {offsets = [0, 4352], sizes = [32, 128], strides = [1, 1]} : vector<32x8192xf32> to vector<32x128xf32>
    %slice3A_73 = vector.extract_strided_slice %get3A_1 {offsets = [0, 4480], sizes = [32, 128], strides = [1, 1]} : vector<32x8192xf32> to vector<32x128xf32>
    %concatenate3A_74 = tpu.concatenate %slice3A_70, %slice3A_71, %slice3A_72, %slice3A_73 in 0 : vector<32x128xf32>, vector<32x128xf32>, vector<32x128xf32>, vector<32x128xf32> -> vector<128x128xf32>
    %transpose3A_75 = tpu.transpose %concatenate3A_74, [1, 0] : vector<128x128xf32> -> vector<128x128xf32>
    %swap3A_76 = arith.constant 1024 : index
    %swap3A_77 = arith.constant 0 : index
    %swap3A_78 = vector.load %arg2[%swap3A_76, %swap3A_77] : memref<2048x128xf32, #tpu.memory_space<vmem>>, vector<128x128xf32>
    tpu.vector_store %arg2[%swap3A_76, %swap3A_77], %transpose3A_75 {strides = array<i32>} : memref<2048x128xf32, #tpu.memory_space<vmem>>, vector<128x128xf32>,
    %slice3A_79 = vector.extract_strided_slice %get3A_1 {offsets = [0, 4608], sizes = [32, 128], strides = [1, 1]} : vector<32x8192xf32> to vector<32x128xf32>
    %slice3A_80 = vector.extract_strided_slice %get3A_1 {offsets = [0, 4736], sizes = [32, 128], strides = [1, 1]} : vector<32x8192xf32> to vector<32x128xf32>
    %slice3A_81 = vector.extract_strided_slice %get3A_1 {offsets = [0, 4864], sizes = [32, 128], strides = [1, 1]} : vector<32x8192xf32> to vector<32x128xf32>
    %slice3A_82 = vector.extract_strided_slice %get3A_1 {offsets = [0, 4992], sizes = [32, 128], strides = [1, 1]} : vector<32x8192xf32> to vector<32x128xf32>
    %concatenate3A_83 = tpu.concatenate %slice3A_79, %slice3A_80, %slice3A_81, %slice3A_82 in 0 : vector<32x128xf32>, vector<32x128xf32>, vector<32x128xf32>, vector<32x128xf32> -> vector<128x128xf32>
    %transpose3A_84 = tpu.transpose %concatenate3A_83, [1, 0] : vector<128x128xf32> -> vector<128x128xf32>
    %swap3A_85 = arith.constant 1152 : index
    %swap3A_86 = arith.constant 0 : index
    %swap3A_87 = vector.load %arg2[%swap3A_85, %swap3A_86] : memref<2048x128xf32, #tpu.memory_space<vmem>>, vector<128x128xf32>
    tpu.vector_store %arg2[%swap3A_85, %swap3A_86], %transpose3A_84 {strides = array<i32>} : memref<2048x128xf32, #tpu.memory_space<vmem>>, vector<128x128xf32>,
    %slice3A_88 = vector.extract_strided_slice %get3A_1 {offsets = [0, 5120], sizes = [32, 128], strides = [1, 1]} : vector<32x8192xf32> to vector<32x128xf32>
    %slice3A_89 = vector.extract_strided_slice %get3A_1 {offsets = [0, 5248], sizes = [32, 128], strides = [1, 1]} : vector<32x8192xf32> to vector<32x128xf32>
    %slice3A_90 = vector.extract_strided_slice %get3A_1 {offsets = [0, 5376], sizes = [32, 128], strides = [1, 1]} : vector<32x8192xf32> to vector<32x128xf32>
    %slice3A_91 = vector.extract_strided_slice %get3A_1 {offsets = [0, 5504], sizes = [32, 128], strides = [1, 1]} : vector<32x8192xf32> to vector<32x128xf32>
    %concatenate3A_92 = tpu.concatenate %slice3A_88, %slice3A_89, %slice3A_90, %slice3A_91 in 0 : vector<32x128xf32>, vector<32x128xf32>, vector<32x128xf32>, vector<32x128xf32> -> vector<128x128xf32>
    %transpose3A_93 = tpu.transpose %concatenate3A_92, [1, 0] : vector<128x128xf32> -> vector<128x128xf32>
    %swap3A_94 = arith.constant 1280 : index
    %swap3A_95 = arith.constant 0 : index
    %swap3A_96 = vector.load %arg2[%swap3A_94, %swap3A_95] : memref<2048x128xf32, #tpu.memory_space<vmem>>, vector<128x128xf32>
    tpu.vector_store %arg2[%swap3A_94, %swap3A_95], %transpose3A_93 {strides = array<i32>} : memref<2048x128xf32, #tpu.memory_space<vmem>>, vector<128x128xf32>,
    %slice3A_97 = vector.extract_strided_slice %get3A_1 {offsets = [0, 5632], sizes = [32, 128], strides = [1, 1]} : vector<32x8192xf32> to vector<32x128xf32>
    %slice3A_98 = vector.extract_strided_slice %get3A_1 {offsets = [0, 5760], sizes = [32, 128], strides = [1, 1]} : vector<32x8192xf32> to vector<32x128xf32>
    %slice3A_99 = vector.extract_strided_slice %get3A_1 {offsets = [0, 5888], sizes = [32, 128], strides = [1, 1]} : vector<32x8192xf32> to vector<32x128xf32>
    %slice3A_100 = vector.extract_strided_slice %get3A_1 {offsets = [0, 6016], sizes = [32, 128], strides = [1, 1]} : vector<32x8192xf32> to vector<32x128xf32>
    %concatenate3A_101 = tpu.concatenate %slice3A_97, %slice3A_98, %slice3A_99, %slice3A_100 in 0 : vector<32x128xf32>, vector<32x128xf32>, vector<32x128xf32>, vector<32x128xf32> -> vector<128x128xf32>
    %transpose3A_102 = tpu.transpose %concatenate3A_101, [1, 0] : vector<128x128xf32> -> vector<128x128xf32>
    %swap3A_103 = arith.constant 1408 : index
    %swap3A_104 = arith.constant 0 : index
    %swap3A_105 = vector.load %arg2[%swap3A_103, %swap3A_104] : memref<2048x128xf32, #tpu.memory_space<vmem>>, vector<128x128xf32>
    tpu.vector_store %arg2[%swap3A_103, %swap3A_104], %transpose3A_102 {strides = array<i32>} : memref<2048x128xf32, #tpu.memory_space<vmem>>, vector<128x128xf32>,
    %slice3A_106 = vector.extract_strided_slice %get3A_1 {offsets = [0, 6144], sizes = [32, 128], strides = [1, 1]} : vector<32x8192xf32> to vector<32x128xf32>
    %slice3A_107 = vector.extract_strided_slice %get3A_1 {offsets = [0, 6272], sizes = [32, 128], strides = [1, 1]} : vector<32x8192xf32> to vector<32x128xf32>
    %slice3A_108 = vector.extract_strided_slice %get3A_1 {offsets = [0, 6400], sizes = [32, 128], strides = [1, 1]} : vector<32x8192xf32> to vector<32x128xf32>
    %slice3A_109 = vector.extract_strided_slice %get3A_1 {offsets = [0, 6528], sizes = [32, 128], strides = [1, 1]} : vector<32x8192xf32> to vector<32x128xf32>
    %concatenate3A_110 = tpu.concatenate %slice3A_106, %slice3A_107, %slice3A_108, %slice3A_109 in 0 : vector<32x128xf32>, vector<32x128xf32>, vector<32x128xf32>, vector<32x128xf32> -> vector<128x128xf32>
    %transpose3A_111 = tpu.transpose %concatenate3A_110, [1, 0] : vector<128x128xf32> -> vector<128x128xf32>
    %swap3A_112 = arith.constant 1536 : index
    %swap3A_113 = arith.constant 0 : index
    %swap3A_114 = vector.load %arg2[%swap3A_112, %swap3A_113] : memref<2048x128xf32, #tpu.memory_space<vmem>>, vector<128x128xf32>
    tpu.vector_store %arg2[%swap3A_112, %swap3A_113], %transpose3A_111 {strides = array<i32>} : memref<2048x128xf32, #tpu.memory_space<vmem>>, vector<128x128xf32>,
    %slice3A_115 = vector.extract_strided_slice %get3A_1 {offsets = [0, 6656], sizes = [32, 128], strides = [1, 1]} : vector<32x8192xf32> to vector<32x128xf32>
    %slice3A_116 = vector.extract_strided_slice %get3A_1 {offsets = [0, 6784], sizes = [32, 128], strides = [1, 1]} : vector<32x8192xf32> to vector<32x128xf32>
    %slice3A_117 = vector.extract_strided_slice %get3A_1 {offsets = [0, 6912], sizes = [32, 128], strides = [1, 1]} : vector<32x8192xf32> to vector<32x128xf32>
    %slice3A_118 = vector.extract_strided_slice %get3A_1 {offsets = [0, 7040], sizes = [32, 128], strides = [1, 1]} : vector<32x8192xf32> to vector<32x128xf32>
    %concatenate3A_119 = tpu.concatenate %slice3A_115, %slice3A_116, %slice3A_117, %slice3A_118 in 0 : vector<32x128xf32>, vector<32x128xf32>, vector<32x128xf32>, vector<32x128xf32> -> vector<128x128xf32>
    %transpose3A_120 = tpu.transpose %concatenate3A_119, [1, 0] : vector<128x128xf32> -> vector<128x128xf32>
    %swap3A_121 = arith.constant 1664 : index
    %swap3A_122 = arith.constant 0 : index
    %swap3A_123 = vector.load %arg2[%swap3A_121, %swap3A_122] : memref<2048x128xf32, #tpu.memory_space<vmem>>, vector<128x128xf32>
    tpu.vector_store %arg2[%swap3A_121, %swap3A_122], %transpose3A_120 {strides = array<i32>} : memref<2048x128xf32, #tpu.memory_space<vmem>>, vector<128x128xf32>,
    %slice3A_124 = vector.extract_strided_slice %get3A_1 {offsets = [0, 7168], sizes = [32, 128], strides = [1, 1]} : vector<32x8192xf32> to vector<32x128xf32>
    %slice3A_125 = vector.extract_strided_slice %get3A_1 {offsets = [0, 7296], sizes = [32, 128], strides = [1, 1]} : vector<32x8192xf32> to vector<32x128xf32>
    %slice3A_126 = vector.extract_strided_slice %get3A_1 {offsets = [0, 7424], sizes = [32, 128], strides = [1, 1]} : vector<32x8192xf32> to vector<32x128xf32>
    %slice3A_127 = vector.extract_strided_slice %get3A_1 {offsets = [0, 7552], sizes = [32, 128], strides = [1, 1]} : vector<32x8192xf32> to vector<32x128xf32>
    %concatenate3A_128 = tpu.concatenate %slice3A_124, %slice3A_125, %slice3A_126, %slice3A_127 in 0 : vector<32x128xf32>, vector<32x128xf32>, vector<32x128xf32>, vector<32x128xf32> -> vector<128x128xf32>
    %transpose3A_129 = tpu.transpose %concatenate3A_128, [1, 0] : vector<128x128xf32> -> vector<128x128xf32>
    %swap3A_130 = arith.constant 1792 : index
    %swap3A_131 = arith.constant 0 : index
    %swap3A_132 = vector.load %arg2[%swap3A_130, %swap3A_131] : memref<2048x128xf32, #tpu.memory_space<vmem>>, vector<128x128xf32>
    tpu.vector_store %arg2[%swap3A_130, %swap3A_131], %transpose3A_129 {strides = array<i32>} : memref<2048x128xf32, #tpu.memory_space<vmem>>, vector<128x128xf32>,
    %slice3A_133 = vector.extract_strided_slice %get3A_1 {offsets = [0, 7680], sizes = [32, 128], strides = [1, 1]} : vector<32x8192xf32> to vector<32x128xf32>
    %slice3A_134 = vector.extract_strided_slice %get3A_1 {offsets = [0, 7808], sizes = [32, 128], strides = [1, 1]} : vector<32x8192xf32> to vector<32x128xf32>
    %slice3A_135 = vector.extract_strided_slice %get3A_1 {offsets = [0, 7936], sizes = [32, 128], strides = [1, 1]} : vector<32x8192xf32> to vector<32x128xf32>
    %slice3A_136 = vector.extract_strided_slice %get3A_1 {offsets = [0, 8064], sizes = [32, 128], strides = [1, 1]} : vector<32x8192xf32> to vector<32x128xf32>
    %concatenate3A_137 = tpu.concatenate %slice3A_133, %slice3A_134, %slice3A_135, %slice3A_136 in 0 : vector<32x128xf32>, vector<32x128xf32>, vector<32x128xf32>, vector<32x128xf32> -> vector<128x128xf32>
    %transpose3A_138 = tpu.transpose %concatenate3A_137, [1, 0] : vector<128x128xf32> -> vector<128x128xf32>
    %swap3A_139 = arith.constant 1920 : index
    %swap3A_140 = arith.constant 0 : index
    %swap3A_141 = vector.load %arg2[%swap3A_139, %swap3A_140] : memref<2048x128xf32, #tpu.memory_space<vmem>>, vector<128x128xf32>
    tpu.vector_store %arg2[%swap3A_139, %swap3A_140], %transpose3A_138 {strides = array<i32>} : memref<2048x128xf32, #tpu.memory_space<vmem>>, vector<128x128xf32>,
    return
  }
  func.func @transform_0(%arg0: i32) -> (i32, i32) {
    %c0_i32 = arith.constant 0 : i32
    %c0_i32_0 = arith.constant 0 : i32
    return %c0_i32, %arg0 : i32, i32
  }
  func.func @transform_1(%arg0: i32) -> (i32, i32) {
    %c0_i32 = arith.constant 0 : i32
    %c0_i32_0 = arith.constant 0 : i32
    return %arg0, %c0_i32 : i32, i32
  }
}

module attributes {stable_mosaic.version = 14 : i64} {
  func.func @_txp_body(%arg0: i32, %arg1: memref<50x128x128xf32, #tpu.memory_space<vmem>>, %arg2: memref<6400x128xf32, #tpu.memory_space<vmem>>) attributes {dimension_semantics = [#tpu.dimension_semantics<arbitrary>], iteration_bounds = array<i64: 32>, scalar_prefetch = 0 : i64, scratch_operands = 0 : i64, tpu.core_type = #tpu.core_type<tc>, window_params = [{transform_indices = @transform_0, window_bounds = array<i64: 50, 128, 128>}, {transform_indices = @transform_1, window_bounds = array<i64: 6400, 128>}]} {
    %get3A = arith.constant 0 : index
    %get3A_0 = arith.constant 0 : index
    %get3A_1 = arith.constant 0 : index
    %get3A_2 = vector.load %arg1[%get3A, %get3A_0, %get3A_1] : memref<50x128x128xf32, #tpu.memory_space<vmem>>, vector<1x128x128xf32>
    %get3A_3 = vector.shape_cast %get3A_2 : vector<1x128x128xf32> to vector<128x128xf32>
    %transpose3A = tpu.transpose %get3A_3, [1, 0] : vector<128x128xf32> -> vector<128x128xf32>
    %swap3A = arith.constant 0 : index
    %swap3A_4 = arith.constant 0 : index
    %swap3A_5 = vector.load %arg2[%swap3A, %swap3A_4] : memref<6400x128xf32, #tpu.memory_space<vmem>>, vector<128x128xf32>
    tpu.vector_store %arg2[%swap3A, %swap3A_4], %transpose3A {strides = array<i32>} : memref<6400x128xf32, #tpu.memory_space<vmem>>, vector<128x128xf32>,
    %get3A_6 = arith.constant 1 : index
    %get3A_7 = arith.constant 0 : index
    %get3A_8 = arith.constant 0 : index
    %get3A_9 = vector.load %arg1[%get3A_6, %get3A_7, %get3A_8] : memref<50x128x128xf32, #tpu.memory_space<vmem>>, vector<1x128x128xf32>
    %get3A_10 = vector.shape_cast %get3A_9 : vector<1x128x128xf32> to vector<128x128xf32>
    %transpose3A_11 = tpu.transpose %get3A_10, [1, 0] : vector<128x128xf32> -> vector<128x128xf32>
    %swap3A_12 = arith.constant 128 : index
    %swap3A_13 = arith.constant 0 : index
    %swap3A_14 = vector.load %arg2[%swap3A_12, %swap3A_13] : memref<6400x128xf32, #tpu.memory_space<vmem>>, vector<128x128xf32>
    tpu.vector_store %arg2[%swap3A_12, %swap3A_13], %transpose3A_11 {strides = array<i32>} : memref<6400x128xf32, #tpu.memory_space<vmem>>, vector<128x128xf32>,
    %get3A_15 = arith.constant 2 : index
    %get3A_16 = arith.constant 0 : index
    %get3A_17 = arith.constant 0 : index
    %get3A_18 = vector.load %arg1[%get3A_15, %get3A_16, %get3A_17] : memref<50x128x128xf32, #tpu.memory_space<vmem>>, vector<1x128x128xf32>
    %get3A_19 = vector.shape_cast %get3A_18 : vector<1x128x128xf32> to vector<128x128xf32>
    %transpose3A_20 = tpu.transpose %get3A_19, [1, 0] : vector<128x128xf32> -> vector<128x128xf32>
    %swap3A_21 = arith.constant 256 : index
    %swap3A_22 = arith.constant 0 : index
    %swap3A_23 = vector.load %arg2[%swap3A_21, %swap3A_22] : memref<6400x128xf32, #tpu.memory_space<vmem>>, vector<128x128xf32>
    tpu.vector_store %arg2[%swap3A_21, %swap3A_22], %transpose3A_20 {strides = array<i32>} : memref<6400x128xf32, #tpu.memory_space<vmem>>, vector<128x128xf32>,
    %get3A_24 = arith.constant 3 : index
    %get3A_25 = arith.constant 0 : index
    %get3A_26 = arith.constant 0 : index
    %get3A_27 = vector.load %arg1[%get3A_24, %get3A_25, %get3A_26] : memref<50x128x128xf32, #tpu.memory_space<vmem>>, vector<1x128x128xf32>
    %get3A_28 = vector.shape_cast %get3A_27 : vector<1x128x128xf32> to vector<128x128xf32>
    %transpose3A_29 = tpu.transpose %get3A_28, [1, 0] : vector<128x128xf32> -> vector<128x128xf32>
    %swap3A_30 = arith.constant 384 : index
    %swap3A_31 = arith.constant 0 : index
    %swap3A_32 = vector.load %arg2[%swap3A_30, %swap3A_31] : memref<6400x128xf32, #tpu.memory_space<vmem>>, vector<128x128xf32>
    tpu.vector_store %arg2[%swap3A_30, %swap3A_31], %transpose3A_29 {strides = array<i32>} : memref<6400x128xf32, #tpu.memory_space<vmem>>, vector<128x128xf32>,
    %get3A_33 = arith.constant 4 : index
    %get3A_34 = arith.constant 0 : index
    %get3A_35 = arith.constant 0 : index
    %get3A_36 = vector.load %arg1[%get3A_33, %get3A_34, %get3A_35] : memref<50x128x128xf32, #tpu.memory_space<vmem>>, vector<1x128x128xf32>
    %get3A_37 = vector.shape_cast %get3A_36 : vector<1x128x128xf32> to vector<128x128xf32>
    %transpose3A_38 = tpu.transpose %get3A_37, [1, 0] : vector<128x128xf32> -> vector<128x128xf32>
    %swap3A_39 = arith.constant 512 : index
    %swap3A_40 = arith.constant 0 : index
    %swap3A_41 = vector.load %arg2[%swap3A_39, %swap3A_40] : memref<6400x128xf32, #tpu.memory_space<vmem>>, vector<128x128xf32>
    tpu.vector_store %arg2[%swap3A_39, %swap3A_40], %transpose3A_38 {strides = array<i32>} : memref<6400x128xf32, #tpu.memory_space<vmem>>, vector<128x128xf32>,
    %get3A_42 = arith.constant 5 : index
    %get3A_43 = arith.constant 0 : index
    %get3A_44 = arith.constant 0 : index
    %get3A_45 = vector.load %arg1[%get3A_42, %get3A_43, %get3A_44] : memref<50x128x128xf32, #tpu.memory_space<vmem>>, vector<1x128x128xf32>
    %get3A_46 = vector.shape_cast %get3A_45 : vector<1x128x128xf32> to vector<128x128xf32>
    %transpose3A_47 = tpu.transpose %get3A_46, [1, 0] : vector<128x128xf32> -> vector<128x128xf32>
    %swap3A_48 = arith.constant 640 : index
    %swap3A_49 = arith.constant 0 : index
    %swap3A_50 = vector.load %arg2[%swap3A_48, %swap3A_49] : memref<6400x128xf32, #tpu.memory_space<vmem>>, vector<128x128xf32>
    tpu.vector_store %arg2[%swap3A_48, %swap3A_49], %transpose3A_47 {strides = array<i32>} : memref<6400x128xf32, #tpu.memory_space<vmem>>, vector<128x128xf32>,
    %get3A_51 = arith.constant 6 : index
    %get3A_52 = arith.constant 0 : index
    %get3A_53 = arith.constant 0 : index
    %get3A_54 = vector.load %arg1[%get3A_51, %get3A_52, %get3A_53] : memref<50x128x128xf32, #tpu.memory_space<vmem>>, vector<1x128x128xf32>
    %get3A_55 = vector.shape_cast %get3A_54 : vector<1x128x128xf32> to vector<128x128xf32>
    %transpose3A_56 = tpu.transpose %get3A_55, [1, 0] : vector<128x128xf32> -> vector<128x128xf32>
    %swap3A_57 = arith.constant 768 : index
    %swap3A_58 = arith.constant 0 : index
    %swap3A_59 = vector.load %arg2[%swap3A_57, %swap3A_58] : memref<6400x128xf32, #tpu.memory_space<vmem>>, vector<128x128xf32>
    tpu.vector_store %arg2[%swap3A_57, %swap3A_58], %transpose3A_56 {strides = array<i32>} : memref<6400x128xf32, #tpu.memory_space<vmem>>, vector<128x128xf32>,
    %get3A_60 = arith.constant 7 : index
    %get3A_61 = arith.constant 0 : index
    %get3A_62 = arith.constant 0 : index
    %get3A_63 = vector.load %arg1[%get3A_60, %get3A_61, %get3A_62] : memref<50x128x128xf32, #tpu.memory_space<vmem>>, vector<1x128x128xf32>
    %get3A_64 = vector.shape_cast %get3A_63 : vector<1x128x128xf32> to vector<128x128xf32>
    %transpose3A_65 = tpu.transpose %get3A_64, [1, 0] : vector<128x128xf32> -> vector<128x128xf32>
    %swap3A_66 = arith.constant 896 : index
    %swap3A_67 = arith.constant 0 : index
    %swap3A_68 = vector.load %arg2[%swap3A_66, %swap3A_67] : memref<6400x128xf32, #tpu.memory_space<vmem>>, vector<128x128xf32>
    tpu.vector_store %arg2[%swap3A_66, %swap3A_67], %transpose3A_65 {strides = array<i32>} : memref<6400x128xf32, #tpu.memory_space<vmem>>, vector<128x128xf32>,
    %get3A_69 = arith.constant 8 : index
    %get3A_70 = arith.constant 0 : index
    %get3A_71 = arith.constant 0 : index
    %get3A_72 = vector.load %arg1[%get3A_69, %get3A_70, %get3A_71] : memref<50x128x128xf32, #tpu.memory_space<vmem>>, vector<1x128x128xf32>
    %get3A_73 = vector.shape_cast %get3A_72 : vector<1x128x128xf32> to vector<128x128xf32>
    %transpose3A_74 = tpu.transpose %get3A_73, [1, 0] : vector<128x128xf32> -> vector<128x128xf32>
    %swap3A_75 = arith.constant 1024 : index
    %swap3A_76 = arith.constant 0 : index
    %swap3A_77 = vector.load %arg2[%swap3A_75, %swap3A_76] : memref<6400x128xf32, #tpu.memory_space<vmem>>, vector<128x128xf32>
    tpu.vector_store %arg2[%swap3A_75, %swap3A_76], %transpose3A_74 {strides = array<i32>} : memref<6400x128xf32, #tpu.memory_space<vmem>>, vector<128x128xf32>,
    %get3A_78 = arith.constant 9 : index
    %get3A_79 = arith.constant 0 : index
    %get3A_80 = arith.constant 0 : index
    %get3A_81 = vector.load %arg1[%get3A_78, %get3A_79, %get3A_80] : memref<50x128x128xf32, #tpu.memory_space<vmem>>, vector<1x128x128xf32>
    %get3A_82 = vector.shape_cast %get3A_81 : vector<1x128x128xf32> to vector<128x128xf32>
    %transpose3A_83 = tpu.transpose %get3A_82, [1, 0] : vector<128x128xf32> -> vector<128x128xf32>
    %swap3A_84 = arith.constant 1152 : index
    %swap3A_85 = arith.constant 0 : index
    %swap3A_86 = vector.load %arg2[%swap3A_84, %swap3A_85] : memref<6400x128xf32, #tpu.memory_space<vmem>>, vector<128x128xf32>
    tpu.vector_store %arg2[%swap3A_84, %swap3A_85], %transpose3A_83 {strides = array<i32>} : memref<6400x128xf32, #tpu.memory_space<vmem>>, vector<128x128xf32>,
    %get3A_87 = arith.constant 10 : index
    %get3A_88 = arith.constant 0 : index
    %get3A_89 = arith.constant 0 : index
    %get3A_90 = vector.load %arg1[%get3A_87, %get3A_88, %get3A_89] : memref<50x128x128xf32, #tpu.memory_space<vmem>>, vector<1x128x128xf32>
    %get3A_91 = vector.shape_cast %get3A_90 : vector<1x128x128xf32> to vector<128x128xf32>
    %transpose3A_92 = tpu.transpose %get3A_91, [1, 0] : vector<128x128xf32> -> vector<128x128xf32>
    %swap3A_93 = arith.constant 1280 : index
    %swap3A_94 = arith.constant 0 : index
    %swap3A_95 = vector.load %arg2[%swap3A_93, %swap3A_94] : memref<6400x128xf32, #tpu.memory_space<vmem>>, vector<128x128xf32>
    tpu.vector_store %arg2[%swap3A_93, %swap3A_94], %transpose3A_92 {strides = array<i32>} : memref<6400x128xf32, #tpu.memory_space<vmem>>, vector<128x128xf32>,
    %get3A_96 = arith.constant 11 : index
    %get3A_97 = arith.constant 0 : index
    %get3A_98 = arith.constant 0 : index
    %get3A_99 = vector.load %arg1[%get3A_96, %get3A_97, %get3A_98] : memref<50x128x128xf32, #tpu.memory_space<vmem>>, vector<1x128x128xf32>
    %get3A_100 = vector.shape_cast %get3A_99 : vector<1x128x128xf32> to vector<128x128xf32>
    %transpose3A_101 = tpu.transpose %get3A_100, [1, 0] : vector<128x128xf32> -> vector<128x128xf32>
    %swap3A_102 = arith.constant 1408 : index
    %swap3A_103 = arith.constant 0 : index
    %swap3A_104 = vector.load %arg2[%swap3A_102, %swap3A_103] : memref<6400x128xf32, #tpu.memory_space<vmem>>, vector<128x128xf32>
    tpu.vector_store %arg2[%swap3A_102, %swap3A_103], %transpose3A_101 {strides = array<i32>} : memref<6400x128xf32, #tpu.memory_space<vmem>>, vector<128x128xf32>,
    %get3A_105 = arith.constant 12 : index
    %get3A_106 = arith.constant 0 : index
    %get3A_107 = arith.constant 0 : index
    %get3A_108 = vector.load %arg1[%get3A_105, %get3A_106, %get3A_107] : memref<50x128x128xf32, #tpu.memory_space<vmem>>, vector<1x128x128xf32>
    %get3A_109 = vector.shape_cast %get3A_108 : vector<1x128x128xf32> to vector<128x128xf32>
    %transpose3A_110 = tpu.transpose %get3A_109, [1, 0] : vector<128x128xf32> -> vector<128x128xf32>
    %swap3A_111 = arith.constant 1536 : index
    %swap3A_112 = arith.constant 0 : index
    %swap3A_113 = vector.load %arg2[%swap3A_111, %swap3A_112] : memref<6400x128xf32, #tpu.memory_space<vmem>>, vector<128x128xf32>
    tpu.vector_store %arg2[%swap3A_111, %swap3A_112], %transpose3A_110 {strides = array<i32>} : memref<6400x128xf32, #tpu.memory_space<vmem>>, vector<128x128xf32>,
    %get3A_114 = arith.constant 13 : index
    %get3A_115 = arith.constant 0 : index
    %get3A_116 = arith.constant 0 : index
    %get3A_117 = vector.load %arg1[%get3A_114, %get3A_115, %get3A_116] : memref<50x128x128xf32, #tpu.memory_space<vmem>>, vector<1x128x128xf32>
    %get3A_118 = vector.shape_cast %get3A_117 : vector<1x128x128xf32> to vector<128x128xf32>
    %transpose3A_119 = tpu.transpose %get3A_118, [1, 0] : vector<128x128xf32> -> vector<128x128xf32>
    %swap3A_120 = arith.constant 1664 : index
    %swap3A_121 = arith.constant 0 : index
    %swap3A_122 = vector.load %arg2[%swap3A_120, %swap3A_121] : memref<6400x128xf32, #tpu.memory_space<vmem>>, vector<128x128xf32>
    tpu.vector_store %arg2[%swap3A_120, %swap3A_121], %transpose3A_119 {strides = array<i32>} : memref<6400x128xf32, #tpu.memory_space<vmem>>, vector<128x128xf32>,
    %get3A_123 = arith.constant 14 : index
    %get3A_124 = arith.constant 0 : index
    %get3A_125 = arith.constant 0 : index
    %get3A_126 = vector.load %arg1[%get3A_123, %get3A_124, %get3A_125] : memref<50x128x128xf32, #tpu.memory_space<vmem>>, vector<1x128x128xf32>
    %get3A_127 = vector.shape_cast %get3A_126 : vector<1x128x128xf32> to vector<128x128xf32>
    %transpose3A_128 = tpu.transpose %get3A_127, [1, 0] : vector<128x128xf32> -> vector<128x128xf32>
    %swap3A_129 = arith.constant 1792 : index
    %swap3A_130 = arith.constant 0 : index
    %swap3A_131 = vector.load %arg2[%swap3A_129, %swap3A_130] : memref<6400x128xf32, #tpu.memory_space<vmem>>, vector<128x128xf32>
    tpu.vector_store %arg2[%swap3A_129, %swap3A_130], %transpose3A_128 {strides = array<i32>} : memref<6400x128xf32, #tpu.memory_space<vmem>>, vector<128x128xf32>,
    %get3A_132 = arith.constant 15 : index
    %get3A_133 = arith.constant 0 : index
    %get3A_134 = arith.constant 0 : index
    %get3A_135 = vector.load %arg1[%get3A_132, %get3A_133, %get3A_134] : memref<50x128x128xf32, #tpu.memory_space<vmem>>, vector<1x128x128xf32>
    %get3A_136 = vector.shape_cast %get3A_135 : vector<1x128x128xf32> to vector<128x128xf32>
    %transpose3A_137 = tpu.transpose %get3A_136, [1, 0] : vector<128x128xf32> -> vector<128x128xf32>
    %swap3A_138 = arith.constant 1920 : index
    %swap3A_139 = arith.constant 0 : index
    %swap3A_140 = vector.load %arg2[%swap3A_138, %swap3A_139] : memref<6400x128xf32, #tpu.memory_space<vmem>>, vector<128x128xf32>
    tpu.vector_store %arg2[%swap3A_138, %swap3A_139], %transpose3A_137 {strides = array<i32>} : memref<6400x128xf32, #tpu.memory_space<vmem>>, vector<128x128xf32>,
    %get3A_141 = arith.constant 16 : index
    %get3A_142 = arith.constant 0 : index
    %get3A_143 = arith.constant 0 : index
    %get3A_144 = vector.load %arg1[%get3A_141, %get3A_142, %get3A_143] : memref<50x128x128xf32, #tpu.memory_space<vmem>>, vector<1x128x128xf32>
    %get3A_145 = vector.shape_cast %get3A_144 : vector<1x128x128xf32> to vector<128x128xf32>
    %transpose3A_146 = tpu.transpose %get3A_145, [1, 0] : vector<128x128xf32> -> vector<128x128xf32>
    %swap3A_147 = arith.constant 2048 : index
    %swap3A_148 = arith.constant 0 : index
    %swap3A_149 = vector.load %arg2[%swap3A_147, %swap3A_148] : memref<6400x128xf32, #tpu.memory_space<vmem>>, vector<128x128xf32>
    tpu.vector_store %arg2[%swap3A_147, %swap3A_148], %transpose3A_146 {strides = array<i32>} : memref<6400x128xf32, #tpu.memory_space<vmem>>, vector<128x128xf32>,
    %get3A_150 = arith.constant 17 : index
    %get3A_151 = arith.constant 0 : index
    %get3A_152 = arith.constant 0 : index
    %get3A_153 = vector.load %arg1[%get3A_150, %get3A_151, %get3A_152] : memref<50x128x128xf32, #tpu.memory_space<vmem>>, vector<1x128x128xf32>
    %get3A_154 = vector.shape_cast %get3A_153 : vector<1x128x128xf32> to vector<128x128xf32>
    %transpose3A_155 = tpu.transpose %get3A_154, [1, 0] : vector<128x128xf32> -> vector<128x128xf32>
    %swap3A_156 = arith.constant 2176 : index
    %swap3A_157 = arith.constant 0 : index
    %swap3A_158 = vector.load %arg2[%swap3A_156, %swap3A_157] : memref<6400x128xf32, #tpu.memory_space<vmem>>, vector<128x128xf32>
    tpu.vector_store %arg2[%swap3A_156, %swap3A_157], %transpose3A_155 {strides = array<i32>} : memref<6400x128xf32, #tpu.memory_space<vmem>>, vector<128x128xf32>,
    %get3A_159 = arith.constant 18 : index
    %get3A_160 = arith.constant 0 : index
    %get3A_161 = arith.constant 0 : index
    %get3A_162 = vector.load %arg1[%get3A_159, %get3A_160, %get3A_161] : memref<50x128x128xf32, #tpu.memory_space<vmem>>, vector<1x128x128xf32>
    %get3A_163 = vector.shape_cast %get3A_162 : vector<1x128x128xf32> to vector<128x128xf32>
    %transpose3A_164 = tpu.transpose %get3A_163, [1, 0] : vector<128x128xf32> -> vector<128x128xf32>
    %swap3A_165 = arith.constant 2304 : index
    %swap3A_166 = arith.constant 0 : index
    %swap3A_167 = vector.load %arg2[%swap3A_165, %swap3A_166] : memref<6400x128xf32, #tpu.memory_space<vmem>>, vector<128x128xf32>
    tpu.vector_store %arg2[%swap3A_165, %swap3A_166], %transpose3A_164 {strides = array<i32>} : memref<6400x128xf32, #tpu.memory_space<vmem>>, vector<128x128xf32>,
    %get3A_168 = arith.constant 19 : index
    %get3A_169 = arith.constant 0 : index
    %get3A_170 = arith.constant 0 : index
    %get3A_171 = vector.load %arg1[%get3A_168, %get3A_169, %get3A_170] : memref<50x128x128xf32, #tpu.memory_space<vmem>>, vector<1x128x128xf32>
    %get3A_172 = vector.shape_cast %get3A_171 : vector<1x128x128xf32> to vector<128x128xf32>
    %transpose3A_173 = tpu.transpose %get3A_172, [1, 0] : vector<128x128xf32> -> vector<128x128xf32>
    %swap3A_174 = arith.constant 2432 : index
    %swap3A_175 = arith.constant 0 : index
    %swap3A_176 = vector.load %arg2[%swap3A_174, %swap3A_175] : memref<6400x128xf32, #tpu.memory_space<vmem>>, vector<128x128xf32>
    tpu.vector_store %arg2[%swap3A_174, %swap3A_175], %transpose3A_173 {strides = array<i32>} : memref<6400x128xf32, #tpu.memory_space<vmem>>, vector<128x128xf32>,
    %get3A_177 = arith.constant 20 : index
    %get3A_178 = arith.constant 0 : index
    %get3A_179 = arith.constant 0 : index
    %get3A_180 = vector.load %arg1[%get3A_177, %get3A_178, %get3A_179] : memref<50x128x128xf32, #tpu.memory_space<vmem>>, vector<1x128x128xf32>
    %get3A_181 = vector.shape_cast %get3A_180 : vector<1x128x128xf32> to vector<128x128xf32>
    %transpose3A_182 = tpu.transpose %get3A_181, [1, 0] : vector<128x128xf32> -> vector<128x128xf32>
    %swap3A_183 = arith.constant 2560 : index
    %swap3A_184 = arith.constant 0 : index
    %swap3A_185 = vector.load %arg2[%swap3A_183, %swap3A_184] : memref<6400x128xf32, #tpu.memory_space<vmem>>, vector<128x128xf32>
    tpu.vector_store %arg2[%swap3A_183, %swap3A_184], %transpose3A_182 {strides = array<i32>} : memref<6400x128xf32, #tpu.memory_space<vmem>>, vector<128x128xf32>,
    %get3A_186 = arith.constant 21 : index
    %get3A_187 = arith.constant 0 : index
    %get3A_188 = arith.constant 0 : index
    %get3A_189 = vector.load %arg1[%get3A_186, %get3A_187, %get3A_188] : memref<50x128x128xf32, #tpu.memory_space<vmem>>, vector<1x128x128xf32>
    %get3A_190 = vector.shape_cast %get3A_189 : vector<1x128x128xf32> to vector<128x128xf32>
    %transpose3A_191 = tpu.transpose %get3A_190, [1, 0] : vector<128x128xf32> -> vector<128x128xf32>
    %swap3A_192 = arith.constant 2688 : index
    %swap3A_193 = arith.constant 0 : index
    %swap3A_194 = vector.load %arg2[%swap3A_192, %swap3A_193] : memref<6400x128xf32, #tpu.memory_space<vmem>>, vector<128x128xf32>
    tpu.vector_store %arg2[%swap3A_192, %swap3A_193], %transpose3A_191 {strides = array<i32>} : memref<6400x128xf32, #tpu.memory_space<vmem>>, vector<128x128xf32>,
    %get3A_195 = arith.constant 22 : index
    %get3A_196 = arith.constant 0 : index
    %get3A_197 = arith.constant 0 : index
    %get3A_198 = vector.load %arg1[%get3A_195, %get3A_196, %get3A_197] : memref<50x128x128xf32, #tpu.memory_space<vmem>>, vector<1x128x128xf32>
    %get3A_199 = vector.shape_cast %get3A_198 : vector<1x128x128xf32> to vector<128x128xf32>
    %transpose3A_200 = tpu.transpose %get3A_199, [1, 0] : vector<128x128xf32> -> vector<128x128xf32>
    %swap3A_201 = arith.constant 2816 : index
    %swap3A_202 = arith.constant 0 : index
    %swap3A_203 = vector.load %arg2[%swap3A_201, %swap3A_202] : memref<6400x128xf32, #tpu.memory_space<vmem>>, vector<128x128xf32>
    tpu.vector_store %arg2[%swap3A_201, %swap3A_202], %transpose3A_200 {strides = array<i32>} : memref<6400x128xf32, #tpu.memory_space<vmem>>, vector<128x128xf32>,
    %get3A_204 = arith.constant 23 : index
    %get3A_205 = arith.constant 0 : index
    %get3A_206 = arith.constant 0 : index
    %get3A_207 = vector.load %arg1[%get3A_204, %get3A_205, %get3A_206] : memref<50x128x128xf32, #tpu.memory_space<vmem>>, vector<1x128x128xf32>
    %get3A_208 = vector.shape_cast %get3A_207 : vector<1x128x128xf32> to vector<128x128xf32>
    %transpose3A_209 = tpu.transpose %get3A_208, [1, 0] : vector<128x128xf32> -> vector<128x128xf32>
    %swap3A_210 = arith.constant 2944 : index
    %swap3A_211 = arith.constant 0 : index
    %swap3A_212 = vector.load %arg2[%swap3A_210, %swap3A_211] : memref<6400x128xf32, #tpu.memory_space<vmem>>, vector<128x128xf32>
    tpu.vector_store %arg2[%swap3A_210, %swap3A_211], %transpose3A_209 {strides = array<i32>} : memref<6400x128xf32, #tpu.memory_space<vmem>>, vector<128x128xf32>,
    %get3A_213 = arith.constant 24 : index
    %get3A_214 = arith.constant 0 : index
    %get3A_215 = arith.constant 0 : index
    %get3A_216 = vector.load %arg1[%get3A_213, %get3A_214, %get3A_215] : memref<50x128x128xf32, #tpu.memory_space<vmem>>, vector<1x128x128xf32>
    %get3A_217 = vector.shape_cast %get3A_216 : vector<1x128x128xf32> to vector<128x128xf32>
    %transpose3A_218 = tpu.transpose %get3A_217, [1, 0] : vector<128x128xf32> -> vector<128x128xf32>
    %swap3A_219 = arith.constant 3072 : index
    %swap3A_220 = arith.constant 0 : index
    %swap3A_221 = vector.load %arg2[%swap3A_219, %swap3A_220] : memref<6400x128xf32, #tpu.memory_space<vmem>>, vector<128x128xf32>
    tpu.vector_store %arg2[%swap3A_219, %swap3A_220], %transpose3A_218 {strides = array<i32>} : memref<6400x128xf32, #tpu.memory_space<vmem>>, vector<128x128xf32>,
    %get3A_222 = arith.constant 25 : index
    %get3A_223 = arith.constant 0 : index
    %get3A_224 = arith.constant 0 : index
    %get3A_225 = vector.load %arg1[%get3A_222, %get3A_223, %get3A_224] : memref<50x128x128xf32, #tpu.memory_space<vmem>>, vector<1x128x128xf32>
    %get3A_226 = vector.shape_cast %get3A_225 : vector<1x128x128xf32> to vector<128x128xf32>
    %transpose3A_227 = tpu.transpose %get3A_226, [1, 0] : vector<128x128xf32> -> vector<128x128xf32>
    %swap3A_228 = arith.constant 3200 : index
    %swap3A_229 = arith.constant 0 : index
    %swap3A_230 = vector.load %arg2[%swap3A_228, %swap3A_229] : memref<6400x128xf32, #tpu.memory_space<vmem>>, vector<128x128xf32>
    tpu.vector_store %arg2[%swap3A_228, %swap3A_229], %transpose3A_227 {strides = array<i32>} : memref<6400x128xf32, #tpu.memory_space<vmem>>, vector<128x128xf32>,
    %get3A_231 = arith.constant 26 : index
    %get3A_232 = arith.constant 0 : index
    %get3A_233 = arith.constant 0 : index
    %get3A_234 = vector.load %arg1[%get3A_231, %get3A_232, %get3A_233] : memref<50x128x128xf32, #tpu.memory_space<vmem>>, vector<1x128x128xf32>
    %get3A_235 = vector.shape_cast %get3A_234 : vector<1x128x128xf32> to vector<128x128xf32>
    %transpose3A_236 = tpu.transpose %get3A_235, [1, 0] : vector<128x128xf32> -> vector<128x128xf32>
    %swap3A_237 = arith.constant 3328 : index
    %swap3A_238 = arith.constant 0 : index
    %swap3A_239 = vector.load %arg2[%swap3A_237, %swap3A_238] : memref<6400x128xf32, #tpu.memory_space<vmem>>, vector<128x128xf32>
    tpu.vector_store %arg2[%swap3A_237, %swap3A_238], %transpose3A_236 {strides = array<i32>} : memref<6400x128xf32, #tpu.memory_space<vmem>>, vector<128x128xf32>,
    %get3A_240 = arith.constant 27 : index
    %get3A_241 = arith.constant 0 : index
    %get3A_242 = arith.constant 0 : index
    %get3A_243 = vector.load %arg1[%get3A_240, %get3A_241, %get3A_242] : memref<50x128x128xf32, #tpu.memory_space<vmem>>, vector<1x128x128xf32>
    %get3A_244 = vector.shape_cast %get3A_243 : vector<1x128x128xf32> to vector<128x128xf32>
    %transpose3A_245 = tpu.transpose %get3A_244, [1, 0] : vector<128x128xf32> -> vector<128x128xf32>
    %swap3A_246 = arith.constant 3456 : index
    %swap3A_247 = arith.constant 0 : index
    %swap3A_248 = vector.load %arg2[%swap3A_246, %swap3A_247] : memref<6400x128xf32, #tpu.memory_space<vmem>>, vector<128x128xf32>
    tpu.vector_store %arg2[%swap3A_246, %swap3A_247], %transpose3A_245 {strides = array<i32>} : memref<6400x128xf32, #tpu.memory_space<vmem>>, vector<128x128xf32>,
    %get3A_249 = arith.constant 28 : index
    %get3A_250 = arith.constant 0 : index
    %get3A_251 = arith.constant 0 : index
    %get3A_252 = vector.load %arg1[%get3A_249, %get3A_250, %get3A_251] : memref<50x128x128xf32, #tpu.memory_space<vmem>>, vector<1x128x128xf32>
    %get3A_253 = vector.shape_cast %get3A_252 : vector<1x128x128xf32> to vector<128x128xf32>
    %transpose3A_254 = tpu.transpose %get3A_253, [1, 0] : vector<128x128xf32> -> vector<128x128xf32>
    %swap3A_255 = arith.constant 3584 : index
    %swap3A_256 = arith.constant 0 : index
    %swap3A_257 = vector.load %arg2[%swap3A_255, %swap3A_256] : memref<6400x128xf32, #tpu.memory_space<vmem>>, vector<128x128xf32>
    tpu.vector_store %arg2[%swap3A_255, %swap3A_256], %transpose3A_254 {strides = array<i32>} : memref<6400x128xf32, #tpu.memory_space<vmem>>, vector<128x128xf32>,
    %get3A_258 = arith.constant 29 : index
    %get3A_259 = arith.constant 0 : index
    %get3A_260 = arith.constant 0 : index
    %get3A_261 = vector.load %arg1[%get3A_258, %get3A_259, %get3A_260] : memref<50x128x128xf32, #tpu.memory_space<vmem>>, vector<1x128x128xf32>
    %get3A_262 = vector.shape_cast %get3A_261 : vector<1x128x128xf32> to vector<128x128xf32>
    %transpose3A_263 = tpu.transpose %get3A_262, [1, 0] : vector<128x128xf32> -> vector<128x128xf32>
    %swap3A_264 = arith.constant 3712 : index
    %swap3A_265 = arith.constant 0 : index
    %swap3A_266 = vector.load %arg2[%swap3A_264, %swap3A_265] : memref<6400x128xf32, #tpu.memory_space<vmem>>, vector<128x128xf32>
    tpu.vector_store %arg2[%swap3A_264, %swap3A_265], %transpose3A_263 {strides = array<i32>} : memref<6400x128xf32, #tpu.memory_space<vmem>>, vector<128x128xf32>,
    %get3A_267 = arith.constant 30 : index
    %get3A_268 = arith.constant 0 : index
    %get3A_269 = arith.constant 0 : index
    %get3A_270 = vector.load %arg1[%get3A_267, %get3A_268, %get3A_269] : memref<50x128x128xf32, #tpu.memory_space<vmem>>, vector<1x128x128xf32>
    %get3A_271 = vector.shape_cast %get3A_270 : vector<1x128x128xf32> to vector<128x128xf32>
    %transpose3A_272 = tpu.transpose %get3A_271, [1, 0] : vector<128x128xf32> -> vector<128x128xf32>
    %swap3A_273 = arith.constant 3840 : index
    %swap3A_274 = arith.constant 0 : index
    %swap3A_275 = vector.load %arg2[%swap3A_273, %swap3A_274] : memref<6400x128xf32, #tpu.memory_space<vmem>>, vector<128x128xf32>
    tpu.vector_store %arg2[%swap3A_273, %swap3A_274], %transpose3A_272 {strides = array<i32>} : memref<6400x128xf32, #tpu.memory_space<vmem>>, vector<128x128xf32>,
    %get3A_276 = arith.constant 31 : index
    %get3A_277 = arith.constant 0 : index
    %get3A_278 = arith.constant 0 : index
    %get3A_279 = vector.load %arg1[%get3A_276, %get3A_277, %get3A_278] : memref<50x128x128xf32, #tpu.memory_space<vmem>>, vector<1x128x128xf32>
    %get3A_280 = vector.shape_cast %get3A_279 : vector<1x128x128xf32> to vector<128x128xf32>
    %transpose3A_281 = tpu.transpose %get3A_280, [1, 0] : vector<128x128xf32> -> vector<128x128xf32>
    %swap3A_282 = arith.constant 3968 : index
    %swap3A_283 = arith.constant 0 : index
    %swap3A_284 = vector.load %arg2[%swap3A_282, %swap3A_283] : memref<6400x128xf32, #tpu.memory_space<vmem>>, vector<128x128xf32>
    tpu.vector_store %arg2[%swap3A_282, %swap3A_283], %transpose3A_281 {strides = array<i32>} : memref<6400x128xf32, #tpu.memory_space<vmem>>, vector<128x128xf32>,
    %get3A_285 = arith.constant 32 : index
    %get3A_286 = arith.constant 0 : index
    %get3A_287 = arith.constant 0 : index
    %get3A_288 = vector.load %arg1[%get3A_285, %get3A_286, %get3A_287] : memref<50x128x128xf32, #tpu.memory_space<vmem>>, vector<1x128x128xf32>
    %get3A_289 = vector.shape_cast %get3A_288 : vector<1x128x128xf32> to vector<128x128xf32>
    %transpose3A_290 = tpu.transpose %get3A_289, [1, 0] : vector<128x128xf32> -> vector<128x128xf32>
    %swap3A_291 = arith.constant 4096 : index
    %swap3A_292 = arith.constant 0 : index
    %swap3A_293 = vector.load %arg2[%swap3A_291, %swap3A_292] : memref<6400x128xf32, #tpu.memory_space<vmem>>, vector<128x128xf32>
    tpu.vector_store %arg2[%swap3A_291, %swap3A_292], %transpose3A_290 {strides = array<i32>} : memref<6400x128xf32, #tpu.memory_space<vmem>>, vector<128x128xf32>,
    %get3A_294 = arith.constant 33 : index
    %get3A_295 = arith.constant 0 : index
    %get3A_296 = arith.constant 0 : index
    %get3A_297 = vector.load %arg1[%get3A_294, %get3A_295, %get3A_296] : memref<50x128x128xf32, #tpu.memory_space<vmem>>, vector<1x128x128xf32>
    %get3A_298 = vector.shape_cast %get3A_297 : vector<1x128x128xf32> to vector<128x128xf32>
    %transpose3A_299 = tpu.transpose %get3A_298, [1, 0] : vector<128x128xf32> -> vector<128x128xf32>
    %swap3A_300 = arith.constant 4224 : index
    %swap3A_301 = arith.constant 0 : index
    %swap3A_302 = vector.load %arg2[%swap3A_300, %swap3A_301] : memref<6400x128xf32, #tpu.memory_space<vmem>>, vector<128x128xf32>
    tpu.vector_store %arg2[%swap3A_300, %swap3A_301], %transpose3A_299 {strides = array<i32>} : memref<6400x128xf32, #tpu.memory_space<vmem>>, vector<128x128xf32>,
    %get3A_303 = arith.constant 34 : index
    %get3A_304 = arith.constant 0 : index
    %get3A_305 = arith.constant 0 : index
    %get3A_306 = vector.load %arg1[%get3A_303, %get3A_304, %get3A_305] : memref<50x128x128xf32, #tpu.memory_space<vmem>>, vector<1x128x128xf32>
    %get3A_307 = vector.shape_cast %get3A_306 : vector<1x128x128xf32> to vector<128x128xf32>
    %transpose3A_308 = tpu.transpose %get3A_307, [1, 0] : vector<128x128xf32> -> vector<128x128xf32>
    %swap3A_309 = arith.constant 4352 : index
    %swap3A_310 = arith.constant 0 : index
    %swap3A_311 = vector.load %arg2[%swap3A_309, %swap3A_310] : memref<6400x128xf32, #tpu.memory_space<vmem>>, vector<128x128xf32>
    tpu.vector_store %arg2[%swap3A_309, %swap3A_310], %transpose3A_308 {strides = array<i32>} : memref<6400x128xf32, #tpu.memory_space<vmem>>, vector<128x128xf32>,
    %get3A_312 = arith.constant 35 : index
    %get3A_313 = arith.constant 0 : index
    %get3A_314 = arith.constant 0 : index
    %get3A_315 = vector.load %arg1[%get3A_312, %get3A_313, %get3A_314] : memref<50x128x128xf32, #tpu.memory_space<vmem>>, vector<1x128x128xf32>
    %get3A_316 = vector.shape_cast %get3A_315 : vector<1x128x128xf32> to vector<128x128xf32>
    %transpose3A_317 = tpu.transpose %get3A_316, [1, 0] : vector<128x128xf32> -> vector<128x128xf32>
    %swap3A_318 = arith.constant 4480 : index
    %swap3A_319 = arith.constant 0 : index
    %swap3A_320 = vector.load %arg2[%swap3A_318, %swap3A_319] : memref<6400x128xf32, #tpu.memory_space<vmem>>, vector<128x128xf32>
    tpu.vector_store %arg2[%swap3A_318, %swap3A_319], %transpose3A_317 {strides = array<i32>} : memref<6400x128xf32, #tpu.memory_space<vmem>>, vector<128x128xf32>,
    %get3A_321 = arith.constant 36 : index
    %get3A_322 = arith.constant 0 : index
    %get3A_323 = arith.constant 0 : index
    %get3A_324 = vector.load %arg1[%get3A_321, %get3A_322, %get3A_323] : memref<50x128x128xf32, #tpu.memory_space<vmem>>, vector<1x128x128xf32>
    %get3A_325 = vector.shape_cast %get3A_324 : vector<1x128x128xf32> to vector<128x128xf32>
    %transpose3A_326 = tpu.transpose %get3A_325, [1, 0] : vector<128x128xf32> -> vector<128x128xf32>
    %swap3A_327 = arith.constant 4608 : index
    %swap3A_328 = arith.constant 0 : index
    %swap3A_329 = vector.load %arg2[%swap3A_327, %swap3A_328] : memref<6400x128xf32, #tpu.memory_space<vmem>>, vector<128x128xf32>
    tpu.vector_store %arg2[%swap3A_327, %swap3A_328], %transpose3A_326 {strides = array<i32>} : memref<6400x128xf32, #tpu.memory_space<vmem>>, vector<128x128xf32>,
    %get3A_330 = arith.constant 37 : index
    %get3A_331 = arith.constant 0 : index
    %get3A_332 = arith.constant 0 : index
    %get3A_333 = vector.load %arg1[%get3A_330, %get3A_331, %get3A_332] : memref<50x128x128xf32, #tpu.memory_space<vmem>>, vector<1x128x128xf32>
    %get3A_334 = vector.shape_cast %get3A_333 : vector<1x128x128xf32> to vector<128x128xf32>
    %transpose3A_335 = tpu.transpose %get3A_334, [1, 0] : vector<128x128xf32> -> vector<128x128xf32>
    %swap3A_336 = arith.constant 4736 : index
    %swap3A_337 = arith.constant 0 : index
    %swap3A_338 = vector.load %arg2[%swap3A_336, %swap3A_337] : memref<6400x128xf32, #tpu.memory_space<vmem>>, vector<128x128xf32>
    tpu.vector_store %arg2[%swap3A_336, %swap3A_337], %transpose3A_335 {strides = array<i32>} : memref<6400x128xf32, #tpu.memory_space<vmem>>, vector<128x128xf32>,
    %get3A_339 = arith.constant 38 : index
    %get3A_340 = arith.constant 0 : index
    %get3A_341 = arith.constant 0 : index
    %get3A_342 = vector.load %arg1[%get3A_339, %get3A_340, %get3A_341] : memref<50x128x128xf32, #tpu.memory_space<vmem>>, vector<1x128x128xf32>
    %get3A_343 = vector.shape_cast %get3A_342 : vector<1x128x128xf32> to vector<128x128xf32>
    %transpose3A_344 = tpu.transpose %get3A_343, [1, 0] : vector<128x128xf32> -> vector<128x128xf32>
    %swap3A_345 = arith.constant 4864 : index
    %swap3A_346 = arith.constant 0 : index
    %swap3A_347 = vector.load %arg2[%swap3A_345, %swap3A_346] : memref<6400x128xf32, #tpu.memory_space<vmem>>, vector<128x128xf32>
    tpu.vector_store %arg2[%swap3A_345, %swap3A_346], %transpose3A_344 {strides = array<i32>} : memref<6400x128xf32, #tpu.memory_space<vmem>>, vector<128x128xf32>,
    %get3A_348 = arith.constant 39 : index
    %get3A_349 = arith.constant 0 : index
    %get3A_350 = arith.constant 0 : index
    %get3A_351 = vector.load %arg1[%get3A_348, %get3A_349, %get3A_350] : memref<50x128x128xf32, #tpu.memory_space<vmem>>, vector<1x128x128xf32>
    %get3A_352 = vector.shape_cast %get3A_351 : vector<1x128x128xf32> to vector<128x128xf32>
    %transpose3A_353 = tpu.transpose %get3A_352, [1, 0] : vector<128x128xf32> -> vector<128x128xf32>
    %swap3A_354 = arith.constant 4992 : index
    %swap3A_355 = arith.constant 0 : index
    %swap3A_356 = vector.load %arg2[%swap3A_354, %swap3A_355] : memref<6400x128xf32, #tpu.memory_space<vmem>>, vector<128x128xf32>
    tpu.vector_store %arg2[%swap3A_354, %swap3A_355], %transpose3A_353 {strides = array<i32>} : memref<6400x128xf32, #tpu.memory_space<vmem>>, vector<128x128xf32>,
    %get3A_357 = arith.constant 40 : index
    %get3A_358 = arith.constant 0 : index
    %get3A_359 = arith.constant 0 : index
    %get3A_360 = vector.load %arg1[%get3A_357, %get3A_358, %get3A_359] : memref<50x128x128xf32, #tpu.memory_space<vmem>>, vector<1x128x128xf32>
    %get3A_361 = vector.shape_cast %get3A_360 : vector<1x128x128xf32> to vector<128x128xf32>
    %transpose3A_362 = tpu.transpose %get3A_361, [1, 0] : vector<128x128xf32> -> vector<128x128xf32>
    %swap3A_363 = arith.constant 5120 : index
    %swap3A_364 = arith.constant 0 : index
    %swap3A_365 = vector.load %arg2[%swap3A_363, %swap3A_364] : memref<6400x128xf32, #tpu.memory_space<vmem>>, vector<128x128xf32>
    tpu.vector_store %arg2[%swap3A_363, %swap3A_364], %transpose3A_362 {strides = array<i32>} : memref<6400x128xf32, #tpu.memory_space<vmem>>, vector<128x128xf32>,
    %get3A_366 = arith.constant 41 : index
    %get3A_367 = arith.constant 0 : index
    %get3A_368 = arith.constant 0 : index
    %get3A_369 = vector.load %arg1[%get3A_366, %get3A_367, %get3A_368] : memref<50x128x128xf32, #tpu.memory_space<vmem>>, vector<1x128x128xf32>
    %get3A_370 = vector.shape_cast %get3A_369 : vector<1x128x128xf32> to vector<128x128xf32>
    %transpose3A_371 = tpu.transpose %get3A_370, [1, 0] : vector<128x128xf32> -> vector<128x128xf32>
    %swap3A_372 = arith.constant 5248 : index
    %swap3A_373 = arith.constant 0 : index
    %swap3A_374 = vector.load %arg2[%swap3A_372, %swap3A_373] : memref<6400x128xf32, #tpu.memory_space<vmem>>, vector<128x128xf32>
    tpu.vector_store %arg2[%swap3A_372, %swap3A_373], %transpose3A_371 {strides = array<i32>} : memref<6400x128xf32, #tpu.memory_space<vmem>>, vector<128x128xf32>,
    %get3A_375 = arith.constant 42 : index
    %get3A_376 = arith.constant 0 : index
    %get3A_377 = arith.constant 0 : index
    %get3A_378 = vector.load %arg1[%get3A_375, %get3A_376, %get3A_377] : memref<50x128x128xf32, #tpu.memory_space<vmem>>, vector<1x128x128xf32>
    %get3A_379 = vector.shape_cast %get3A_378 : vector<1x128x128xf32> to vector<128x128xf32>
    %transpose3A_380 = tpu.transpose %get3A_379, [1, 0] : vector<128x128xf32> -> vector<128x128xf32>
    %swap3A_381 = arith.constant 5376 : index
    %swap3A_382 = arith.constant 0 : index
    %swap3A_383 = vector.load %arg2[%swap3A_381, %swap3A_382] : memref<6400x128xf32, #tpu.memory_space<vmem>>, vector<128x128xf32>
    tpu.vector_store %arg2[%swap3A_381, %swap3A_382], %transpose3A_380 {strides = array<i32>} : memref<6400x128xf32, #tpu.memory_space<vmem>>, vector<128x128xf32>,
    %get3A_384 = arith.constant 43 : index
    %get3A_385 = arith.constant 0 : index
    %get3A_386 = arith.constant 0 : index
    %get3A_387 = vector.load %arg1[%get3A_384, %get3A_385, %get3A_386] : memref<50x128x128xf32, #tpu.memory_space<vmem>>, vector<1x128x128xf32>
    %get3A_388 = vector.shape_cast %get3A_387 : vector<1x128x128xf32> to vector<128x128xf32>
    %transpose3A_389 = tpu.transpose %get3A_388, [1, 0] : vector<128x128xf32> -> vector<128x128xf32>
    %swap3A_390 = arith.constant 5504 : index
    %swap3A_391 = arith.constant 0 : index
    %swap3A_392 = vector.load %arg2[%swap3A_390, %swap3A_391] : memref<6400x128xf32, #tpu.memory_space<vmem>>, vector<128x128xf32>
    tpu.vector_store %arg2[%swap3A_390, %swap3A_391], %transpose3A_389 {strides = array<i32>} : memref<6400x128xf32, #tpu.memory_space<vmem>>, vector<128x128xf32>,
    %get3A_393 = arith.constant 44 : index
    %get3A_394 = arith.constant 0 : index
    %get3A_395 = arith.constant 0 : index
    %get3A_396 = vector.load %arg1[%get3A_393, %get3A_394, %get3A_395] : memref<50x128x128xf32, #tpu.memory_space<vmem>>, vector<1x128x128xf32>
    %get3A_397 = vector.shape_cast %get3A_396 : vector<1x128x128xf32> to vector<128x128xf32>
    %transpose3A_398 = tpu.transpose %get3A_397, [1, 0] : vector<128x128xf32> -> vector<128x128xf32>
    %swap3A_399 = arith.constant 5632 : index
    %swap3A_400 = arith.constant 0 : index
    %swap3A_401 = vector.load %arg2[%swap3A_399, %swap3A_400] : memref<6400x128xf32, #tpu.memory_space<vmem>>, vector<128x128xf32>
    tpu.vector_store %arg2[%swap3A_399, %swap3A_400], %transpose3A_398 {strides = array<i32>} : memref<6400x128xf32, #tpu.memory_space<vmem>>, vector<128x128xf32>,
    %get3A_402 = arith.constant 45 : index
    %get3A_403 = arith.constant 0 : index
    %get3A_404 = arith.constant 0 : index
    %get3A_405 = vector.load %arg1[%get3A_402, %get3A_403, %get3A_404] : memref<50x128x128xf32, #tpu.memory_space<vmem>>, vector<1x128x128xf32>
    %get3A_406 = vector.shape_cast %get3A_405 : vector<1x128x128xf32> to vector<128x128xf32>
    %transpose3A_407 = tpu.transpose %get3A_406, [1, 0] : vector<128x128xf32> -> vector<128x128xf32>
    %swap3A_408 = arith.constant 5760 : index
    %swap3A_409 = arith.constant 0 : index
    %swap3A_410 = vector.load %arg2[%swap3A_408, %swap3A_409] : memref<6400x128xf32, #tpu.memory_space<vmem>>, vector<128x128xf32>
    tpu.vector_store %arg2[%swap3A_408, %swap3A_409], %transpose3A_407 {strides = array<i32>} : memref<6400x128xf32, #tpu.memory_space<vmem>>, vector<128x128xf32>,
    %get3A_411 = arith.constant 46 : index
    %get3A_412 = arith.constant 0 : index
    %get3A_413 = arith.constant 0 : index
    %get3A_414 = vector.load %arg1[%get3A_411, %get3A_412, %get3A_413] : memref<50x128x128xf32, #tpu.memory_space<vmem>>, vector<1x128x128xf32>
    %get3A_415 = vector.shape_cast %get3A_414 : vector<1x128x128xf32> to vector<128x128xf32>
    %transpose3A_416 = tpu.transpose %get3A_415, [1, 0] : vector<128x128xf32> -> vector<128x128xf32>
    %swap3A_417 = arith.constant 5888 : index
    %swap3A_418 = arith.constant 0 : index
    %swap3A_419 = vector.load %arg2[%swap3A_417, %swap3A_418] : memref<6400x128xf32, #tpu.memory_space<vmem>>, vector<128x128xf32>
    tpu.vector_store %arg2[%swap3A_417, %swap3A_418], %transpose3A_416 {strides = array<i32>} : memref<6400x128xf32, #tpu.memory_space<vmem>>, vector<128x128xf32>,
    %get3A_420 = arith.constant 47 : index
    %get3A_421 = arith.constant 0 : index
    %get3A_422 = arith.constant 0 : index
    %get3A_423 = vector.load %arg1[%get3A_420, %get3A_421, %get3A_422] : memref<50x128x128xf32, #tpu.memory_space<vmem>>, vector<1x128x128xf32>
    %get3A_424 = vector.shape_cast %get3A_423 : vector<1x128x128xf32> to vector<128x128xf32>
    %transpose3A_425 = tpu.transpose %get3A_424, [1, 0] : vector<128x128xf32> -> vector<128x128xf32>
    %swap3A_426 = arith.constant 6016 : index
    %swap3A_427 = arith.constant 0 : index
    %swap3A_428 = vector.load %arg2[%swap3A_426, %swap3A_427] : memref<6400x128xf32, #tpu.memory_space<vmem>>, vector<128x128xf32>
    tpu.vector_store %arg2[%swap3A_426, %swap3A_427], %transpose3A_425 {strides = array<i32>} : memref<6400x128xf32, #tpu.memory_space<vmem>>, vector<128x128xf32>,
    %get3A_429 = arith.constant 48 : index
    %get3A_430 = arith.constant 0 : index
    %get3A_431 = arith.constant 0 : index
    %get3A_432 = vector.load %arg1[%get3A_429, %get3A_430, %get3A_431] : memref<50x128x128xf32, #tpu.memory_space<vmem>>, vector<1x128x128xf32>
    %get3A_433 = vector.shape_cast %get3A_432 : vector<1x128x128xf32> to vector<128x128xf32>
    %transpose3A_434 = tpu.transpose %get3A_433, [1, 0] : vector<128x128xf32> -> vector<128x128xf32>
    %swap3A_435 = arith.constant 6144 : index
    %swap3A_436 = arith.constant 0 : index
    %swap3A_437 = vector.load %arg2[%swap3A_435, %swap3A_436] : memref<6400x128xf32, #tpu.memory_space<vmem>>, vector<128x128xf32>
    tpu.vector_store %arg2[%swap3A_435, %swap3A_436], %transpose3A_434 {strides = array<i32>} : memref<6400x128xf32, #tpu.memory_space<vmem>>, vector<128x128xf32>,
    %get3A_438 = arith.constant 49 : index
    %get3A_439 = arith.constant 0 : index
    %get3A_440 = arith.constant 0 : index
    %get3A_441 = vector.load %arg1[%get3A_438, %get3A_439, %get3A_440] : memref<50x128x128xf32, #tpu.memory_space<vmem>>, vector<1x128x128xf32>
    %get3A_442 = vector.shape_cast %get3A_441 : vector<1x128x128xf32> to vector<128x128xf32>
    %transpose3A_443 = tpu.transpose %get3A_442, [1, 0] : vector<128x128xf32> -> vector<128x128xf32>
    %swap3A_444 = arith.constant 6272 : index
    %swap3A_445 = arith.constant 0 : index
    %swap3A_446 = vector.load %arg2[%swap3A_444, %swap3A_445] : memref<6400x128xf32, #tpu.memory_space<vmem>>, vector<128x128xf32>
    tpu.vector_store %arg2[%swap3A_444, %swap3A_445], %transpose3A_443 {strides = array<i32>} : memref<6400x128xf32, #tpu.memory_space<vmem>>, vector<128x128xf32>,
    return
  }
  func.func @transform_0(%arg0: i32) -> (i32, i32, i32) {
    %c0_i32 = arith.constant 0 : i32
    %c0_i32_0 = arith.constant 0 : i32
    %c0_i32_1 = arith.constant 0 : i32
    return %c0_i32, %arg0, %c0_i32_0 : i32, i32, i32
  }
  func.func @transform_1(%arg0: i32) -> (i32, i32) {
    %c0_i32 = arith.constant 0 : i32
    %c0_i32_0 = arith.constant 0 : i32
    return %c0_i32, %arg0 : i32, i32
  }
}

</mosaic_0001>

<sc_bundles>
// kernel: kernel.5.cloned.1.call-start
scs
__scs_entry_jumppad:
0x0: {  	(pc) =	sbr.rel $0x88, $3  }
0x1: {  	(tag) =	ssettag $0x0;
	lr =	simm.s32 $0x1  }
0x2: {  	[smem:$0x3F9F] =	sst lr;
	_ =	strace $0xD0000000  }
0x3: {  	_ = 	snop  }
0x4: {  	_ = 	snop  }
0x5: {  	_ = 	snop  }
0x6: {  	_ = 	snop  }
0x7: {  	_ = 	snop  }
__scs_overlays_trampoline_lowered:
0x8: {  	[smem:$0x3FAE] =	sst s0  }
0x9: {  	[smem:$0x3FAF] =	sst s1  }
0xa: {  	[smem:$0x3FB0] =	sst s2  }
0xb: {  	[smem:$0x3FB1] =	sst s3  }
0xc: {  	[smem:$0x3FB2] =	sst s4  }
0xd: {  	[smem:$0x3FB3] =	sst s5  }
0xe: {  	[smem:$0x3FB4] =	sst s6  }
0xf: {  	[smem:$0x3FB5] =	sst s7  }
0x10: {  	[smem:$0x3FB6] =	sst s8  }
0x11: {  	[smem:$0x3FB7] =	sst s9;
	s0 =	simm.s32 @!p0 $0x0  }
0x12: {  	s1 =	sld [smem:$0x3F9D];
	s0 =	simm.s32 @p0 $0x1  }
0x13: {  	[smem:$0x3FB8] =	sst s0;
	s0 =	simm.s32 @!p1 $0x0  }
0x14: {  	s2 =	sld [smem:$0x3F9C];
	s0 =	simm.s32 @p1 $0x1  }
0x15: {  	[smem:$0x3FB9] =	sst s0;
	s0 =	simm.s32 @!p2 $0x0  }
0x16: {  	s3 =	sld [smem:$0x3FDB];
	s0 =	simm.s32 @p2 $0x1  }
0x17: {  	s4 =	simm.s32 $0x1BF5;
	[smem:$0x3FBB] =	sst s0  }
0x18: {  	s0 =	sld [smem:$0x3F9E];
	_ =	swait.ge [sflag:s4], $0x0  }
0x19: {  	s7 =	sld [smem:$0x3F9F]  }
0x1a: {  	s8 =	sadd.s32 $0xFFFFE003, lr  }
0x1b: {  	s9 =	sadd.s32 $0xFFFFFEF7, lr;
	s5 =	simm.s32 $0xFFFFFFFF;
	p2 =	slt.u32 s8, $0xFFFFF086  }
0x1c: {  	p1 =	slt.u32 s9, $0xF7A;
	s5 =	simm.s32 @!p2 $0x0  }
0x1d: {  	s5 =	simm.s32 @p1 $0x1;
	p0 =	seq.s32 s7, s2  }
0x1e: {  	s7 =	smul.u32 @!p0 $0xF7A, s2;
	p2 =	seq.s32 @!p0 s5, $0x0  }
0x1f: {  	s9 =	smul.u32 $0xF7A, s1;
	s8 =	simm.s32 @!p0 $0x1BF5;
	p2 =	por !p2, p0  }
0x20: {  	[sflag:s8] =	ssyncset.s32 @!p0 $0xFFFFF086;
	s6 =	sadd.s32 @!p0 s3, s7;
	s7 =	simm.s32 @!p0 $0x108  }
0x21: {  	s3 =	sadd.s32 s3, s9;
	s6 =	sadd.s32 @!p0 $0x88, s6;
	s7 =	simm.s32 @p2 $0x1082  }
0x22: {  	[simem:s7], [sflag:s8] =	dma.local @!p0 [hbm:s6], $0xF7A  }
0x23: {  	s9 =	sor.u32 $0xD0000000, s2;
	s6 =	simm.s32 $0x108;
	_ =	swait.ge @!p0 [sflag:s8], $0x0  }
0x24: {  	s3 =	sadd.s32 $0x88, s3;
	s6 =	simm.s32 @!p1 $0x1082;
	[sflag:s4] =	ssyncset.s32 $0xFFFFF086  }
0x25: {  	[simem:s6], [sflag:s4] =	dma.local [hbm:s3], $0xF7A  }
0x26: {  	[smem:$0x3F9F] =	sst s1;
	(tag) =	ssettag s2;
	_ =	strace s9  }
0x27: {  	s1 =	sld [smem:$0x3FAF]  }
0x28: {  	s2 =	sld [smem:$0x3FB0]  }
0x29: {  	s4 =	sld [smem:$0x3FB2]  }
0x2a: {  	p0 =	seq.s32 s5, $0x0;
	s5 =	sld [smem:$0x3FB3]  }
0x2b: {  	s6 =	sld [smem:$0x3FB4]  }
0x2c: {  	s7 =	sld [smem:$0x3FB5]  }
0x2d: {  	s3 =	simm.s32 $0x108;
	s8 =	sld [smem:$0x3FB6]  }
0x2e: {  	s3 =	simm.s32 @!p0 $0x1082;
	s9 =	sld [smem:$0x3FB7]  }
0x2f: {  	lr =	sadd.s32 s0, s3;
	s0 =	sld [smem:$0x3FAE]  }
0x30: {  	s3 =	sld [smem:$0x3FB1]  }
0x31: {  	[smem:$0x3FBA] =	sst s10  }
0x32: {  	s10 =	sld [smem:$0x3FB8];
	_ =	sdelay $0x3  }
0x33: {  	p0 =	seq.s32 s10, $0x1;
	s10 =	sld [smem:$0x3FBA];
	_ =	sdelay $0x3  }
0x34: {  	[smem:$0x3FBA] =	sst s10  }
0x35: {  	s10 =	sld [smem:$0x3FB9];
	_ =	sdelay $0x3  }
0x36: {  	p1 =	seq.s32 s10, $0x1;
	s10 =	sld [smem:$0x3FBA];
	_ =	sdelay $0x3  }
0x37: {  	[smem:$0x3FBA] =	sst s10  }
0x38: {  	s10 =	sld [smem:$0x3FBB]  }
0x39: {  	_ = 	snop;
	(pc) =	sbr.ind lr, $3  }
0x3a: {  	_ = 	snop  }
0x3b: {  	_ = 	snop  }
0x3c: {  	p2 =	seq.s32 s10, $0x1;
	s10 =	sld [smem:$0x3FBA]  }
0x3d: {  	_ =	shalt  }
0x3e: {  	_ =	shalt  }
0x3f: {  	_ =	shalt  }
0x40: {  	_ =	shalt  }
0x41: {  	_ =	shalt  }
0x42: {  	_ =	shalt  }
0x43: {  	_ =	shalt  }
0x44: {  	_ =	shalt  }
0x45: {  	_ =	shalt  }
0x46: {  	_ =	shalt  }
0x47: {  	_ =	shalt  }
0x48: {  	_ =	shalt  }
0x49: {  	_ =	shalt  }
0x4a: {  	_ =	shalt  }
0x4b: {  	_ =	shalt  }
0x4c: {  	_ =	shalt  }
0x4d: {  	_ =	shalt  }
0x4e: {  	_ =	shalt  }
0x4f: {  	_ =	shalt  }
0x50: {  	_ =	shalt  }
0x51: {  	_ =	shalt  }
0x52: {  	_ =	shalt  }
0x53: {  	_ =	shalt  }
0x54: {  	_ =	shalt  }
0x55: {  	_ =	shalt  }
0x56: {  	_ =	shalt  }
0x57: {  	_ =	shalt  }
0x58: {  	_ =	shalt  }
0x59: {  	_ =	shalt  }
0x5a: {  	_ =	shalt  }
0x5b: {  	_ =	shalt  }
0x5c: {  	_ =	shalt  }
0x5d: {  	_ =	shalt  }
0x5e: {  	_ =	shalt  }
0x5f: {  	_ =	shalt  }
0x60: {  	_ =	shalt  }
0x61: {  	_ =	shalt  }
0x62: {  	_ =	shalt  }
0x63: {  	_ =	shalt  }
0x64: {  	_ =	shalt  }
0x65: {  	_ =	shalt  }
0x66: {  	_ =	shalt  }
0x67: {  	_ =	shalt  }
0x68: {  	_ =	shalt  }
0x69: {  	_ =	shalt  }
0x6a: {  	_ =	shalt  }
0x6b: {  	_ =	shalt  }
0x6c: {  	_ =	shalt  }
0x6d: {  	_ =	shalt  }
0x6e: {  	_ =	shalt  }
0x6f: {  	_ =	shalt  }
0x70: {  	_ =	shalt  }
0x71: {  	_ =	shalt  }
0x72: {  	_ =	shalt  }
0x73: {  	_ =	shalt  }
0x74: {  	_ =	shalt  }
0x75: {  	_ =	shalt  }
0x76: {  	_ =	shalt  }
0x77: {  	_ =	shalt  }
0x78: {  	_ =	shalt  }
0x79: {  	_ =	shalt  }
0x7a: {  	_ =	shalt  }
0x7b: {  	_ =	shalt  }
0x7c: {  	_ =	shalt  }
0x7d: {  	_ =	shalt  }
0x7e: {  	_ =	shalt  }
0x7f: {  	_ =	shalt  }
0x80: {  	_ =	shalt  }
0x81: {  	_ =	shalt  }
0x82: {  	_ =	shalt  }
0x83: {  	_ =	shalt  }
0x84: {  	_ =	shalt  }
0x85: {  	_ =	shalt  }
0x86: {  	_ =	shalt  }
0x87: {  	_ =	shalt  }
.Lfunc_end0:
.L_simem_size_0:
called_computation_lowered:
.L_overlay_start_0:
0x88: {  	s2 =	sld [smem:$0x3FD9]  }
0x89: {  	s3 =	sld [smem:$0x3FFE];
	_ =	sdelay $0x1  }
0x8a: {  	s1 =	srdreg.scid  }
0x8b: {  	s0 =	sand.u32 $0x1, s1  }
0x8c: {  	s17 =	sshll.u32 s0, $0xA;
	s2 =	sadd.s32 s3, s2  }
0x8d: {  	s2 =	sadd.s32 s2, s17  }
0x8e: {  	[smem:$0x3FC6] =	sst s2  }
0x8f: {  	_ = 	snop  }
0x90: {  	s2 =	sld [smem:$0x3FD0];
	(tm) =	ssettm $0x1  }
0x91: {  	s18 =	sld [smem:$0x3FFB];
	_ =	sdelay $0x3  }
0x92: {  	_ =	strace s18  }
0x93: {  	s3 =	sld [smem:$0x3FFC];
	_ =	sdelay $0x3  }
0x94: {  	_ =	strace s3  }
0x95: {  	s3 =	sld [smem:$0x3FFD];
	_ =	sdelay $0x3  }
0x96: {  	_ =	strace s3  }
0x97: {  	_ =	strace $0x8FFFFFFF  }
0x98: {  	s19 =	sld [smem:$0x3FDB];
	_ =	sdelay $0x1  }
0x99: {  	s4 =	simm.s32 $_scs_section_size  }
0x9a: {  	s5 =	simm.s32 $_size__tile_overlayer_lowered;
	s6 =	simm.s32 $_tile_overlayer_lowered  }
0x9b: {  	s22 =	simm.s32 $0x1BFF;
	s21 =	sshll.u32 s6, $0x1;
	s3 =	sadd.s32 s4, s19  }
0x9c: {  	s7 =	simm.s32 $0x0;
	s20 =	sshll.u32 s5, $0x1;
	s5 =	sadd.s32 s21, s3  }
0x9d: {  	[timem:s7], [sflag:s22] =	dma.local [hbm:s5], s20  }
0x9e: {  	_ =	swait.ge [sflag:s22], s20  }
0x9f: {  	s4 =	ssub.s32 $0x0, s20;
	[sflag:s22] =	ssyncset.done $0x0  }
0xa0: {  	[sflag:s22] =	ssyncadd.s32 s4;
	_ =	sdelay $0x1  }
0xa1: {  	s23 =	simm.s32 $0x1B8B  }
0xa2: {  	_ =	swait.ge [sflag:s23], $0x1  }
0xa3: {  	[sflag:s23] =	ssyncset.done $0x0  }
0xa4: {  	s25 =	simm.s32 $0x1B8E;
	s24 =	sld [smem:$0x3FFE];
	[sflag:s23] =	ssyncadd.s32 $0xFFFFFFFF  }
0xa5: {  	s26 =	simm.s32 $execute0_lowered;
	[smem:$0x3FD2] =	sst s25  }
0xa6: {  	s5 =	sshll.u32 s26, $0x1;
	_ =	strace $0x80000046;
	[dreg:$0x1] =	wrdreg $0xFFFFFFFF  }
0xa7: {  	s28 =	simm.s32 $_size_execute0_lowered;
	s3 =	sadd.s32 s3, s5;
	[dreg:$0x0] =	wrdreg $0x0  }
0xa8: {  	s5 =	sshll.u32 s28, $0x1;
	[dreg:$0x2] =	wrdreg s3  }
0xa9: {  	[dreg:$0x3] =	wrdreg s5  }
0xaa: {  	[dreg:$0x4] =	wrdreg $0xC0  }
0xab: {  	_ =	task [dreg:s7], $0x5FFFF  }
0xac: {  	[dreg:$0x1] =	wrdreg $0xFFFFFFFF  }
0xad: {  	[dreg:$0x0] =	wrdreg $0x60  }
0xae: {  	[dreg:$0x2] =	wrdreg s2  }
0xaf: {  	[dreg:$0x3] =	wrdreg s24  }
0xb0: {  	[dreg:$0x4] =	wrdreg $0x9  }
0xb1: {  	_ =	task.clear_ibuf [dreg:s7], $0x5FFFF;
	_ =	strace $0x90000046  }
0xb2: {  	s29 =	simm.s32 $0x9;
	_ =	strace $0x80000048  }
0xb3: {  	_ =	swait.ge [sflag:s29], $0x1  }
0xb4: {  	[sflag:s29] =	ssyncadd.s32 $0xFFFFFFFF  }
0xb5: {  	_ =	strace $0x90000048  }
0xb6: {  	_ =	sfence  }
0xb7: {  	s30 =	sld [smem:$0x0];
	_ =	sdelay $0x2  }
0xb8: {  	s31 =	sshll.u32 s1, $0xD;
	s1 =	sshrl.u32 s1, $0x2  }
0xb9: {  	s3 =	sand.u32 $0x4000, s31;
	s1 =	sadd.s32 s1, s30  }
0xba: {  	s0 =	sor.u32 s3, s0;
	s1 =	sshll.u32 s1, $0x11  }
0xbb: {  	s0 =	sor.u32 s1, s0  }
0xbc: {  	s0 =	sadd.s32 $0x8F2B, s0  }
0xbd: {  	[sflag:s0] =	ssyncadd.remote.s32 $0x1  }
0xbe: {  	_ =	sfence.sel $0xFFFF  }
0xbf: {  	[dreg:$0x0] =	wrdreg $0xFFFFFFFF;
	(pc) =	sbr.abs _section_cstart, $3  }
0xc0: {  	[dreg:$0x1] =	wrdreg $0xFFFFFFFF  }
0xc1: {  	_ =	task.clear_ibuf [dreg:s7], $0x2FFFF;
	_ =	strace $0x9FFFFFFF  }
0xc2: {  	(tm) =	ssettm $0x7FFFFFFF  }
0xc3: {  	_ =	shalt  }
tec
execute0_lowered:
.L_overlay_start_1:
0x0: {  	(tag) =	ssettag $0x1  }
0x1: {  	s0 =	srdreg.scid;
	s2 =	rddreg [dreg:$0x0]  }
0x2: {  	s1 =	stileid.u32;
	s4 =	rddreg [dreg:$0x1]  }
0x3: {  	s11 =	simm.s32 $0x0;
	s28 =	simm.s32 $0x7;
	s29 =	simm.s32 $0x500  }
0x4: {  	s30 =	simm.s32 $0x6400;
	s0 =	sand.u32 $0x1, s0;
	s1 =	sshll.u32 s1, $0x1  }
0x5: {  	s31 =	simm.s32 $0x1A400;
	s7 =	simm.s32 $0x2;
	s1 =	sor.u32 s0, s1  }
0x6: {  	s8 =	simm.s32 $0x6;
	s0 =	ssub.s32 $0x2, s0;
	s1 =	smul.u32 $0x6400, s1  }
0x7: {  	[smem:$0x7FF] =	sst s11;
	s3 =	sadd.s32 $0x600, s4;
	s26 =	sshrl.u32 s0, $0x1  }
0x8: {  	_ =	strace $0x80000047;
	s0 =	ssub.s32 s0, s26;
	s1 =	sshrl.u32 s1, $0x3  }
0x9: {  	s26 =	smax.u32 s0, $0x1;
	s0 =	simm.s32 $0x1A900;
	s5 =	sadd.s32 s1, s4  }
0xa: {  	s9 =	simm.s32 $0x4;
	s4 =	sadd.s32 $0x3F1600, s4;
	s6 =	sadd.s32 $0x3D8600, s5  }
0xb: {  	s10 =	simm.s32 $0x0;
	s19 =	sadd.s32 $0x3D86A0, s5;
	s20 =	sadd.s32 $0x3D8740, s5  }
0xc: {  	s21 =	sadd.s32 $0x3D87E0, s5;
	s22 =	sadd.s32 $0x3D8880, s5;
	[dreg:$0x3] =	wrdreg s6  }
0xd: {  	s23 =	sadd.s32 $0x3D8920, s5;
	s24 =	sadd.s32 $0x3D89C0, s5;
	[dreg:$0x4] =	wrdreg s19  }
0xe: {  	s25 =	sadd.s32 $0x3D8A60, s5;
	s13 =	sadd.s32 $0x3D8B00, s5;
	[dreg:$0x5] =	wrdreg s20  }
0xf: {  	s14 =	sadd.s32 $0x3D8BA0, s5;
	s15 =	sadd.s32 $0x3D8C40, s5;
	[dreg:$0x6] =	wrdreg s21  }
0x10: {  	s16 =	sadd.s32 $0x3D8CE0, s5;
	s17 =	sadd.s32 $0x3D8D80, s5;
	[dreg:$0x7] =	wrdreg s22  }
0x11: {  	s18 =	sadd.s32 $0x3D8E20, s5;
	[dreg:$0x8] =	wrdreg s23;
	s19 =	sadd.s32 $0x3D8EC0, s5  }
0x12: {  	[dreg:$0x9] =	wrdreg s24;
	s20 =	sadd.s32 $0x3D8F60, s5;
	s21 =	sadd.s32 $0x3D9000, s5  }
0x13: {  	[dreg:$0xa] =	wrdreg s25;
	s23 =	sadd.s32 $0x3D90A0, s5;
	s24 =	sadd.s32 $0x3D9140, s5  }
0x14: {  	s22 =	sadd.s32 s2, s1;
	s25 =	sadd.s32 $0x3D91E0, s5;
	s1 =	simm.s32 $0x10400  }
0x15: {  	s2 =	simm.s32 $0x1;
	s5 =	simm.s32 $0x5;
	s6 =	simm.s32 $0x3  }
.LBB2_1:
0x16: {  	[tilespmem:s11], [sflag:$0x7] =	stream.linear.gather [hbm4b:s22+s11], $0x6400, $0x38;
	[tilespmem:$0x1AE00] =	vst v63  }
0x17: {  	_ =	swait.ge [sflag:s28], $0x6400  }
0x18: {  	[sflag:s28] =	ssyncset.done $0x0  }
0x19: {  	s11 =	simm.s32 $0x0;
	s12 =	simm.s32 $0x40;
	[sflag:s28] =	ssyncadd.s32 $0xFFFF9C00  }
.LBB2_2:
0x1a: {  	p0 =	sne.s32 s12, $0x13C0;
	v0 =	vld [tilespmem:s11+$0x0];
	_ =	sdelay $0x4  }
.Ltmp0:
0x1b: {  	v1 =	vshll.u32 v0, $0x2;
	(pc) =	sbr.rel @p0 .LBB2_2-.Ltmp0, $4  }
0x1c: {  	v2 =	vand.u32 $0xFFFFFE00, v0;
	v0 =	vshrl.u32 v0, $0x7;
	v1 =	vand.u32 $0x1FC, v1  }
0x1d: {  	v0 =	vand.u32 $0x3, v0;
	v1 =	vor.u32 v2, v1  }
0x1e: {  	v0 =	vor.u32 v0, v1  }
0x1f: {  	[tilespmem:s11+$0x0] =	vst v0;
	s11 =	sshra.s32 s12, $0x2;
	s12 =	sadd.s32 $0x40, s12  }
0x20: {  	v0 =	vld [tilespmem:s11+$0x0];
	_ =	sdelay $0x4  }
0x21: {  	v1 =	vshll.u32 v0, $0x2  }
0x22: {  	v2 =	vand.u32 $0xFFFFFE00, v0;
	v0 =	vshrl.u32 v0, $0x7;
	v1 =	vand.u32 $0x1FC, v1  }
0x23: {  	v0 =	vand.u32 $0x3, v0;
	v1 =	vor.u32 v2, v1  }
0x24: {  	v0 =	vor.u32 v0, v1  }
0x25: {  	[tilespmem:s11+$0x0] =	vst v0;
	s11 =	simm.s32 $0x0  }
0x26: {  	[tilespmem:s30], [sflag:$0x1] =	stream.indirect.gather [hbm4b:s3+s29], $0x20, s11, s29, $0xb8;
	[tilespmem:$0x1AE00] =	vst v63  }
0x27: {  	s12 =	rddreg [dreg:$0x3]  }
0x28: {  	[tilespmem:s31], [sflag:$0x5] =	stream.linear.gather [hbm4b:s12+s11], $0x500, $0x38;
	[tilespmem:$0x1AE00] =	vst v63  }
0x29: {  	s11 =	simm.s32 $0x0;
	s12 =	simm.s32 $0x40  }
.LBB2_4:
0x2a: {  	p0 =	sne.s32 s12, $0x13C0;
	v0 =	vld [tilespmem:s11+$0x500];
	_ =	sdelay $0x4  }
.Ltmp1:
0x2b: {  	v1 =	vshll.u32 v0, $0x2;
	(pc) =	sbr.rel @p0 .LBB2_4-.Ltmp1, $4  }
0x2c: {  	v2 =	vand.u32 $0xFFFFFE00, v0;
	v0 =	vshrl.u32 v0, $0x7;
	v1 =	vand.u32 $0x1FC, v1  }
0x2d: {  	v0 =	vand.u32 $0x3, v0;
	v1 =	vor.u32 v2, v1  }
0x2e: {  	v0 =	vor.u32 v0, v1  }
0x2f: {  	[tilespmem:s11+$0x500] =	vst v0;
	s11 =	sshra.s32 s12, $0x2;
	s12 =	sadd.s32 $0x40, s12  }
0x30: {  	v0 =	vld [tilespmem:s11+$0x500];
	_ =	sdelay $0x4  }
0x31: {  	v1 =	vshll.u32 v0, $0x2  }
0x32: {  	v2 =	vand.u32 $0xFFFFFE00, v0;
	v0 =	vshrl.u32 v0, $0x7;
	v1 =	vand.u32 $0x1FC, v1  }
0x33: {  	v0 =	vand.u32 $0x3, v0;
	v1 =	vor.u32 v2, v1  }
0x34: {  	v0 =	vor.u32 v0, v1  }
0x35: {  	[tilespmem:s11+$0x500] =	vst v0  }
0x36: {  	[tilespmem:s1], [sflag:$0x2] =	stream.indirect.gather [hbm4b:s3+s29], $0x20, s29, s29, $0xb8;
	[tilespmem:$0x1AE00] =	vst v63  }
0x37: {  	s12 =	rddreg [dreg:$0x4];
	s11 =	simm.s32 $0x0  }
0x38: {  	[tilespmem:s0], [sflag:$0x6] =	stream.linear.gather [hbm4b:s12+s11], $0x500, $0x38;
	[tilespmem:$0x1AE00] =	vst v63  }
0x39: {  	_ =	swait.ge [sflag:s2], $0xA000  }
0x3a: {  	[sflag:s2] =	ssyncset.done $0x0  }
0x3b: {  	[sflag:s2] =	ssyncadd.s32 $0xFFFF6000  }
0x3c: {  	_ =	swait.ge [sflag:s5], $0x500  }
0x3d: {  	[sflag:s5] =	ssyncset.done $0x0  }
0x3e: {  	[sflag:s5] =	ssyncadd.s32 $0xFFFFFB00  }
0x3f: {  	[hbm4b:s4+s29] =	stream.indirect.scatter [tilespmem:s30], [sflag:$0x3], $0x20, s31, s29, $0xb8;
	[tilespmem:$0x1AE00] =	vst v63  }
0x40: {  	_ =	swait.ge [sflag:s6], $0xA000  }
0x41: {  	[sflag:s6] =	ssyncset.done $0x0  }
0x42: {  	s11 =	simm.s32 $0x0;
	s12 =	simm.s32 $0x40;
	[sflag:s6] =	ssyncadd.s32 $0xFFFF6000  }
.LBB2_6:
0x43: {  	p0 =	sne.s32 s12, $0x13C0;
	v0 =	vld [tilespmem:s11+$0xA00];
	_ =	sdelay $0x4  }
.Ltmp2:
0x44: {  	v1 =	vshll.u32 v0, $0x2;
	(pc) =	sbr.rel @p0 .LBB2_6-.Ltmp2, $4  }
0x45: {  	v2 =	vand.u32 $0xFFFFFE00, v0;
	v0 =	vshrl.u32 v0, $0x7;
	v1 =	vand.u32 $0x1FC, v1  }
0x46: {  	v0 =	vand.u32 $0x3, v0;
	v1 =	vor.u32 v2, v1  }
0x47: {  	v0 =	vor.u32 v0, v1  }
0x48: {  	[tilespmem:s11+$0xA00] =	vst v0;
	s11 =	sshra.s32 s12, $0x2;
	s12 =	sadd.s32 $0x40, s12  }
0x49: {  	v0 =	vld [tilespmem:s11+$0xA00];
	_ =	sdelay $0x4  }
0x4a: {  	v1 =	vshll.u32 v0, $0x2  }
0x4b: {  	v2 =	vand.u32 $0xFFFFFE00, v0;
	v0 =	vshrl.u32 v0, $0x7;
	v1 =	vand.u32 $0x1FC, v1  }
0x4c: {  	v0 =	vand.u32 $0x3, v0;
	v1 =	vor.u32 v2, v1  }
0x4d: {  	v0 =	vor.u32 v0, v1  }
0x4e: {  	s12 =	simm.s32 $0xA00;
	[tilespmem:s11+$0xA00] =	vst v0  }
0x4f: {  	[tilespmem:s30], [sflag:$0x1] =	stream.indirect.gather [hbm4b:s3+s29], $0x20, s12, s29, $0xb8;
	[tilespmem:$0x1AE00] =	vst v63  }
0x50: {  	s11 =	simm.s32 $0x0;
	s12 =	rddreg [dreg:$0x5]  }
0x51: {  	[tilespmem:s31], [sflag:$0x5] =	stream.linear.gather [hbm4b:s12+s11], $0x500, $0x38;
	[tilespmem:$0x1AE00] =	vst v63  }
0x52: {  	_ =	swait.ge [sflag:s7], $0xA000  }
0x53: {  	[sflag:s7] =	ssyncset.done $0x0  }
0x54: {  	[sflag:s7] =	ssyncadd.s32 $0xFFFF6000  }
0x55: {  	_ =	swait.ge [sflag:s8], $0x500  }
0x56: {  	[sflag:s8] =	ssyncset.done $0x0  }
0x57: {  	[sflag:s8] =	ssyncadd.s32 $0xFFFFFB00  }
0x58: {  	[hbm4b:s4+s29] =	stream.indirect.scatter [tilespmem:s1], [sflag:$0x4], $0x20, s0, s29, $0xb8;
	[tilespmem:$0x1AE00] =	vst v63  }
0x59: {  	_ =	swait.ge [sflag:s9], $0xA000  }
0x5a: {  	[sflag:s9] =	ssyncset.done $0x0  }
0x5b: {  	s11 =	simm.s32 $0x0;
	s12 =	simm.s32 $0x40;
	[sflag:s9] =	ssyncadd.s32 $0xFFFF6000  }
.LBB2_8:
0x5c: {  	p0 =	sne.s32 s12, $0x13C0;
	v0 =	vld [tilespmem:s11+$0xF00];
	_ =	sdelay $0x4  }
.Ltmp3:
0x5d: {  	v1 =	vshll.u32 v0, $0x2;
	(pc) =	sbr.rel @p0 .LBB2_8-.Ltmp3, $4  }
0x5e: {  	v2 =	vand.u32 $0xFFFFFE00, v0;
	v0 =	vshrl.u32 v0, $0x7;
	v1 =	vand.u32 $0x1FC, v1  }
0x5f: {  	v0 =	vand.u32 $0x3, v0;
	v1 =	vor.u32 v2, v1  }
0x60: {  	v0 =	vor.u32 v0, v1  }
0x61: {  	[tilespmem:s11+$0xF00] =	vst v0;
	s11 =	sshra.s32 s12, $0x2;
	s12 =	sadd.s32 $0x40, s12  }
0x62: {  	v0 =	vld [tilespmem:s11+$0xF00];
	_ =	sdelay $0x4  }
0x63: {  	v1 =	vshll.u32 v0, $0x2  }
0x64: {  	v2 =	vand.u32 $0xFFFFFE00, v0;
	v0 =	vshrl.u32 v0, $0x7;
	v1 =	vand.u32 $0x1FC, v1  }
0x65: {  	v0 =	vand.u32 $0x3, v0;
	v1 =	vor.u32 v2, v1  }
0x66: {  	v0 =	vor.u32 v0, v1  }
0x67: {  	s12 =	simm.s32 $0xF00;
	[tilespmem:s11+$0xF00] =	vst v0  }
0x68: {  	[tilespmem:s1], [sflag:$0x2] =	stream.indirect.gather [hbm4b:s3+s29], $0x20, s12, s29, $0xb8;
	[tilespmem:$0x1AE00] =	vst v63  }
0x69: {  	s11 =	simm.s32 $0x0;
	s12 =	rddreg [dreg:$0x6]  }
0x6a: {  	[tilespmem:s0], [sflag:$0x6] =	stream.linear.gather [hbm4b:s12+s11], $0x500, $0x38;
	[tilespmem:$0x1AE00] =	vst v63  }
0x6b: {  	_ =	swait.ge [sflag:s2], $0xA000  }
0x6c: {  	[sflag:s2] =	ssyncset.done $0x0  }
0x6d: {  	[sflag:s2] =	ssyncadd.s32 $0xFFFF6000  }
0x6e: {  	_ =	swait.ge [sflag:s5], $0x500  }
0x6f: {  	[sflag:s5] =	ssyncset.done $0x0  }
0x70: {  	[sflag:s5] =	ssyncadd.s32 $0xFFFFFB00  }
0x71: {  	[hbm4b:s4+s29] =	stream.indirect.scatter [tilespmem:s30], [sflag:$0x3], $0x20, s31, s29, $0xb8;
	[tilespmem:$0x1AE00] =	vst v63  }
0x72: {  	_ =	swait.ge [sflag:s6], $0xA000  }
0x73: {  	[sflag:s6] =	ssyncset.done $0x0  }
0x74: {  	s11 =	simm.s32 $0x0;
	s12 =	simm.s32 $0x40;
	[sflag:s6] =	ssyncadd.s32 $0xFFFF6000  }
.LBB2_10:
0x75: {  	p0 =	sne.s32 s12, $0x13C0;
	v0 =	vld [tilespmem:s11+$0x1400];
	_ =	sdelay $0x4  }
.Ltmp4:
0x76: {  	v1 =	vshll.u32 v0, $0x2;
	(pc) =	sbr.rel @p0 .LBB2_10-.Ltmp4, $4  }
0x77: {  	v2 =	vand.u32 $0xFFFFFE00, v0;
	v0 =	vshrl.u32 v0, $0x7;
	v1 =	vand.u32 $0x1FC, v1  }
0x78: {  	v0 =	vand.u32 $0x3, v0;
	v1 =	vor.u32 v2, v1  }
0x79: {  	v0 =	vor.u32 v0, v1  }
0x7a: {  	[tilespmem:s11+$0x1400] =	vst v0;
	s11 =	sshra.s32 s12, $0x2;
	s12 =	sadd.s32 $0x40, s12  }
0x7b: {  	v0 =	vld [tilespmem:s11+$0x1400];
	_ =	sdelay $0x4  }
0x7c: {  	v1 =	vshll.u32 v0, $0x2  }
0x7d: {  	v2 =	vand.u32 $0xFFFFFE00, v0;
	v0 =	vshrl.u32 v0, $0x7;
	v1 =	vand.u32 $0x1FC, v1  }
0x7e: {  	v0 =	vand.u32 $0x3, v0;
	v1 =	vor.u32 v2, v1  }
0x7f: {  	v0 =	vor.u32 v0, v1  }
0x80: {  	s12 =	simm.s32 $0x1400;
	[tilespmem:s11+$0x1400] =	vst v0  }
0x81: {  	[tilespmem:s30], [sflag:$0x1] =	stream.indirect.gather [hbm4b:s3+s29], $0x20, s12, s29, $0xb8;
	[tilespmem:$0x1AE00] =	vst v63  }
0x82: {  	s11 =	simm.s32 $0x0;
	s12 =	rddreg [dreg:$0x7]  }
0x83: {  	[tilespmem:s31], [sflag:$0x5] =	stream.linear.gather [hbm4b:s12+s11], $0x500, $0x38;
	[tilespmem:$0x1AE00] =	vst v63  }
0x84: {  	_ =	swait.ge [sflag:s7], $0xA000  }
0x85: {  	[sflag:s7] =	ssyncset.done $0x0  }
0x86: {  	[sflag:s7] =	ssyncadd.s32 $0xFFFF6000  }
0x87: {  	_ =	swait.ge [sflag:s8], $0x500  }
0x88: {  	[sflag:s8] =	ssyncset.done $0x0  }
0x89: {  	[sflag:s8] =	ssyncadd.s32 $0xFFFFFB00  }
0x8a: {  	[hbm4b:s4+s29] =	stream.indirect.scatter [tilespmem:s1], [sflag:$0x4], $0x20, s0, s29, $0xb8;
	[tilespmem:$0x1AE00] =	vst v63  }
0x8b: {  	_ =	swait.ge [sflag:s9], $0xA000  }
0x8c: {  	[sflag:s9] =	ssyncset.done $0x0  }
0x8d: {  	s11 =	simm.s32 $0x0;
	s12 =	simm.s32 $0x40;
	[sflag:s9] =	ssyncadd.s32 $0xFFFF6000  }
.LBB2_12:
0x8e: {  	p0 =	sne.s32 s12, $0x13C0;
	v0 =	vld [tilespmem:s11+$0x1900];
	_ =	sdelay $0x4  }
.Ltmp5:
0x8f: {  	v1 =	vshll.u32 v0, $0x2;
	(pc) =	sbr.rel @p0 .LBB2_12-.Ltmp5, $4  }
0x90: {  	v2 =	vand.u32 $0xFFFFFE00, v0;
	v0 =	vshrl.u32 v0, $0x7;
	v1 =	vand.u32 $0x1FC, v1  }
0x91: {  	v0 =	vand.u32 $0x3, v0;
	v1 =	vor.u32 v2, v1  }
0x92: {  	v0 =	vor.u32 v0, v1  }
0x93: {  	[tilespmem:s11+$0x1900] =	vst v0;
	s11 =	sshra.s32 s12, $0x2;
	s12 =	sadd.s32 $0x40, s12  }
0x94: {  	v0 =	vld [tilespmem:s11+$0x1900];
	_ =	sdelay $0x4  }
0x95: {  	v1 =	vshll.u32 v0, $0x2  }
0x96: {  	v2 =	vand.u32 $0xFFFFFE00, v0;
	v0 =	vshrl.u32 v0, $0x7;
	v1 =	vand.u32 $0x1FC, v1  }
0x97: {  	v0 =	vand.u32 $0x3, v0;
	v1 =	vor.u32 v2, v1  }
0x98: {  	v0 =	vor.u32 v0, v1  }
0x99: {  	s12 =	simm.s32 $0x1900;
	[tilespmem:s11+$0x1900] =	vst v0  }
0x9a: {  	[tilespmem:s1], [sflag:$0x2] =	stream.indirect.gather [hbm4b:s3+s29], $0x20, s12, s29, $0xb8;
	[tilespmem:$0x1AE00] =	vst v63  }
0x9b: {  	s11 =	simm.s32 $0x0;
	s12 =	rddreg [dreg:$0x8]  }
0x9c: {  	[tilespmem:s0], [sflag:$0x6] =	stream.linear.gather [hbm4b:s12+s11], $0x500, $0x38;
	[tilespmem:$0x1AE00] =	vst v63  }
0x9d: {  	_ =	swait.ge [sflag:s2], $0xA000  }
0x9e: {  	[sflag:s2] =	ssyncset.done $0x0  }
0x9f: {  	[sflag:s2] =	ssyncadd.s32 $0xFFFF6000  }
0xa0: {  	_ =	swait.ge [sflag:s5], $0x500  }
0xa1: {  	[sflag:s5] =	ssyncset.done $0x0  }
0xa2: {  	[sflag:s5] =	ssyncadd.s32 $0xFFFFFB00  }
0xa3: {  	[hbm4b:s4+s29] =	stream.indirect.scatter [tilespmem:s30], [sflag:$0x3], $0x20, s31, s29, $0xb8;
	[tilespmem:$0x1AE00] =	vst v63  }
0xa4: {  	_ =	swait.ge [sflag:s6], $0xA000  }
0xa5: {  	[sflag:s6] =	ssyncset.done $0x0  }
0xa6: {  	s11 =	simm.s32 $0x0;
	s12 =	simm.s32 $0x40;
	[sflag:s6] =	ssyncadd.s32 $0xFFFF6000  }
.LBB2_14:
0xa7: {  	p0 =	sne.s32 s12, $0x13C0;
	v0 =	vld [tilespmem:s11+$0x1E00];
	_ =	sdelay $0x4  }
.Ltmp6:
0xa8: {  	v1 =	vshll.u32 v0, $0x2;
	(pc) =	sbr.rel @p0 .LBB2_14-.Ltmp6, $4  }
0xa9: {  	v2 =	vand.u32 $0xFFFFFE00, v0;
	v0 =	vshrl.u32 v0, $0x7;
	v1 =	vand.u32 $0x1FC, v1  }
0xaa: {  	v0 =	vand.u32 $0x3, v0;
	v1 =	vor.u32 v2, v1  }
0xab: {  	v0 =	vor.u32 v0, v1  }
0xac: {  	[tilespmem:s11+$0x1E00] =	vst v0;
	s11 =	sshra.s32 s12, $0x2;
	s12 =	sadd.s32 $0x40, s12  }
0xad: {  	v0 =	vld [tilespmem:s11+$0x1E00];
	_ =	sdelay $0x4  }
0xae: {  	v1 =	vshll.u32 v0, $0x2  }
0xaf: {  	v2 =	vand.u32 $0xFFFFFE00, v0;
	v0 =	vshrl.u32 v0, $0x7;
	v1 =	vand.u32 $0x1FC, v1  }
0xb0: {  	v0 =	vand.u32 $0x3, v0;
	v1 =	vor.u32 v2, v1  }
0xb1: {  	v0 =	vor.u32 v0, v1  }
0xb2: {  	s12 =	simm.s32 $0x1E00;
	[tilespmem:s11+$0x1E00] =	vst v0  }
0xb3: {  	[tilespmem:s30], [sflag:$0x1] =	stream.indirect.gather [hbm4b:s3+s29], $0x20, s12, s29, $0xb8;
	[tilespmem:$0x1AE00] =	vst v63  }
0xb4: {  	s11 =	simm.s32 $0x0;
	s12 =	rddreg [dreg:$0x9]  }
0xb5: {  	[tilespmem:s31], [sflag:$0x5] =	stream.linear.gather [hbm4b:s12+s11], $0x500, $0x38;
	[tilespmem:$0x1AE00] =	vst v63  }
0xb6: {  	_ =	swait.ge [sflag:s7], $0xA000  }
0xb7: {  	[sflag:s7] =	ssyncset.done $0x0  }
0xb8: {  	[sflag:s7] =	ssyncadd.s32 $0xFFFF6000  }
0xb9: {  	_ =	swait.ge [sflag:s8], $0x500  }
0xba: {  	[sflag:s8] =	ssyncset.done $0x0  }
0xbb: {  	[sflag:s8] =	ssyncadd.s32 $0xFFFFFB00  }
0xbc: {  	[hbm4b:s4+s29] =	stream.indirect.scatter [tilespmem:s1], [sflag:$0x4], $0x20, s0, s29, $0xb8;
	[tilespmem:$0x1AE00] =	vst v63  }
0xbd: {  	_ =	swait.ge [sflag:s9], $0xA000  }
0xbe: {  	[sflag:s9] =	ssyncset.done $0x0  }
0xbf: {  	s11 =	simm.s32 $0x0;
	s12 =	simm.s32 $0x40;
	[sflag:s9] =	ssyncadd.s32 $0xFFFF6000  }
.LBB2_16:
0xc0: {  	p0 =	sne.s32 s12, $0x13C0;
	v0 =	vld [tilespmem:s11+$0x2300];
	_ =	sdelay $0x4  }
.Ltmp7:
0xc1: {  	v1 =	vshll.u32 v0, $0x2;
	(pc) =	sbr.rel @p0 .LBB2_16-.Ltmp7, $4  }
0xc2: {  	v2 =	vand.u32 $0xFFFFFE00, v0;
	v0 =	vshrl.u32 v0, $0x7;
	v1 =	vand.u32 $0x1FC, v1  }
0xc3: {  	v0 =	vand.u32 $0x3, v0;
	v1 =	vor.u32 v2, v1  }
0xc4: {  	v0 =	vor.u32 v0, v1  }
0xc5: {  	[tilespmem:s11+$0x2300] =	vst v0;
	s11 =	sshra.s32 s12, $0x2;
	s12 =	sadd.s32 $0x40, s12  }
0xc6: {  	v0 =	vld [tilespmem:s11+$0x2300];
	_ =	sdelay $0x4  }
0xc7: {  	v1 =	vshll.u32 v0, $0x2  }
0xc8: {  	v2 =	vand.u32 $0xFFFFFE00, v0;
	v0 =	vshrl.u32 v0, $0x7;
	v1 =	vand.u32 $0x1FC, v1  }
0xc9: {  	v0 =	vand.u32 $0x3, v0;
	v1 =	vor.u32 v2, v1  }
0xca: {  	v0 =	vor.u32 v0, v1  }
0xcb: {  	s12 =	simm.s32 $0x2300;
	[tilespmem:s11+$0x2300] =	vst v0  }
0xcc: {  	[tilespmem:s1], [sflag:$0x2] =	stream.indirect.gather [hbm4b:s3+s29], $0x20, s12, s29, $0xb8;
	[tilespmem:$0x1AE00] =	vst v63  }
0xcd: {  	s11 =	simm.s32 $0x0;
	s12 =	rddreg [dreg:$0xa]  }
0xce: {  	[tilespmem:s0], [sflag:$0x6] =	stream.linear.gather [hbm4b:s12+s11], $0x500, $0x38;
	[tilespmem:$0x1AE00] =	vst v63  }
0xcf: {  	_ =	swait.ge [sflag:s2], $0xA000  }
0xd0: {  	[sflag:s2] =	ssyncset.done $0x0  }
0xd1: {  	[sflag:s2] =	ssyncadd.s32 $0xFFFF6000  }
0xd2: {  	_ =	swait.ge [sflag:s5], $0x500  }
0xd3: {  	[sflag:s5] =	ssyncset.done $0x0  }
0xd4: {  	[sflag:s5] =	ssyncadd.s32 $0xFFFFFB00  }
0xd5: {  	[hbm4b:s4+s29] =	stream.indirect.scatter [tilespmem:s30], [sflag:$0x3], $0x20, s31, s29, $0xb8;
	[tilespmem:$0x1AE00] =	vst v63  }
0xd6: {  	_ =	swait.ge [sflag:s6], $0xA000  }
0xd7: {  	[sflag:s6] =	ssyncset.done $0x0  }
0xd8: {  	s11 =	simm.s32 $0x0;
	s12 =	simm.s32 $0x40;
	[sflag:s6] =	ssyncadd.s32 $0xFFFF6000  }
.LBB2_18:
0xd9: {  	p0 =	sne.s32 s12, $0x13C0;
	v0 =	vld [tilespmem:s11+$0x2800];
	_ =	sdelay $0x4  }
.Ltmp8:
0xda: {  	v1 =	vshll.u32 v0, $0x2;
	(pc) =	sbr.rel @p0 .LBB2_18-.Ltmp8, $4  }
0xdb: {  	v2 =	vand.u32 $0xFFFFFE00, v0;
	v0 =	vshrl.u32 v0, $0x7;
	v1 =	vand.u32 $0x1FC, v1  }
0xdc: {  	v0 =	vand.u32 $0x3, v0;
	v1 =	vor.u32 v2, v1  }
0xdd: {  	v0 =	vor.u32 v0, v1  }
0xde: {  	[tilespmem:s11+$0x2800] =	vst v0;
	s11 =	sshra.s32 s12, $0x2;
	s12 =	sadd.s32 $0x40, s12  }
0xdf: {  	v0 =	vld [tilespmem:s11+$0x2800];
	_ =	sdelay $0x4  }
0xe0: {  	v1 =	vshll.u32 v0, $0x2  }
0xe1: {  	v2 =	vand.u32 $0xFFFFFE00, v0;
	v0 =	vshrl.u32 v0, $0x7;
	v1 =	vand.u32 $0x1FC, v1  }
0xe2: {  	v0 =	vand.u32 $0x3, v0;
	v1 =	vor.u32 v2, v1  }
0xe3: {  	v0 =	vor.u32 v0, v1  }
0xe4: {  	s12 =	simm.s32 $0x2800;
	[tilespmem:s11+$0x2800] =	vst v0  }
0xe5: {  	[tilespmem:s30], [sflag:$0x1] =	stream.indirect.gather [hbm4b:s3+s29], $0x20, s12, s29, $0xb8;
	[tilespmem:$0x1AE00] =	vst v63  }
0xe6: {  	s12 =	simm.s32 $0x0  }
0xe7: {  	[tilespmem:s31], [sflag:$0x5] =	stream.linear.gather [hbm4b:s13+s12], $0x500, $0x38;
	[tilespmem:$0x1AE00] =	vst v63  }
0xe8: {  	_ =	swait.ge [sflag:s7], $0xA000  }
0xe9: {  	[sflag:s7] =	ssyncset.done $0x0  }
0xea: {  	[sflag:s7] =	ssyncadd.s32 $0xFFFF6000  }
0xeb: {  	_ =	swait.ge [sflag:s8], $0x500  }
0xec: {  	[sflag:s8] =	ssyncset.done $0x0  }
0xed: {  	[sflag:s8] =	ssyncadd.s32 $0xFFFFFB00  }
0xee: {  	[hbm4b:s4+s29] =	stream.indirect.scatter [tilespmem:s1], [sflag:$0x4], $0x20, s0, s29, $0xb8;
	[tilespmem:$0x1AE00] =	vst v63  }
0xef: {  	_ =	swait.ge [sflag:s9], $0xA000  }
0xf0: {  	[sflag:s9] =	ssyncset.done $0x0  }
0xf1: {  	s11 =	simm.s32 $0x0;
	s12 =	simm.s32 $0x40;
	[sflag:s9] =	ssyncadd.s32 $0xFFFF6000  }
.LBB2_20:
0xf2: {  	p0 =	sne.s32 s12, $0x13C0;
	v0 =	vld [tilespmem:s11+$0x2D00];
	_ =	sdelay $0x4  }
.Ltmp9:
0xf3: {  	v1 =	vshll.u32 v0, $0x2;
	(pc) =	sbr.rel @p0 .LBB2_20-.Ltmp9, $4  }
0xf4: {  	v2 =	vand.u32 $0xFFFFFE00, v0;
	v0 =	vshrl.u32 v0, $0x7;
	v1 =	vand.u32 $0x1FC, v1  }
0xf5: {  	v0 =	vand.u32 $0x3, v0;
	v1 =	vor.u32 v2, v1  }
0xf6: {  	v0 =	vor.u32 v0, v1  }
0xf7: {  	[tilespmem:s11+$0x2D00] =	vst v0;
	s11 =	sshra.s32 s12, $0x2;
	s12 =	sadd.s32 $0x40, s12  }
0xf8: {  	v0 =	vld [tilespmem:s11+$0x2D00];
	_ =	sdelay $0x4  }
0xf9: {  	v1 =	vshll.u32 v0, $0x2  }
0xfa: {  	v2 =	vand.u32 $0xFFFFFE00, v0;
	v0 =	vshrl.u32 v0, $0x7;
	v1 =	vand.u32 $0x1FC, v1  }
0xfb: {  	v0 =	vand.u32 $0x3, v0;
	v1 =	vor.u32 v2, v1  }
0xfc: {  	v0 =	vor.u32 v0, v1  }
0xfd: {  	s12 =	simm.s32 $0x2D00;
	[tilespmem:s11+$0x2D00] =	vst v0  }
0xfe: {  	[tilespmem:s1], [sflag:$0x2] =	stream.indirect.gather [hbm4b:s3+s29], $0x20, s12, s29, $0xb8;
	[tilespmem:$0x1AE00] =	vst v63  }
0xff: {  	s12 =	simm.s32 $0x0  }
0x100: {  	[tilespmem:s0], [sflag:$0x6] =	stream.linear.gather [hbm4b:s14+s12], $0x500, $0x38;
	[tilespmem:$0x1AE00] =	vst v63  }
0x101: {  	_ =	swait.ge [sflag:s2], $0xA000  }
0x102: {  	[sflag:s2] =	ssyncset.done $0x0  }
0x103: {  	[sflag:s2] =	ssyncadd.s32 $0xFFFF6000  }
0x104: {  	_ =	swait.ge [sflag:s5], $0x500  }
0x105: {  	[sflag:s5] =	ssyncset.done $0x0  }
0x106: {  	[sflag:s5] =	ssyncadd.s32 $0xFFFFFB00  }
0x107: {  	[hbm4b:s4+s29] =	stream.indirect.scatter [tilespmem:s30], [sflag:$0x3], $0x20, s31, s29, $0xb8;
	[tilespmem:$0x1AE00] =	vst v63  }
0x108: {  	_ =	swait.ge [sflag:s6], $0xA000  }
0x109: {  	[sflag:s6] =	ssyncset.done $0x0  }
0x10a: {  	s11 =	simm.s32 $0x0;
	s12 =	simm.s32 $0x40;
	[sflag:s6] =	ssyncadd.s32 $0xFFFF6000  }
.LBB2_22:
0x10b: {  	p0 =	sne.s32 s12, $0x13C0;
	v0 =	vld [tilespmem:s11+$0x3200];
	_ =	sdelay $0x4  }
.Ltmp10:
0x10c: {  	v1 =	vshll.u32 v0, $0x2;
	(pc) =	sbr.rel @p0 .LBB2_22-.Ltmp10, $4  }
0x10d: {  	v2 =	vand.u32 $0xFFFFFE00, v0;
	v0 =	vshrl.u32 v0, $0x7;
	v1 =	vand.u32 $0x1FC, v1  }
0x10e: {  	v0 =	vand.u32 $0x3, v0;
	v1 =	vor.u32 v2, v1  }
0x10f: {  	v0 =	vor.u32 v0, v1  }
0x110: {  	[tilespmem:s11+$0x3200] =	vst v0;
	s11 =	sshra.s32 s12, $0x2;
	s12 =	sadd.s32 $0x40, s12  }
0x111: {  	v0 =	vld [tilespmem:s11+$0x3200];
	_ =	sdelay $0x4  }
0x112: {  	v1 =	vshll.u32 v0, $0x2  }
0x113: {  	v2 =	vand.u32 $0xFFFFFE00, v0;
	v0 =	vshrl.u32 v0, $0x7;
	v1 =	vand.u32 $0x1FC, v1  }
0x114: {  	v0 =	vand.u32 $0x3, v0;
	v1 =	vor.u32 v2, v1  }
0x115: {  	v0 =	vor.u32 v0, v1  }
0x116: {  	s12 =	simm.s32 $0x3200;
	[tilespmem:s11+$0x3200] =	vst v0  }
0x117: {  	[tilespmem:s30], [sflag:$0x1] =	stream.indirect.gather [hbm4b:s3+s29], $0x20, s12, s29, $0xb8;
	[tilespmem:$0x1AE00] =	vst v63  }
0x118: {  	s12 =	simm.s32 $0x0  }
0x119: {  	[tilespmem:s31], [sflag:$0x5] =	stream.linear.gather [hbm4b:s15+s12], $0x500, $0x38;
	[tilespmem:$0x1AE00] =	vst v63  }
0x11a: {  	_ =	swait.ge [sflag:s7], $0xA000  }
0x11b: {  	[sflag:s7] =	ssyncset.done $0x0  }
0x11c: {  	[sflag:s7] =	ssyncadd.s32 $0xFFFF6000  }
0x11d: {  	_ =	swait.ge [sflag:s8], $0x500  }
0x11e: {  	[sflag:s8] =	ssyncset.done $0x0  }
0x11f: {  	[sflag:s8] =	ssyncadd.s32 $0xFFFFFB00  }
0x120: {  	[hbm4b:s4+s29] =	stream.indirect.scatter [tilespmem:s1], [sflag:$0x4], $0x20, s0, s29, $0xb8;
	[tilespmem:$0x1AE00] =	vst v63  }
0x121: {  	_ =	swait.ge [sflag:s9], $0xA000  }
0x122: {  	[sflag:s9] =	ssyncset.done $0x0  }
0x123: {  	s11 =	simm.s32 $0x0;
	s12 =	simm.s32 $0x40;
	[sflag:s9] =	ssyncadd.s32 $0xFFFF6000  }
.LBB2_24:
0x124: {  	p0 =	sne.s32 s12, $0x13C0;
	v0 =	vld [tilespmem:s11+$0x3700];
	_ =	sdelay $0x4  }
.Ltmp11:
0x125: {  	v1 =	vshll.u32 v0, $0x2;
	(pc) =	sbr.rel @p0 .LBB2_24-.Ltmp11, $4  }
0x126: {  	v2 =	vand.u32 $0xFFFFFE00, v0;
	v0 =	vshrl.u32 v0, $0x7;
	v1 =	vand.u32 $0x1FC, v1  }
0x127: {  	v0 =	vand.u32 $0x3, v0;
	v1 =	vor.u32 v2, v1  }
0x128: {  	v0 =	vor.u32 v0, v1  }
0x129: {  	[tilespmem:s11+$0x3700] =	vst v0;
	s11 =	sshra.s32 s12, $0x2;
	s12 =	sadd.s32 $0x40, s12  }
0x12a: {  	v0 =	vld [tilespmem:s11+$0x3700];
	_ =	sdelay $0x4  }
0x12b: {  	v1 =	vshll.u32 v0, $0x2  }
0x12c: {  	v2 =	vand.u32 $0xFFFFFE00, v0;
	v0 =	vshrl.u32 v0, $0x7;
	v1 =	vand.u32 $0x1FC, v1  }
0x12d: {  	v0 =	vand.u32 $0x3, v0;
	v1 =	vor.u32 v2, v1  }
0x12e: {  	v0 =	vor.u32 v0, v1  }
0x12f: {  	s12 =	simm.s32 $0x3700;
	[tilespmem:s11+$0x3700] =	vst v0  }
0x130: {  	[tilespmem:s1], [sflag:$0x2] =	stream.indirect.gather [hbm4b:s3+s29], $0x20, s12, s29, $0xb8;
	[tilespmem:$0x1AE00] =	vst v63  }
0x131: {  	s12 =	simm.s32 $0x0  }
0x132: {  	[tilespmem:s0], [sflag:$0x6] =	stream.linear.gather [hbm4b:s16+s12], $0x500, $0x38;
	[tilespmem:$0x1AE00] =	vst v63  }
0x133: {  	_ =	swait.ge [sflag:s2], $0xA000  }
0x134: {  	[sflag:s2] =	ssyncset.done $0x0  }
0x135: {  	[sflag:s2] =	ssyncadd.s32 $0xFFFF6000  }
0x136: {  	_ =	swait.ge [sflag:s5], $0x500  }
0x137: {  	[sflag:s5] =	ssyncset.done $0x0  }
0x138: {  	[sflag:s5] =	ssyncadd.s32 $0xFFFFFB00  }
0x139: {  	[hbm4b:s4+s29] =	stream.indirect.scatter [tilespmem:s30], [sflag:$0x3], $0x20, s31, s29, $0xb8;
	[tilespmem:$0x1AE00] =	vst v63  }
0x13a: {  	_ =	swait.ge [sflag:s6], $0xA000  }
0x13b: {  	[sflag:s6] =	ssyncset.done $0x0  }
0x13c: {  	s11 =	simm.s32 $0x0;
	s12 =	simm.s32 $0x40;
	[sflag:s6] =	ssyncadd.s32 $0xFFFF6000  }
.LBB2_26:
0x13d: {  	p0 =	sne.s32 s12, $0x13C0;
	v0 =	vld [tilespmem:s11+$0x3C00];
	_ =	sdelay $0x4  }
.Ltmp12:
0x13e: {  	v1 =	vshll.u32 v0, $0x2;
	(pc) =	sbr.rel @p0 .LBB2_26-.Ltmp12, $4  }
0x13f: {  	v2 =	vand.u32 $0xFFFFFE00, v0;
	v0 =	vshrl.u32 v0, $0x7;
	v1 =	vand.u32 $0x1FC, v1  }
0x140: {  	v0 =	vand.u32 $0x3, v0;
	v1 =	vor.u32 v2, v1  }
0x141: {  	v0 =	vor.u32 v0, v1  }
0x142: {  	[tilespmem:s11+$0x3C00] =	vst v0;
	s11 =	sshra.s32 s12, $0x2;
	s12 =	sadd.s32 $0x40, s12  }
0x143: {  	v0 =	vld [tilespmem:s11+$0x3C00];
	_ =	sdelay $0x4  }
0x144: {  	v1 =	vshll.u32 v0, $0x2  }
0x145: {  	v2 =	vand.u32 $0xFFFFFE00, v0;
	v0 =	vshrl.u32 v0, $0x7;
	v1 =	vand.u32 $0x1FC, v1  }
0x146: {  	v0 =	vand.u32 $0x3, v0;
	v1 =	vor.u32 v2, v1  }
0x147: {  	v0 =	vor.u32 v0, v1  }
0x148: {  	s12 =	simm.s32 $0x3C00;
	[tilespmem:s11+$0x3C00] =	vst v0  }
0x149: {  	[tilespmem:s30], [sflag:$0x1] =	stream.indirect.gather [hbm4b:s3+s29], $0x20, s12, s29, $0xb8;
	[tilespmem:$0x1AE00] =	vst v63  }
0x14a: {  	s12 =	simm.s32 $0x0  }
0x14b: {  	[tilespmem:s31], [sflag:$0x5] =	stream.linear.gather [hbm4b:s17+s12], $0x500, $0x38;
	[tilespmem:$0x1AE00] =	vst v63  }
0x14c: {  	_ =	swait.ge [sflag:s7], $0xA000  }
0x14d: {  	[sflag:s7] =	ssyncset.done $0x0  }
0x14e: {  	[sflag:s7] =	ssyncadd.s32 $0xFFFF6000  }
0x14f: {  	_ =	swait.ge [sflag:s8], $0x500  }
0x150: {  	[sflag:s8] =	ssyncset.done $0x0  }
0x151: {  	[sflag:s8] =	ssyncadd.s32 $0xFFFFFB00  }
0x152: {  	[hbm4b:s4+s29] =	stream.indirect.scatter [tilespmem:s1], [sflag:$0x4], $0x20, s0, s29, $0xb8;
	[tilespmem:$0x1AE00] =	vst v63  }
0x153: {  	_ =	swait.ge [sflag:s9], $0xA000  }
0x154: {  	[sflag:s9] =	ssyncset.done $0x0  }
0x155: {  	s11 =	simm.s32 $0x0;
	s12 =	simm.s32 $0x40;
	[sflag:s9] =	ssyncadd.s32 $0xFFFF6000  }
.LBB2_28:
0x156: {  	p0 =	sne.s32 s12, $0x13C0;
	v0 =	vld [tilespmem:s11+$0x4100];
	_ =	sdelay $0x4  }
.Ltmp13:
0x157: {  	v1 =	vshll.u32 v0, $0x2;
	(pc) =	sbr.rel @p0 .LBB2_28-.Ltmp13, $4  }
0x158: {  	v2 =	vand.u32 $0xFFFFFE00, v0;
	v0 =	vshrl.u32 v0, $0x7;
	v1 =	vand.u32 $0x1FC, v1  }
0x159: {  	v0 =	vand.u32 $0x3, v0;
	v1 =	vor.u32 v2, v1  }
0x15a: {  	v0 =	vor.u32 v0, v1  }
0x15b: {  	[tilespmem:s11+$0x4100] =	vst v0;
	s11 =	sshra.s32 s12, $0x2;
	s12 =	sadd.s32 $0x40, s12  }
0x15c: {  	v0 =	vld [tilespmem:s11+$0x4100];
	_ =	sdelay $0x4  }
0x15d: {  	v1 =	vshll.u32 v0, $0x2  }
0x15e: {  	v2 =	vand.u32 $0xFFFFFE00, v0;
	v0 =	vshrl.u32 v0, $0x7;
	v1 =	vand.u32 $0x1FC, v1  }
0x15f: {  	v0 =	vand.u32 $0x3, v0;
	v1 =	vor.u32 v2, v1  }
0x160: {  	v0 =	vor.u32 v0, v1  }
0x161: {  	s12 =	simm.s32 $0x4100;
	[tilespmem:s11+$0x4100] =	vst v0  }
0x162: {  	[tilespmem:s1], [sflag:$0x2] =	stream.indirect.gather [hbm4b:s3+s29], $0x20, s12, s29, $0xb8;
	[tilespmem:$0x1AE00] =	vst v63  }
0x163: {  	s12 =	simm.s32 $0x0  }
0x164: {  	[tilespmem:s0], [sflag:$0x6] =	stream.linear.gather [hbm4b:s18+s12], $0x500, $0x38;
	[tilespmem:$0x1AE00] =	vst v63  }
0x165: {  	_ =	swait.ge [sflag:s2], $0xA000  }
0x166: {  	[sflag:s2] =	ssyncset.done $0x0  }
0x167: {  	[sflag:s2] =	ssyncadd.s32 $0xFFFF6000  }
0x168: {  	_ =	swait.ge [sflag:s5], $0x500  }
0x169: {  	[sflag:s5] =	ssyncset.done $0x0  }
0x16a: {  	[sflag:s5] =	ssyncadd.s32 $0xFFFFFB00  }
0x16b: {  	[hbm4b:s4+s29] =	stream.indirect.scatter [tilespmem:s30], [sflag:$0x3], $0x20, s31, s29, $0xb8;
	[tilespmem:$0x1AE00] =	vst v63  }
0x16c: {  	_ =	swait.ge [sflag:s6], $0xA000  }
0x16d: {  	[sflag:s6] =	ssyncset.done $0x0  }
0x16e: {  	s11 =	simm.s32 $0x0;
	s12 =	simm.s32 $0x40;
	[sflag:s6] =	ssyncadd.s32 $0xFFFF6000  }
.LBB2_30:
0x16f: {  	p0 =	sne.s32 s12, $0x13C0;
	v0 =	vld [tilespmem:s11+$0x4600];
	_ =	sdelay $0x4  }
.Ltmp14:
0x170: {  	v1 =	vshll.u32 v0, $0x2;
	(pc) =	sbr.rel @p0 .LBB2_30-.Ltmp14, $4  }
0x171: {  	v2 =	vand.u32 $0xFFFFFE00, v0;
	v0 =	vshrl.u32 v0, $0x7;
	v1 =	vand.u32 $0x1FC, v1  }
0x172: {  	v0 =	vand.u32 $0x3, v0;
	v1 =	vor.u32 v2, v1  }
0x173: {  	v0 =	vor.u32 v0, v1  }
0x174: {  	[tilespmem:s11+$0x4600] =	vst v0;
	s11 =	sshra.s32 s12, $0x2;
	s12 =	sadd.s32 $0x40, s12  }
0x175: {  	v0 =	vld [tilespmem:s11+$0x4600];
	_ =	sdelay $0x4  }
0x176: {  	v1 =	vshll.u32 v0, $0x2  }
0x177: {  	v2 =	vand.u32 $0xFFFFFE00, v0;
	v0 =	vshrl.u32 v0, $0x7;
	v1 =	vand.u32 $0x1FC, v1  }
0x178: {  	v0 =	vand.u32 $0x3, v0;
	v1 =	vor.u32 v2, v1  }
0x179: {  	v0 =	vor.u32 v0, v1  }
0x17a: {  	s12 =	simm.s32 $0x4600;
	[tilespmem:s11+$0x4600] =	vst v0  }
0x17b: {  	[tilespmem:s30], [sflag:$0x1] =	stream.indirect.gather [hbm4b:s3+s29], $0x20, s12, s29, $0xb8;
	[tilespmem:$0x1AE00] =	vst v63  }
0x17c: {  	s12 =	simm.s32 $0x0  }
0x17d: {  	[tilespmem:s31], [sflag:$0x5] =	stream.linear.gather [hbm4b:s19+s12], $0x500, $0x38;
	[tilespmem:$0x1AE00] =	vst v63  }
0x17e: {  	_ =	swait.ge [sflag:s7], $0xA000  }
0x17f: {  	[sflag:s7] =	ssyncset.done $0x0  }
0x180: {  	[sflag:s7] =	ssyncadd.s32 $0xFFFF6000  }
0x181: {  	_ =	swait.ge [sflag:s8], $0x500  }
0x182: {  	[sflag:s8] =	ssyncset.done $0x0  }
0x183: {  	[sflag:s8] =	ssyncadd.s32 $0xFFFFFB00  }
0x184: {  	[hbm4b:s4+s29] =	stream.indirect.scatter [tilespmem:s1], [sflag:$0x4], $0x20, s0, s29, $0xb8;
	[tilespmem:$0x1AE00] =	vst v63  }
0x185: {  	_ =	swait.ge [sflag:s9], $0xA000  }
0x186: {  	[sflag:s9] =	ssyncset.done $0x0  }
0x187: {  	s11 =	simm.s32 $0x0;
	s12 =	simm.s32 $0x40;
	[sflag:s9] =	ssyncadd.s32 $0xFFFF6000  }
.LBB2_32:
0x188: {  	p0 =	sne.s32 s12, $0x13C0;
	v0 =	vld [tilespmem:s11+$0x4B00];
	_ =	sdelay $0x4  }
.Ltmp15:
0x189: {  	v1 =	vshll.u32 v0, $0x2;
	(pc) =	sbr.rel @p0 .LBB2_32-.Ltmp15, $4  }
0x18a: {  	v2 =	vand.u32 $0xFFFFFE00, v0;
	v0 =	vshrl.u32 v0, $0x7;
	v1 =	vand.u32 $0x1FC, v1  }
0x18b: {  	v0 =	vand.u32 $0x3, v0;
	v1 =	vor.u32 v2, v1  }
0x18c: {  	v0 =	vor.u32 v0, v1  }
0x18d: {  	[tilespmem:s11+$0x4B00] =	vst v0;
	s11 =	sshra.s32 s12, $0x2;
	s12 =	sadd.s32 $0x40, s12  }
0x18e: {  	v0 =	vld [tilespmem:s11+$0x4B00];
	_ =	sdelay $0x4  }
0x18f: {  	v1 =	vshll.u32 v0, $0x2  }
0x190: {  	v2 =	vand.u32 $0xFFFFFE00, v0;
	v0 =	vshrl.u32 v0, $0x7;
	v1 =	vand.u32 $0x1FC, v1  }
0x191: {  	v0 =	vand.u32 $0x3, v0;
	v1 =	vor.u32 v2, v1  }
0x192: {  	v0 =	vor.u32 v0, v1  }
0x193: {  	s12 =	simm.s32 $0x4B00;
	[tilespmem:s11+$0x4B00] =	vst v0  }
0x194: {  	[tilespmem:s1], [sflag:$0x2] =	stream.indirect.gather [hbm4b:s3+s29], $0x20, s12, s29, $0xb8;
	[tilespmem:$0x1AE00] =	vst v63  }
0x195: {  	s12 =	simm.s32 $0x0  }
0x196: {  	[tilespmem:s0], [sflag:$0x6] =	stream.linear.gather [hbm4b:s20+s12], $0x500, $0x38;
	[tilespmem:$0x1AE00] =	vst v63  }
0x197: {  	_ =	swait.ge [sflag:s2], $0xA000  }
0x198: {  	[sflag:s2] =	ssyncset.done $0x0  }
0x199: {  	[sflag:s2] =	ssyncadd.s32 $0xFFFF6000  }
0x19a: {  	_ =	swait.ge [sflag:s5], $0x500  }
0x19b: {  	[sflag:s5] =	ssyncset.done $0x0  }
0x19c: {  	[sflag:s5] =	ssyncadd.s32 $0xFFFFFB00  }
0x19d: {  	[hbm4b:s4+s29] =	stream.indirect.scatter [tilespmem:s30], [sflag:$0x3], $0x20, s31, s29, $0xb8;
	[tilespmem:$0x1AE00] =	vst v63  }
0x19e: {  	_ =	swait.ge [sflag:s6], $0xA000  }
0x19f: {  	[sflag:s6] =	ssyncset.done $0x0  }
0x1a0: {  	s11 =	simm.s32 $0x0;
	s12 =	simm.s32 $0x40;
	[sflag:s6] =	ssyncadd.s32 $0xFFFF6000  }
.LBB2_34:
0x1a1: {  	p0 =	sne.s32 s12, $0x13C0;
	v0 =	vld [tilespmem:s11+$0x5000];
	_ =	sdelay $0x4  }
.Ltmp16:
0x1a2: {  	v1 =	vshll.u32 v0, $0x2;
	(pc) =	sbr.rel @p0 .LBB2_34-.Ltmp16, $4  }
0x1a3: {  	v2 =	vand.u32 $0xFFFFFE00, v0;
	v0 =	vshrl.u32 v0, $0x7;
	v1 =	vand.u32 $0x1FC, v1  }
0x1a4: {  	v0 =	vand.u32 $0x3, v0;
	v1 =	vor.u32 v2, v1  }
0x1a5: {  	v0 =	vor.u32 v0, v1  }
0x1a6: {  	[tilespmem:s11+$0x5000] =	vst v0;
	s11 =	sshra.s32 s12, $0x2;
	s12 =	sadd.s32 $0x40, s12  }
0x1a7: {  	v0 =	vld [tilespmem:s11+$0x5000];
	_ =	sdelay $0x4  }
0x1a8: {  	v1 =	vshll.u32 v0, $0x2  }
0x1a9: {  	v2 =	vand.u32 $0xFFFFFE00, v0;
	v0 =	vshrl.u32 v0, $0x7;
	v1 =	vand.u32 $0x1FC, v1  }
0x1aa: {  	v0 =	vand.u32 $0x3, v0;
	v1 =	vor.u32 v2, v1  }
0x1ab: {  	v0 =	vor.u32 v0, v1  }
0x1ac: {  	s12 =	simm.s32 $0x5000;
	[tilespmem:s11+$0x5000] =	vst v0  }
0x1ad: {  	[tilespmem:s30], [sflag:$0x1] =	stream.indirect.gather [hbm4b:s3+s29], $0x20, s12, s29, $0xb8;
	[tilespmem:$0x1AE00] =	vst v63  }
0x1ae: {  	s12 =	simm.s32 $0x0  }
0x1af: {  	[tilespmem:s31], [sflag:$0x5] =	stream.linear.gather [hbm4b:s21+s12], $0x500, $0x38;
	[tilespmem:$0x1AE00] =	vst v63  }
0x1b0: {  	_ =	swait.ge [sflag:s7], $0xA000  }
0x1b1: {  	[sflag:s7] =	ssyncset.done $0x0  }
0x1b2: {  	[sflag:s7] =	ssyncadd.s32 $0xFFFF6000  }
0x1b3: {  	_ =	swait.ge [sflag:s8], $0x500  }
0x1b4: {  	[sflag:s8] =	ssyncset.done $0x0  }
0x1b5: {  	[sflag:s8] =	ssyncadd.s32 $0xFFFFFB00  }
0x1b6: {  	[hbm4b:s4+s29] =	stream.indirect.scatter [tilespmem:s1], [sflag:$0x4], $0x20, s0, s29, $0xb8;
	[tilespmem:$0x1AE00] =	vst v63  }
0x1b7: {  	_ =	swait.ge [sflag:s9], $0xA000  }
0x1b8: {  	[sflag:s9] =	ssyncset.done $0x0  }
0x1b9: {  	s11 =	simm.s32 $0x0;
	s12 =	simm.s32 $0x40;
	[sflag:s9] =	ssyncadd.s32 $0xFFFF6000  }
.LBB2_36:
0x1ba: {  	p0 =	sne.s32 s12, $0x13C0;
	v0 =	vld [tilespmem:s11+$0x5500];
	_ =	sdelay $0x4  }
.Ltmp17:
0x1bb: {  	v1 =	vshll.u32 v0, $0x2;
	(pc) =	sbr.rel @p0 .LBB2_36-.Ltmp17, $4  }
0x1bc: {  	v2 =	vand.u32 $0xFFFFFE00, v0;
	v0 =	vshrl.u32 v0, $0x7;
	v1 =	vand.u32 $0x1FC, v1  }
0x1bd: {  	v0 =	vand.u32 $0x3, v0;
	v1 =	vor.u32 v2, v1  }
0x1be: {  	v0 =	vor.u32 v0, v1  }
0x1bf: {  	[tilespmem:s11+$0x5500] =	vst v0;
	s11 =	sshra.s32 s12, $0x2;
	s12 =	sadd.s32 $0x40, s12  }
0x1c0: {  	v0 =	vld [tilespmem:s11+$0x5500];
	_ =	sdelay $0x4  }
0x1c1: {  	v1 =	vshll.u32 v0, $0x2  }
0x1c2: {  	v2 =	vand.u32 $0xFFFFFE00, v0;
	v0 =	vshrl.u32 v0, $0x7;
	v1 =	vand.u32 $0x1FC, v1  }
0x1c3: {  	v0 =	vand.u32 $0x3, v0;
	v1 =	vor.u32 v2, v1  }
0x1c4: {  	v0 =	vor.u32 v0, v1  }
0x1c5: {  	s12 =	simm.s32 $0x5500;
	[tilespmem:s11+$0x5500] =	vst v0  }
0x1c6: {  	[tilespmem:s1], [sflag:$0x2] =	stream.indirect.gather [hbm4b:s3+s29], $0x20, s12, s29, $0xb8;
	[tilespmem:$0x1AE00] =	vst v63  }
0x1c7: {  	s12 =	simm.s32 $0x0  }
0x1c8: {  	[tilespmem:s0], [sflag:$0x6] =	stream.linear.gather [hbm4b:s23+s12], $0x500, $0x38;
	[tilespmem:$0x1AE00] =	vst v63  }
0x1c9: {  	_ =	swait.ge [sflag:s2], $0xA000  }
0x1ca: {  	[sflag:s2] =	ssyncset.done $0x0  }
0x1cb: {  	[sflag:s2] =	ssyncadd.s32 $0xFFFF6000  }
0x1cc: {  	_ =	swait.ge [sflag:s5], $0x500  }
0x1cd: {  	[sflag:s5] =	ssyncset.done $0x0  }
0x1ce: {  	[sflag:s5] =	ssyncadd.s32 $0xFFFFFB00  }
0x1cf: {  	[hbm4b:s4+s29] =	stream.indirect.scatter [tilespmem:s30], [sflag:$0x3], $0x20, s31, s29, $0xb8;
	[tilespmem:$0x1AE00] =	vst v63  }
0x1d0: {  	_ =	swait.ge [sflag:s6], $0xA000  }
0x1d1: {  	[sflag:s6] =	ssyncset.done $0x0  }
0x1d2: {  	s11 =	simm.s32 $0x0;
	s12 =	simm.s32 $0x40;
	[sflag:s6] =	ssyncadd.s32 $0xFFFF6000  }
.LBB2_38:
0x1d3: {  	p0 =	sne.s32 s12, $0x13C0;
	v0 =	vld [tilespmem:s11+$0x5A00];
	_ =	sdelay $0x4  }
.Ltmp18:
0x1d4: {  	v1 =	vshll.u32 v0, $0x2;
	(pc) =	sbr.rel @p0 .LBB2_38-.Ltmp18, $4  }
0x1d5: {  	v2 =	vand.u32 $0xFFFFFE00, v0;
	v0 =	vshrl.u32 v0, $0x7;
	v1 =	vand.u32 $0x1FC, v1  }
0x1d6: {  	v0 =	vand.u32 $0x3, v0;
	v1 =	vor.u32 v2, v1  }
0x1d7: {  	v0 =	vor.u32 v0, v1  }
0x1d8: {  	[tilespmem:s11+$0x5A00] =	vst v0;
	s11 =	sshra.s32 s12, $0x2;
	s12 =	sadd.s32 $0x40, s12  }
0x1d9: {  	v0 =	vld [tilespmem:s11+$0x5A00];
	_ =	sdelay $0x4  }
0x1da: {  	v1 =	vshll.u32 v0, $0x2  }
0x1db: {  	v2 =	vand.u32 $0xFFFFFE00, v0;
	v0 =	vshrl.u32 v0, $0x7;
	v1 =	vand.u32 $0x1FC, v1  }
0x1dc: {  	v0 =	vand.u32 $0x3, v0;
	v1 =	vor.u32 v2, v1  }
0x1dd: {  	v0 =	vor.u32 v0, v1  }
0x1de: {  	s12 =	simm.s32 $0x5A00;
	[tilespmem:s11+$0x5A00] =	vst v0  }
0x1df: {  	[tilespmem:s30], [sflag:$0x1] =	stream.indirect.gather [hbm4b:s3+s29], $0x20, s12, s29, $0xb8;
	[tilespmem:$0x1AE00] =	vst v63  }
0x1e0: {  	s12 =	simm.s32 $0x0  }
0x1e1: {  	[tilespmem:s31], [sflag:$0x5] =	stream.linear.gather [hbm4b:s24+s12], $0x500, $0x38;
	[tilespmem:$0x1AE00] =	vst v63  }
0x1e2: {  	_ =	swait.ge [sflag:s7], $0xA000  }
0x1e3: {  	[sflag:s7] =	ssyncset.done $0x0  }
0x1e4: {  	[sflag:s7] =	ssyncadd.s32 $0xFFFF6000  }
0x1e5: {  	_ =	swait.ge [sflag:s8], $0x500  }
0x1e6: {  	[sflag:s8] =	ssyncset.done $0x0  }
0x1e7: {  	[sflag:s8] =	ssyncadd.s32 $0xFFFFFB00  }
0x1e8: {  	[hbm4b:s4+s29] =	stream.indirect.scatter [tilespmem:s1], [sflag:$0x4], $0x20, s0, s29, $0xb8;
	[tilespmem:$0x1AE00] =	vst v63  }
0x1e9: {  	_ =	swait.ge [sflag:s9], $0xA000  }
0x1ea: {  	[sflag:s9] =	ssyncset.done $0x0  }
0x1eb: {  	s11 =	simm.s32 $0x0;
	s12 =	simm.s32 $0x40;
	[sflag:s9] =	ssyncadd.s32 $0xFFFF6000  }
.LBB2_40:
0x1ec: {  	p0 =	sne.s32 s12, $0x13C0;
	v0 =	vld [tilespmem:s11+$0x5F00];
	_ =	sdelay $0x4  }
.Ltmp19:
0x1ed: {  	v1 =	vshll.u32 v0, $0x2;
	(pc) =	sbr.rel @p0 .LBB2_40-.Ltmp19, $4  }
0x1ee: {  	v2 =	vand.u32 $0xFFFFFE00, v0;
	v0 =	vshrl.u32 v0, $0x7;
	v1 =	vand.u32 $0x1FC, v1  }
0x1ef: {  	v0 =	vand.u32 $0x3, v0;
	v1 =	vor.u32 v2, v1  }
0x1f0: {  	v0 =	vor.u32 v0, v1  }
0x1f1: {  	[tilespmem:s11+$0x5F00] =	vst v0;
	s11 =	sshra.s32 s12, $0x2;
	s12 =	sadd.s32 $0x40, s12  }
0x1f2: {  	v0 =	vld [tilespmem:s11+$0x5F00];
	_ =	sdelay $0x4  }
0x1f3: {  	v1 =	vshll.u32 v0, $0x2  }
0x1f4: {  	v2 =	vand.u32 $0xFFFFFE00, v0;
	v0 =	vshrl.u32 v0, $0x7;
	v1 =	vand.u32 $0x1FC, v1  }
0x1f5: {  	v0 =	vand.u32 $0x3, v0;
	v1 =	vor.u32 v2, v1  }
0x1f6: {  	v0 =	vor.u32 v0, v1  }
0x1f7: {  	s12 =	simm.s32 $0x5F00;
	[tilespmem:s11+$0x5F00] =	vst v0  }
0x1f8: {  	[tilespmem:s1], [sflag:$0x2] =	stream.indirect.gather [hbm4b:s3+s29], $0x20, s12, s29, $0xb8;
	[tilespmem:$0x1AE00] =	vst v63  }
0x1f9: {  	s11 =	simm.s32 $0x0  }
0x1fa: {  	[tilespmem:s0], [sflag:$0x6] =	stream.linear.gather [hbm4b:s25+s11], $0x500, $0x38;
	[tilespmem:$0x1AE00] =	vst v63  }
0x1fb: {  	_ =	swait.ge [sflag:s2], $0xA000  }
0x1fc: {  	[sflag:s2] =	ssyncset.done $0x0  }
0x1fd: {  	[sflag:s2] =	ssyncadd.s32 $0xFFFF6000  }
0x1fe: {  	_ =	swait.ge [sflag:s5], $0x500  }
0x1ff: {  	[sflag:s5] =	ssyncset.done $0x0  }
0x200: {  	[sflag:s5] =	ssyncadd.s32 $0xFFFFFB00  }
0x201: {  	[hbm4b:s4+s29] =	stream.indirect.scatter [tilespmem:s30], [sflag:$0x3], $0x20, s31, s29, $0xb8;
	[tilespmem:$0x1AE00] =	vst v63  }
0x202: {  	_ =	swait.ge [sflag:s7], $0xA000  }
0x203: {  	[sflag:s7] =	ssyncset.done $0x0  }
0x204: {  	[sflag:s7] =	ssyncadd.s32 $0xFFFF6000  }
0x205: {  	_ =	swait.ge [sflag:s8], $0x500  }
0x206: {  	[sflag:s8] =	ssyncset.done $0x0  }
0x207: {  	s10 =	sadd.s32 $0x1, s10;
	[sflag:s8] =	ssyncadd.s32 $0xFFFFFB00  }
0x208: {  	[hbm4b:s4+s29] =	stream.indirect.scatter [tilespmem:s1], [sflag:$0x4], $0x20, s0, s29, $0xb8;
	[tilespmem:$0x1AE00] =	vst v63  }
0x209: {  	p0 =	sne.s32 s10, s26;
	_ =	swait.ge [sflag:s6], $0xA000  }
.Ltmp20:
0x20a: {  	[sflag:s6] =	ssyncset.done $0x0;
	(pc) =	sbr.rel @p0 .LBB2_1-.Ltmp20, $4  }
0x20b: {  	[sflag:s6] =	ssyncadd.s32 $0xFFFF6000  }
0x20c: {  	_ =	swait.ge [sflag:s9], $0xA000  }
0x20d: {  	[sflag:s9] =	ssyncset.done $0x0  }
0x20e: {  	[sflag:s9] =	ssyncadd.s32 $0xFFFF6000  }
0x20f: {  	_ =	sfence.sel $0x180000  }
0x210: {  	[bflag:$0x0] =	sbarrier.arrive $0xFFFF  }
0x211: {  	_ =	strace $0x90000047  }
0x212: {  	s0 =	stileid.u32;
	[bflag:$0x2] =	sbarrier.arrive $0xFFFF  }
0x213: {  	p0 =	sne.s32 s0, $0x0;
	s0 =	rddreg [dreg:$0x2]  }
0x214: {  	s0 =	sadd.s32 @!p0 $0x100000, s0  }
0x215: {  	[sflag:s0] =	ssyncadd.tile.s32 @!p0 $0x1;
	_ =	shalt  }
.Lfunc_end2:
_tile_overlayer_lowered:
.L_overlay_start_2:
0x216: {  	(tag) =	ssettag $0x2  }
0x217: {  	s0 =	rddreg [dreg:$0x0];
	s2 =	stileid.u32  }
0x218: {  	s1 =	rddreg [dreg:$0x1];
	p0 =	sne.s32 s2, $0x0  }
0x219: {  	s3 =	rddreg [dreg:$0x2];
	[bflag:$0x3] =	sbarrier.arrive $0xFFFF;
	s2 =	simm.s32 @!p0 $0x1C07  }
0x21a: {  	[timem:s3], [sflag:s2] =	dma.local @!p0 [hbm:s0], s1  }
0x21b: {  	s0 =	simm.s32 @!p0 $0x7  }
0x21c: {  	_ =	swait.ge @!p0 [sflag:s0], s1  }
0x21d: {  	s1 =	ssub.s32 @!p0 $0x0, s1;
	[sflag:s0] =	ssyncset.done @!p0 $0x0  }
0x21e: {  	[sflag:s0] =	ssyncadd.s32 @!p0 s1  }
0x21f: {  	[bflag:$0x3] =	sbarrier.arrive $0xFFFF  }
0x220: {  	_ =	shalt  }

</sc_bundles>
